<compile_context>
chip_gen: v7x
topology: tpu7x:2x2x1
jax: 0.10.2.dev20260603
libtpu: 0.0.44.dev20260713+nightly
codegen_flags: <defaults>
</compile_context>

<pallas_src>
import functools

import jax
import jax.numpy as jnp
from jax import lax
from jax.experimental import pallas as pl
from jax.experimental.pallas import tpu as pltpu
from jax.experimental.pallas import tpu_sc as plsc

_N = 100000
_HIST = 12
_HID = 16
_GRU_H = 32

_NC, _NS, _L = 2, 16, 16
_NW = _NC * _NS
_EPW = 51200
_E_PAD = _NW * _EPW
_CHUNK = 1024
_NCHUNK = _EPW // _CHUNK
_NPAIR = _NCHUNK // 2
_CROWS = _CHUNK // 128
_N_PAD = 100352
_STRIPE = _N_PAD // _NS
_BLK = 2048


@functools.lru_cache(maxsize=1)
def _sc_kernels():
    mesh = plsc.VectorSubcoreMesh(core_axis_name="c", subcore_axis_name="s")
    cparams = pltpu.CompilerParams(needs_layout_passes=False)

    deg = functools.partial(
        pl.kernel,
        out_type=jax.ShapeDtypeStruct((_NC, _N_PAD), jnp.float32),
        mesh=mesh,
        compiler_params=cparams,
        scratch_types=[
            pltpu.VMEM((2 * _CROWS, 128), jnp.int32),
            pltpu.VMEM((2 * _CROWS, 128), jnp.int32),
            pltpu.VMEM((128,), jnp.float32),
            pltpu.VMEM((_CHUNK,), jnp.float32),
            pltpu.VMEM((_CHUNK,), jnp.float32),
            pltpu.VMEM_SHARED((_N_PAD,), jnp.float32),
            pltpu.SemaphoreType.DMA,
            pltpu.SemaphoreType.DMA,
            pltpu.SemaphoreType.DMA,
            pltpu.SemaphoreType.DMA,
        ],
    )(_deg_body)
    pipe_scratch = [
        pltpu.VMEM((_N_PAD,), jnp.float32),
        pltpu.VMEM((2 * _CROWS, 128), jnp.int32),
        pltpu.VMEM((2 * _CROWS, 128), jnp.int32),
        pltpu.VMEM((_CHUNK,), jnp.float32),
        pltpu.VMEM((_CHUNK,), jnp.float32),
        pltpu.VMEM_SHARED((_N_PAD,), jnp.float32),
        pltpu.SemaphoreType.DMA,
        pltpu.SemaphoreType.DMA,
        pltpu.SemaphoreType.DMA,
        pltpu.SemaphoreType.DMA,
        pltpu.SemaphoreType.DMA,
    ]
    wide = functools.partial(
        pl.kernel,
        out_type=jax.ShapeDtypeStruct((_NC, _HIST, _N_PAD), jnp.float32),
        mesh=mesh,
        compiler_params=cparams,
        scratch_types=pipe_scratch,
    )(_wide_body)
    scal = functools.partial(
        pl.kernel,
        out_type=jax.ShapeDtypeStruct((_NC, _N_PAD), jnp.float32),
        mesh=mesh,
        compiler_params=cparams,
        scratch_types=pipe_scratch,
    )(_scalar_body)
    return deg, wide, scal


def _deg_body(cidx_hbm, zeros_hbm, out_hbm, cbuf0, cbuf1, ones_v,
              vals0, vals1, acc_sh, isem0, isem1, ssem0, ssem1):
    c = lax.axis_index("c")
    s = lax.axis_index("s")
    wid = s * _NC + c
    sl = pl.ds(s * _STRIPE, _STRIPE)
    blk0 = wid * _NCHUNK
    cbuf, vbuf = (cbuf0, cbuf1), (vals0, vals1)
    isem, ssem = (isem0, isem1), (ssem0, ssem1)
    for i in range(128 // _L):
        ones_v[pl.ds(i * _L, _L)] = jnp.ones((_L,), jnp.float32)
    pltpu.sync_copy(zeros_hbm.at[sl], acc_sh.at[sl])
    _prime(cidx_hbm, blk0, cbuf, isem)
    plsc.subcore_barrier()

    def pair(p, carry):
        for b in range(2):
            pltpu.make_async_copy(cidx_hbm.at[blk0], cbuf[b],
                                  isem[b]).wait()
            for j in range(_CROWS):
                pltpu.async_copy(ones_v, acc_sh.at[cbuf[b].at[_CROWS + j]],
                                 ssem[b], add=True)
            pltpu.make_async_copy(zeros_hbm.at[pl.ds(0, _CHUNK)],
                                  vbuf[b], ssem[b]).wait()

            @pl.when(p < _NPAIR - 1)
            def _():
                pltpu.async_copy(cidx_hbm.at[blk0 + 2 * p + b + 2],
                                 cbuf[b], isem[b])
        return carry

    lax.fori_loop(0, _NPAIR, pair, 0)
    plsc.subcore_barrier()
    pltpu.sync_copy(acc_sh.at[sl], out_hbm.at[c, sl])


def _prime(cidx_hbm, blk0, cbuf, isem):
    for b in range(2):
        pltpu.async_copy(cidx_hbm.at[blk0 + b], cbuf[b], isem[b])


def _edge_pass(cidx_hbm, zeros_hbm, tab_v, acc_sh, blk0, cbuf, vbuf,
               isem, ssem):

    def pair(p, carry):
        for b in range(2):
            pltpu.make_async_copy(cidx_hbm.at[blk0], cbuf[b],
                                  isem[b]).wait()
            cb, vb = cbuf[b], vbuf[b]

            @plsc.parallel_loop(0, _CHUNK, _L, unroll=16)
            def _gather(i):
                idx = cb[i // 128, pl.ds(lax.rem(i, 128), _L)]
                vb[pl.ds(i, _L)] = plsc.load_gather(tab_v, [idx])
            for j in range(_CROWS):
                pltpu.async_copy(vbuf[b].at[pl.ds(j * 128, 128)],
                                 acc_sh.at[cbuf[b].at[_CROWS + j]],
                                 ssem[b], add=True)
            pltpu.make_async_copy(zeros_hbm.at[pl.ds(0, _CHUNK)],
                                  vbuf[b], ssem[b]).wait()

            @pl.when(p < _NPAIR - 1)
            def _():
                pltpu.async_copy(cidx_hbm.at[blk0 + 2 * p + b + 2],
                                 cbuf[b], isem[b])
        return carry

    lax.fori_loop(0, _NPAIR, pair, 0)


def _wide_body(cidx_hbm, ut_hbm, zeros_hbm, out_hbm,
               tab_v, cbuf0, cbuf1, vals0, vals1, acc_sh,
               isem0, isem1, ssem0, ssem1, tsem):
    c = lax.axis_index("c")
    s = lax.axis_index("s")
    wid = s * _NC + c
    sl = pl.ds(s * _STRIPE, _STRIPE)
    blk0 = wid * _NCHUNK
    cbuf, vbuf = (cbuf0, cbuf1), (vals0, vals1)
    isem, ssem = (isem0, isem1), (ssem0, ssem1)
    pltpu.async_copy(ut_hbm.at[0], tab_v, tsem)

    def col(t, carry):
        pltpu.sync_copy(zeros_hbm.at[sl], acc_sh.at[sl])
        _prime(cidx_hbm, blk0, cbuf, isem)
        pltpu.make_async_copy(ut_hbm.at[t], tab_v, tsem).wait()
        plsc.subcore_barrier()
        _edge_pass(cidx_hbm, zeros_hbm, tab_v, acc_sh, blk0, cbuf, vbuf,
                   isem, ssem)
        plsc.subcore_barrier()

        @pl.when(t < _HIST - 1)
        def _():
            pltpu.async_copy(ut_hbm.at[t + 1], tab_v, tsem)

        pltpu.sync_copy(acc_sh.at[sl], out_hbm.at[c, t, sl])
        return carry

    lax.fori_loop(0, _HIST, col, 0)


def _scalar_body(cidx_hbm, v_hbm, zeros_hbm, out_hbm,
                 vt_v, cbuf0, cbuf1, vals0, vals1, acc_sh,
                 isem0, isem1, ssem0, ssem1, tsem):
    c = lax.axis_index("c")
    s = lax.axis_index("s")
    wid = s * _NC + c
    sl = pl.ds(s * _STRIPE, _STRIPE)
    blk0 = wid * _NCHUNK
    cbuf, vbuf = (cbuf0, cbuf1), (vals0, vals1)
    isem, ssem = (isem0, isem1), (ssem0, ssem1)
    pltpu.async_copy(v_hbm, vt_v, tsem)
    pltpu.sync_copy(zeros_hbm.at[sl], acc_sh.at[sl])
    _prime(cidx_hbm, blk0, cbuf, isem)
    pltpu.make_async_copy(v_hbm, vt_v, tsem).wait()
    plsc.subcore_barrier()
    _edge_pass(cidx_hbm, zeros_hbm, vt_v, acc_sh, blk0, cbuf, vbuf,
               isem, ssem)
    plsc.subcore_barrier()
    pltpu.sync_copy(acc_sh.at[sl], out_hbm.at[c, sl])



def _prep_body(p_ref, xt_ref, u_ref, d_ref):
    deg = p_ref[0:1, :] + p_ref[1:2, :] + 1.0
    dd = lax.rsqrt(deg)
    d_ref[...] = dd
    u_ref[...] = dd * xt_ref[...]


def _prep(p, xt):
    grid = (_N_PAD // _BLK,)
    return pl.pallas_call(
        _prep_body,
        grid=grid,
        in_specs=[
            pl.BlockSpec((_NC, _BLK), lambda i: (0, i)),
            pl.BlockSpec((_HIST, _BLK), lambda i: (0, i)),
        ],
        out_specs=[
            pl.BlockSpec((_HIST, _BLK), lambda i: (0, i)),
            pl.BlockSpec((1, _BLK), lambda i: (0, i)),
        ],
        out_shape=[
            jax.ShapeDtypeStruct((_HIST, _N_PAD), jnp.float32),
            jax.ShapeDtypeStruct((1, _N_PAD), jnp.float32),
        ],
    )(p, xt)


def _gru_body(sp_ref, u_ref, d_ref, w1_ref, b1_ref, wih_ref,
              whh_ref, bih_ref, bhh_ref, w2_ref, v_ref):
    d = d_ref[...]
    agg = d * (sp_ref[0] + sp_ref[1] + u_ref[...])
    w1 = w1_ref[...]
    b1 = b1_ref[...]
    wih = wih_ref[...]
    whh = whh_ref[...]
    bih = bih_ref[...]
    bhh = bhh_ref[...]
    h = jnp.zeros((_GRU_H, _BLK), jnp.float32)
    for t in range(_HIST):
        a = agg[t:t + 1, :]
        ht = jnp.maximum(w1 * a + b1, 0.0)
        gi = jnp.dot(wih, ht, preferred_element_type=jnp.float32) + bih
        gh = jnp.dot(whh, h, preferred_element_type=jnp.float32) + bhh
        r = jax.nn.sigmoid(gi[0:32, :] + gh[0:32, :])
        z = jax.nn.sigmoid(gi[32:64, :] + gh[32:64, :])
        n = jnp.tanh(gi[64:96, :] + r * gh[64:96, :])
        h = (1.0 - z) * n + z * h
    y = jnp.dot(w2_ref[...], h, preferred_element_type=jnp.float32)
    v_ref[...] = d * y


def _gru_dense(sp, u, d, w1t, b1c, wih, whh, bihc, bhhc, w2t):
    grid = (_N_PAD // _BLK,)
    full = lambda shape: pl.BlockSpec(shape, lambda i: tuple(0 for _ in shape))
    return pl.pallas_call(
        _gru_body,
        grid=grid,
        in_specs=[
            pl.BlockSpec((_NC, _HIST, _BLK), lambda i: (0, 0, i)),
            pl.BlockSpec((_HIST, _BLK), lambda i: (0, i)),
            pl.BlockSpec((1, _BLK), lambda i: (0, i)),
            full((_HID, 1)),
            full((_HID, 1)),
            full((3 * _GRU_H, _HID)),
            full((3 * _GRU_H, _GRU_H)),
            full((3 * _GRU_H, 1)),
            full((3 * _GRU_H, 1)),
            full((1, _GRU_H)),
        ],
        out_specs=pl.BlockSpec((1, _BLK), lambda i: (0, i)),
        out_shape=jax.ShapeDtypeStruct((1, _N_PAD), jnp.float32),
    )(sp, u, d, w1t, b1c, wih, whh, bihc, bhhc, w2t)


def _final_body(sy_ref, v_ref, d_ref, b2_ref, o_ref):
    o_ref[...] = (d_ref[...] * (sy_ref[0:1, :] + sy_ref[1:2, :] + v_ref[...])
                  + b2_ref[...])


def _final(sy, v, d, b2):
    grid = (_N_PAD // _BLK,)
    spec = pl.BlockSpec((1, _BLK), lambda i: (0, i))
    return pl.pallas_call(
        _final_body,
        grid=grid,
        in_specs=[pl.BlockSpec((_NC, _BLK), lambda i: (0, i)), spec, spec,
                  pl.BlockSpec((1, 1), lambda i: (0, 0))],
        out_specs=spec,
        out_shape=jax.ShapeDtypeStruct((1, _N_PAD), jnp.float32),
    )(sy, v, d, b2)



def kernel(x, edge_index, W1, b1, W_ih, W_hh, b_ih, b_hh, W2, b2):
    src = edge_index[0]
    dst = edge_index[1]
    e = src.shape[0]
    fill = jnp.full((_E_PAD - e,), _N, jnp.int32)
    src4 = jnp.concatenate([src, fill]).reshape(_NW, _NCHUNK, _CROWS, 128)
    dst4 = jnp.concatenate([dst, fill]).reshape(_NW, _NCHUNK, _CROWS, 128)
    cidx = jnp.concatenate([src4, dst4], axis=2)
    cidx = cidx.reshape(_NW * _NCHUNK, 2 * _CROWS, 128)
    xt = jnp.pad(x.T, ((0, 0), (0, _N_PAD - _N)))
    z1 = jnp.zeros((_N_PAD,), jnp.float32)

    deg_k, wide_k, scal_k = _sc_kernels()
    degp = deg_k(cidx, z1)
    u, d = _prep(degp, xt)
    sp = wide_k(cidx, u, z1)
    v = _gru_dense(
        sp, u, d, W1.T, b1[:, None], W_ih, W_hh,
        b_ih[:, None], b_hh[:, None], W2.T,
    )
    syp = scal_k(cidx, v[0], z1)
    out = _final(syp, v, d, b2[None, :])
    return out[0, :_N]

# --- scband reference (transcript-rebuilt; emitter-appended) ---
"""Pipeline reference for scband-tgcn-7782480740666 (READ-ONLY COPY).

The authoritative reference and input builder live on the scoring server;
editing this copy changes nothing except your own understanding.
"""

import jax, jax.numpy as jnp
import numpy as np

N_NODES = 100000
N_EDGES = 1600000
HISTORY = 12
HID = 16
GRU_H = 32
STRIDE = 1


def setup_inputs(seed: int = 0):
    key = jax.random.key(seed)
    ks = jax.random.split(key, 12)
    x = jax.random.normal(ks[0], (N_NODES, HISTORY), dtype=jnp.float32)
    edge_index = jax.random.randint(ks[1], (2, N_EDGES), 0, N_NODES, dtype=jnp.int32)
    W1 = jax.random.normal(ks[2], (1, HID), dtype=jnp.float32) * 0.5
    b1 = jax.random.normal(ks[3], (HID,), dtype=jnp.float32) * 0.1
    W_ih = jax.random.normal(ks[4], (3 * GRU_H, HID), dtype=jnp.float32) * (1.0 / np.sqrt(HID))
    W_hh = jax.random.normal(ks[5], (3 * GRU_H, GRU_H), dtype=jnp.float32) * (1.0 / np.sqrt(GRU_H))
    b_ih = jax.random.normal(ks[6], (3 * GRU_H,), dtype=jnp.float32) * 0.1
    b_hh = jax.random.normal(ks[7], (3 * GRU_H,), dtype=jnp.float32) * 0.1
    W2 = jax.random.normal(ks[8], (GRU_H, 1), dtype=jnp.float32) * (1.0 / np.sqrt(GRU_H))
    b2 = jax.random.normal(ks[9], (1,), dtype=jnp.float32) * 0.1
    return {"x": x, "edge_index": edge_index, "W1": W1, "b1": b1, "W_ih": W_ih, "W_hh": W_hh, "b_ih": b_ih, "b_hh": b_hh, "W2": W2, "b2": b2}


def gcn_conv(x, edge_index, W, b):
    # GCNConv with added self-loops and symmetric normalization:
    # out = D^{-1/2} (A + I) D^{-1/2} X W + b
    N = x.shape[0]
    loops = jnp.arange(N, dtype=edge_index.dtype)
    src = jnp.concatenate([edge_index[0], loops])
    dst = jnp.concatenate([edge_index[1], loops])
    deg = jnp.zeros((N,), dtype=x.dtype).at[dst].add(1.0)
    dis = jnp.where(deg > 0, jax.lax.rsqrt(jnp.maximum(deg, 1e-12)), 0.0)
    norm = dis[src] * dis[dst]
    xw = x @ W
    msg = xw[src] * norm[:, None]
    out = jnp.zeros((N, W.shape[1]), dtype=x.dtype).at[dst].add(msg)
    return out + b


def gru_cell(xt, h, W_ih, W_hh, b_ih, b_hh):
    gi = xt @ W_ih.T + b_ih
    gh = h @ W_hh.T + b_hh
    i_r, i_z, i_n = jnp.split(gi, 3, axis=1)
    h_r, h_z, h_n = jnp.split(gh, 3, axis=1)
    r = jax.nn.sigmoid(i_r + h_r)
    z = jax.nn.sigmoid(i_z + h_z)
    n = jnp.tanh(i_n + r * h_n)
    return (1.0 - z) * n + z * h


def reference(x, edge_index, W1, b1, W_ih, W_hh, b_ih, b_hh, W2, b2):
    N, history = x.shape
    h = jnp.zeros((N, GRU_H), dtype=x.dtype)
    for t in range(0, history, STRIDE):
        xt = x[:, t:t + 1]
        ht = jax.nn.relu(gcn_conv(xt, edge_index, W1, b1))
        h = gru_cell(ht, h, W_ih, W_hh, b_ih, b_hh)
    # dropout is identity in eval mode
    out = gcn_conv(h, edge_index, W2, b2)
    return out.squeeze(-1)

if __name__ == "__main__":
    import jax
    _d = setup_inputs()
    print(jax.jit(kernel)(*tuple(_d.values())))

</pallas_src>

<mosaic_0001>
#map = affine_map<(d0, d1) -> (0, 0, 0)>
#map1 = affine_map<(d0, d1) -> (0)>
#map2 = affine_map<(d0, d1) -> (0, 0)>
module attributes {stable_mosaic.version = 14 : i64} {
  func.func @_deg_body(%arg0: i32, %arg1: i32, %arg2: memref<1600x16x128xi32, #tpu.memory_space<hbm>>, %arg3: memref<100352xf32, #tpu.memory_space<hbm>>, %arg4: memref<2x100352xf32, #tpu.memory_space<hbm>>, %arg5: memref<16x128xi32, #tpu.memory_space<vmem>>, %arg6: memref<16x128xi32, #tpu.memory_space<vmem>>, %arg7: memref<128xf32, #tpu.memory_space<vmem>>, %arg8: memref<1024xf32, #tpu.memory_space<vmem>>, %arg9: memref<1024xf32, #tpu.memory_space<vmem>>, %arg10: memref<100352xf32, #tpu.memory_space<vmem_shared>>, %arg11: memref<!tpu.dma_semaphore, #tpu.memory_space<semaphore_mem>>, %arg12: memref<!tpu.dma_semaphore, #tpu.memory_space<semaphore_mem>>, %arg13: memref<!tpu.dma_semaphore, #tpu.memory_space<semaphore_mem>>, %arg14: memref<!tpu.dma_semaphore, #tpu.memory_space<semaphore_mem>>) attributes {dimension_semantics = [#tpu.dimension_semantics<core_parallel>, #tpu.dimension_semantics<subcore_parallel>], iteration_bounds = array<i64: 2, 16>, scalar_prefetch = 0 : i64, scratch_operands = 10 : i64, tpu.core_type = #tpu.core_type<sc_vector_subcore>, window_params = [{transform_indices = #map}, {transform_indices = #map1}, {transform_indices = #map2}]} {
    %mul3A = arith.constant 2 : i32
    %mul3A_0 = arith.muli %arg1, %mul3A : i32
    %add3A = arith.addi %mul3A_0, %arg0 : i32
    %mul3A_1 = arith.constant 6272 : i32
    %mul3A_2 = arith.muli %arg1, %mul3A_1 : i32
    %mul3A_3 = arith.constant 50 : i32
    %mul3A_4 = arith.muli %add3A, %mul3A_3 : i32
    %broadcast_in_dim3A = arith.constant 1.000000e+00 : f32
    %broadcast_in_dim3A_5 = vector.broadcast %broadcast_in_dim3A : f32 to vector<16xf32>
    %swap3A = arith.constant 0 : index
    %swap3A_6 = tpu.vector_load %arg7[%swap3A] {strides = array<i32>} : memref<128xf32, #tpu.memory_space<vmem>>, vector<16xf32>,
    tpu.vector_store %arg7[%swap3A], %broadcast_in_dim3A_5 {strides = array<i32>} : memref<128xf32, #tpu.memory_space<vmem>>, vector<16xf32>,
    %broadcast_in_dim3A_7 = arith.constant 1.000000e+00 : f32
    %broadcast_in_dim3A_8 = vector.broadcast %broadcast_in_dim3A_7 : f32 to vector<16xf32>
    %swap3A_9 = arith.constant 16 : index
    %swap3A_10 = tpu.vector_load %arg7[%swap3A_9] {strides = array<i32>} : memref<128xf32, #tpu.memory_space<vmem>>, vector<16xf32>,
    tpu.vector_store %arg7[%swap3A_9], %broadcast_in_dim3A_8 {strides = array<i32>} : memref<128xf32, #tpu.memory_space<vmem>>, vector<16xf32>,
    %broadcast_in_dim3A_11 = arith.constant 1.000000e+00 : f32
    %broadcast_in_dim3A_12 = vector.broadcast %broadcast_in_dim3A_11 : f32 to vector<16xf32>
    %swap3A_13 = arith.constant 32 : index
    %swap3A_14 = tpu.vector_load %arg7[%swap3A_13] {strides = array<i32>} : memref<128xf32, #tpu.memory_space<vmem>>, vector<16xf32>,
    tpu.vector_store %arg7[%swap3A_13], %broadcast_in_dim3A_12 {strides = array<i32>} : memref<128xf32, #tpu.memory_space<vmem>>, vector<16xf32>,
    %broadcast_in_dim3A_15 = arith.constant 1.000000e+00 : f32
    %broadcast_in_dim3A_16 = vector.broadcast %broadcast_in_dim3A_15 : f32 to vector<16xf32>
    %swap3A_17 = arith.constant 48 : index
    %swap3A_18 = tpu.vector_load %arg7[%swap3A_17] {strides = array<i32>} : memref<128xf32, #tpu.memory_space<vmem>>, vector<16xf32>,
    tpu.vector_store %arg7[%swap3A_17], %broadcast_in_dim3A_16 {strides = array<i32>} : memref<128xf32, #tpu.memory_space<vmem>>, vector<16xf32>,
    %broadcast_in_dim3A_19 = arith.constant 1.000000e+00 : f32
    %broadcast_in_dim3A_20 = vector.broadcast %broadcast_in_dim3A_19 : f32 to vector<16xf32>
    %swap3A_21 = arith.constant 64 : index
    %swap3A_22 = tpu.vector_load %arg7[%swap3A_21] {strides = array<i32>} : memref<128xf32, #tpu.memory_space<vmem>>, vector<16xf32>,
    tpu.vector_store %arg7[%swap3A_21], %broadcast_in_dim3A_20 {strides = array<i32>} : memref<128xf32, #tpu.memory_space<vmem>>, vector<16xf32>,
    %broadcast_in_dim3A_23 = arith.constant 1.000000e+00 : f32
    %broadcast_in_dim3A_24 = vector.broadcast %broadcast_in_dim3A_23 : f32 to vector<16xf32>
    %swap3A_25 = arith.constant 80 : index
    %swap3A_26 = tpu.vector_load %arg7[%swap3A_25] {strides = array<i32>} : memref<128xf32, #tpu.memory_space<vmem>>, vector<16xf32>,
    tpu.vector_store %arg7[%swap3A_25], %broadcast_in_dim3A_24 {strides = array<i32>} : memref<128xf32, #tpu.memory_space<vmem>>, vector<16xf32>,
    %broadcast_in_dim3A_27 = arith.constant 1.000000e+00 : f32
    %broadcast_in_dim3A_28 = vector.broadcast %broadcast_in_dim3A_27 : f32 to vector<16xf32>
    %swap3A_29 = arith.constant 96 : index
    %swap3A_30 = tpu.vector_load %arg7[%swap3A_29] {strides = array<i32>} : memref<128xf32, #tpu.memory_space<vmem>>, vector<16xf32>,
    tpu.vector_store %arg7[%swap3A_29], %broadcast_in_dim3A_28 {strides = array<i32>} : memref<128xf32, #tpu.memory_space<vmem>>, vector<16xf32>,
    %broadcast_in_dim3A_31 = arith.constant 1.000000e+00 : f32
    %broadcast_in_dim3A_32 = vector.broadcast %broadcast_in_dim3A_31 : f32 to vector<16xf32>
    %swap3A_33 = arith.constant 112 : index
    %swap3A_34 = tpu.vector_load %arg7[%swap3A_33] {strides = array<i32>} : memref<128xf32, #tpu.memory_space<vmem>>, vector<16xf32>,
    tpu.vector_store %arg7[%swap3A_33], %broadcast_in_dim3A_32 {strides = array<i32>} : memref<128xf32, #tpu.memory_space<vmem>>, vector<16xf32>,
    "tpu.region"() ({
      %run_scoped3A = tpu.sem_alloc : memref<!tpu.dma_semaphore, #tpu.memory_space<semaphore_mem>>
      %dma_start3A_60 = tpu.memref_slice %arg10[%mul3A_2] : memref<100352xf32, #tpu.memory_space<vmem_shared>> -> memref<6272xf32, #tpu.memory_space<vmem_shared>>
      %dma_start3A_61 = tpu.memref_slice %arg3[%mul3A_2] : memref<100352xf32, #tpu.memory_space<hbm>> -> memref<6272xf32, #tpu.memory_space<hbm>>
      tpu.enqueue_dma source(%dma_start3A_61 : memref<6272xf32, #tpu.memory_space<hbm>>) target(%dma_start3A_60 : memref<6272xf32, #tpu.memory_space<vmem_shared>>) target_semaphore(%run_scoped3A : memref<!tpu.dma_semaphore, #tpu.memory_space<semaphore_mem>>)
      %dma_wait3A = tpu.memref_slice %arg10[%mul3A_2] : memref<100352xf32, #tpu.memory_space<vmem_shared>> -> memref<6272xf32, #tpu.memory_space<vmem_shared>>
      %dma_wait3A_62 = tpu.memref_slice %arg3[%mul3A_2] : memref<100352xf32, #tpu.memory_space<hbm>> -> memref<6272xf32, #tpu.memory_space<hbm>>
      tpu.wait_dma2 semaphore(%run_scoped3A : memref<!tpu.dma_semaphore, #tpu.memory_space<semaphore_mem>>) src(%dma_wait3A_62 : memref<6272xf32, #tpu.memory_space<hbm>>) dst(%dma_wait3A : memref<6272xf32, #tpu.memory_space<vmem_shared>>)
      tpu.yield
    }) : () -> ()
    %add3A_35 = arith.constant 0 : i32
    %add3A_36 = arith.addi %mul3A_4, %add3A_35 : i32
    %dma_start3A = arith.constant 0 : i32
    %dma_start3A_37 = arith.constant 0 : i32
    %dma_start3A_38 = tpu.memref_slice %arg2[%add3A_36, %dma_start3A, %dma_start3A_37] : memref<1600x16x128xi32, #tpu.memory_space<hbm>> -> memref<1x16x128xi32, #tpu.memory_space<hbm>>
    %dma_start3A_39 = tpu.memref_squeeze %dma_start3A_38 : memref<1x16x128xi32, #tpu.memory_space<hbm>> -> memref<16x128xi32, #tpu.memory_space<hbm>>
    %dma_start3A_40 = arith.constant 0 : i32
    %dma_start3A_41 = arith.constant 0 : i32
    %dma_start3A_42 = tpu.memref_slice %arg2[%add3A_36, %dma_start3A_40, %dma_start3A_41] : memref<1600x16x128xi32, #tpu.memory_space<hbm>> -> memref<1x16x128xi32, #tpu.memory_space<hbm>>
    %dma_start3A_43 = tpu.memref_squeeze %dma_start3A_42 : memref<1x16x128xi32, #tpu.memory_space<hbm>> -> memref<16x128xi32, #tpu.memory_space<hbm>>
    tpu.enqueue_dma source(%dma_start3A_43 : memref<16x128xi32, #tpu.memory_space<hbm>>) target(%arg5 : memref<16x128xi32, #tpu.memory_space<vmem>>) target_semaphore(%arg11 : memref<!tpu.dma_semaphore, #tpu.memory_space<semaphore_mem>>)
    %add3A_44 = arith.constant 1 : i32
    %add3A_45 = arith.addi %mul3A_4, %add3A_44 : i32
    %dma_start3A_46 = arith.constant 0 : i32
    %dma_start3A_47 = arith.constant 0 : i32
    %dma_start3A_48 = tpu.memref_slice %arg2[%add3A_45, %dma_start3A_46, %dma_start3A_47] : memref<1600x16x128xi32, #tpu.memory_space<hbm>> -> memref<1x16x128xi32, #tpu.memory_space<hbm>>
    %dma_start3A_49 = tpu.memref_squeeze %dma_start3A_48 : memref<1x16x128xi32, #tpu.memory_space<hbm>> -> memref<16x128xi32, #tpu.memory_space<hbm>>
    %dma_start3A_50 = arith.constant 0 : i32
    %dma_start3A_51 = arith.constant 0 : i32
    %dma_start3A_52 = tpu.memref_slice %arg2[%add3A_45, %dma_start3A_50, %dma_start3A_51] : memref<1600x16x128xi32, #tpu.memory_space<hbm>> -> memref<1x16x128xi32, #tpu.memory_space<hbm>>
    %dma_start3A_53 = tpu.memref_squeeze %dma_start3A_52 : memref<1x16x128xi32, #tpu.memory_space<hbm>> -> memref<16x128xi32, #tpu.memory_space<hbm>>
    tpu.enqueue_dma source(%dma_start3A_53 : memref<16x128xi32, #tpu.memory_space<hbm>>) target(%arg6 : memref<16x128xi32, #tpu.memory_space<vmem>>) target_semaphore(%arg12 : memref<!tpu.dma_semaphore, #tpu.memory_space<semaphore_mem>>)
    %barrier3A = arith.constant 0 : index
    tpu.barrier barrier_id(%barrier3A)
    %scan3A = arith.constant 0 : i32
    %scan3A_54 = arith.constant 0 : i32
    %scan3A_55 = arith.constant 25 : i32
    %scan3A_56 = arith.addi %scan3A_54, %scan3A_55 : i32
    %scan3A_57 = arith.constant 1 : i32
    scf.for %scan3A_60 = %scan3A_54 to %scan3A_56 step %scan3A_57  : i32 {
      %dma_wait3A = arith.constant 0 : i32
      %dma_wait3A_61 = arith.constant 0 : i32
      %dma_wait3A_62 = tpu.memref_slice %arg2[%mul3A_4, %dma_wait3A, %dma_wait3A_61] : memref<1600x16x128xi32, #tpu.memory_space<hbm>> -> memref<1x16x128xi32, #tpu.memory_space<hbm>>
      %dma_wait3A_63 = tpu.memref_squeeze %dma_wait3A_62 : memref<1x16x128xi32, #tpu.memory_space<hbm>> -> memref<16x128xi32, #tpu.memory_space<hbm>>
      %dma_wait3A_64 = arith.constant 0 : i32
      %dma_wait3A_65 = arith.constant 0 : i32
      %dma_wait3A_66 = tpu.memref_slice %arg2[%mul3A_4, %dma_wait3A_64, %dma_wait3A_65] : memref<1600x16x128xi32, #tpu.memory_space<hbm>> -> memref<1x16x128xi32, #tpu.memory_space<hbm>>
      %dma_wait3A_67 = tpu.memref_squeeze %dma_wait3A_66 : memref<1x16x128xi32, #tpu.memory_space<hbm>> -> memref<16x128xi32, #tpu.memory_space<hbm>>
      tpu.wait_dma2 semaphore(%arg11 : memref<!tpu.dma_semaphore, #tpu.memory_space<semaphore_mem>>) src(%dma_wait3A_67 : memref<16x128xi32, #tpu.memory_space<hbm>>) dst(%arg5 : memref<16x128xi32, #tpu.memory_space<vmem>>)
      %dma_start3A_68 = arith.constant 8 : i32
      %dma_start3A_69 = arith.constant 0 : i32
      %dma_start3A_70 = tpu.memref_slice %arg5[%dma_start3A_68, %dma_start3A_69] : memref<16x128xi32, #tpu.memory_space<vmem>> -> memref<1x128xi32, #tpu.memory_space<vmem>>
      %dma_start3A_71 = tpu.memref_squeeze %dma_start3A_70 : memref<1x128xi32, #tpu.memory_space<vmem>> -> memref<128xi32, #tpu.memory_space<vmem>>
      %dma_start3A_72 = arith.constant 0 : i32
      %dma_start3A_73 = tpu.memref_slice %arg10[%dma_start3A_72] : memref<100352xf32, #tpu.memory_space<vmem_shared>> -> memref<100352xf32, #tpu.memory_space<vmem_shared>>
      tpu.enqueue_indirect_dma source(%arg7 : memref<128xf32, #tpu.memory_space<vmem>>) target(%dma_start3A_73 : memref<100352xf32, #tpu.memory_space<vmem_shared>>) offsets(%dma_start3A_71 : memref<128xi32, #tpu.memory_space<vmem>>) semaphore(%arg13 : memref<!tpu.dma_semaphore, #tpu.memory_space<semaphore_mem>>) {add = true}
      %dma_start3A_74 = arith.constant 9 : i32
      %dma_start3A_75 = arith.constant 0 : i32
      %dma_start3A_76 = tpu.memref_slice %arg5[%dma_start3A_74, %dma_start3A_75] : memref<16x128xi32, #tpu.memory_space<vmem>> -> memref<1x128xi32, #tpu.memory_space<vmem>>
      %dma_start3A_77 = tpu.memref_squeeze %dma_start3A_76 : memref<1x128xi32, #tpu.memory_space<vmem>> -> memref<128xi32, #tpu.memory_space<vmem>>
      %dma_start3A_78 = arith.constant 0 : i32
      %dma_start3A_79 = tpu.memref_slice %arg10[%dma_start3A_78] : memref<100352xf32, #tpu.memory_space<vmem_shared>> -> memref<100352xf32, #tpu.memory_space<vmem_shared>>
      tpu.enqueue_indirect_dma source(%arg7 : memref<128xf32, #tpu.memory_space<vmem>>) target(%dma_start3A_79 : memref<100352xf32, #tpu.memory_space<vmem_shared>>) offsets(%dma_start3A_77 : memref<128xi32, #tpu.memory_space<vmem>>) semaphore(%arg13 : memref<!tpu.dma_semaphore, #tpu.memory_space<semaphore_mem>>) {add = true}
      %dma_start3A_80 = arith.constant 10 : i32
      %dma_start3A_81 = arith.constant 0 : i32
      %dma_start3A_82 = tpu.memref_slice %arg5[%dma_start3A_80, %dma_start3A_81] : memref<16x128xi32, #tpu.memory_space<vmem>> -> memref<1x128xi32, #tpu.memory_space<vmem>>
      %dma_start3A_83 = tpu.memref_squeeze %dma_start3A_82 : memref<1x128xi32, #tpu.memory_space<vmem>> -> memref<128xi32, #tpu.memory_space<vmem>>
      %dma_start3A_84 = arith.constant 0 : i32
      %dma_start3A_85 = tpu.memref_slice %arg10[%dma_start3A_84] : memref<100352xf32, #tpu.memory_space<vmem_shared>> -> memref<100352xf32, #tpu.memory_space<vmem_shared>>
      tpu.enqueue_indirect_dma source(%arg7 : memref<128xf32, #tpu.memory_space<vmem>>) target(%dma_start3A_85 : memref<100352xf32, #tpu.memory_space<vmem_shared>>) offsets(%dma_start3A_83 : memref<128xi32, #tpu.memory_space<vmem>>) semaphore(%arg13 : memref<!tpu.dma_semaphore, #tpu.memory_space<semaphore_mem>>) {add = true}
      %dma_start3A_86 = arith.constant 11 : i32
      %dma_start3A_87 = arith.constant 0 : i32
      %dma_start3A_88 = tpu.memref_slice %arg5[%dma_start3A_86, %dma_start3A_87] : memref<16x128xi32, #tpu.memory_space<vmem>> -> memref<1x128xi32, #tpu.memory_space<vmem>>
      %dma_start3A_89 = tpu.memref_squeeze %dma_start3A_88 : memref<1x128xi32, #tpu.memory_space<vmem>> -> memref<128xi32, #tpu.memory_space<vmem>>
      %dma_start3A_90 = arith.constant 0 : i32
      %dma_start3A_91 = tpu.memref_slice %arg10[%dma_start3A_90] : memref<100352xf32, #tpu.memory_space<vmem_shared>> -> memref<100352xf32, #tpu.memory_space<vmem_shared>>
      tpu.enqueue_indirect_dma source(%arg7 : memref<128xf32, #tpu.memory_space<vmem>>) target(%dma_start3A_91 : memref<100352xf32, #tpu.memory_space<vmem_shared>>) offsets(%dma_start3A_89 : memref<128xi32, #tpu.memory_space<vmem>>) semaphore(%arg13 : memref<!tpu.dma_semaphore, #tpu.memory_space<semaphore_mem>>) {add = true}
      %dma_start3A_92 = arith.constant 12 : i32
      %dma_start3A_93 = arith.constant 0 : i32
      %dma_start3A_94 = tpu.memref_slice %arg5[%dma_start3A_92, %dma_start3A_93] : memref<16x128xi32, #tpu.memory_space<vmem>> -> memref<1x128xi32, #tpu.memory_space<vmem>>
      %dma_start3A_95 = tpu.memref_squeeze %dma_start3A_94 : memref<1x128xi32, #tpu.memory_space<vmem>> -> memref<128xi32, #tpu.memory_space<vmem>>
      %dma_start3A_96 = arith.constant 0 : i32
      %dma_start3A_97 = tpu.memref_slice %arg10[%dma_start3A_96] : memref<100352xf32, #tpu.memory_space<vmem_shared>> -> memref<100352xf32, #tpu.memory_space<vmem_shared>>
      tpu.enqueue_indirect_dma source(%arg7 : memref<128xf32, #tpu.memory_space<vmem>>) target(%dma_start3A_97 : memref<100352xf32, #tpu.memory_space<vmem_shared>>) offsets(%dma_start3A_95 : memref<128xi32, #tpu.memory_space<vmem>>) semaphore(%arg13 : memref<!tpu.dma_semaphore, #tpu.memory_space<semaphore_mem>>) {add = true}
      %dma_start3A_98 = arith.constant 13 : i32
      %dma_start3A_99 = arith.constant 0 : i32
      %dma_start3A_100 = tpu.memref_slice %arg5[%dma_start3A_98, %dma_start3A_99] : memref<16x128xi32, #tpu.memory_space<vmem>> -> memref<1x128xi32, #tpu.memory_space<vmem>>
      %dma_start3A_101 = tpu.memref_squeeze %dma_start3A_100 : memref<1x128xi32, #tpu.memory_space<vmem>> -> memref<128xi32, #tpu.memory_space<vmem>>
      %dma_start3A_102 = arith.constant 0 : i32
      %dma_start3A_103 = tpu.memref_slice %arg10[%dma_start3A_102] : memref<100352xf32, #tpu.memory_space<vmem_shared>> -> memref<100352xf32, #tpu.memory_space<vmem_shared>>
      tpu.enqueue_indirect_dma source(%arg7 : memref<128xf32, #tpu.memory_space<vmem>>) target(%dma_start3A_103 : memref<100352xf32, #tpu.memory_space<vmem_shared>>) offsets(%dma_start3A_101 : memref<128xi32, #tpu.memory_space<vmem>>) semaphore(%arg13 : memref<!tpu.dma_semaphore, #tpu.memory_space<semaphore_mem>>) {add = true}
      %dma_start3A_104 = arith.constant 14 : i32
      %dma_start3A_105 = arith.constant 0 : i32
      %dma_start3A_106 = tpu.memref_slice %arg5[%dma_start3A_104, %dma_start3A_105] : memref<16x128xi32, #tpu.memory_space<vmem>> -> memref<1x128xi32, #tpu.memory_space<vmem>>
      %dma_start3A_107 = tpu.memref_squeeze %dma_start3A_106 : memref<1x128xi32, #tpu.memory_space<vmem>> -> memref<128xi32, #tpu.memory_space<vmem>>
      %dma_start3A_108 = arith.constant 0 : i32
      %dma_start3A_109 = tpu.memref_slice %arg10[%dma_start3A_108] : memref<100352xf32, #tpu.memory_space<vmem_shared>> -> memref<100352xf32, #tpu.memory_space<vmem_shared>>
      tpu.enqueue_indirect_dma source(%arg7 : memref<128xf32, #tpu.memory_space<vmem>>) target(%dma_start3A_109 : memref<100352xf32, #tpu.memory_space<vmem_shared>>) offsets(%dma_start3A_107 : memref<128xi32, #tpu.memory_space<vmem>>) semaphore(%arg13 : memref<!tpu.dma_semaphore, #tpu.memory_space<semaphore_mem>>) {add = true}
      %dma_start3A_110 = arith.constant 15 : i32
      %dma_start3A_111 = arith.constant 0 : i32
      %dma_start3A_112 = tpu.memref_slice %arg5[%dma_start3A_110, %dma_start3A_111] : memref<16x128xi32, #tpu.memory_space<vmem>> -> memref<1x128xi32, #tpu.memory_space<vmem>>
      %dma_start3A_113 = tpu.memref_squeeze %dma_start3A_112 : memref<1x128xi32, #tpu.memory_space<vmem>> -> memref<128xi32, #tpu.memory_space<vmem>>
      %dma_start3A_114 = arith.constant 0 : i32
      %dma_start3A_115 = tpu.memref_slice %arg10[%dma_start3A_114] : memref<100352xf32, #tpu.memory_space<vmem_shared>> -> memref<100352xf32, #tpu.memory_space<vmem_shared>>
      tpu.enqueue_indirect_dma source(%arg7 : memref<128xf32, #tpu.memory_space<vmem>>) target(%dma_start3A_115 : memref<100352xf32, #tpu.memory_space<vmem_shared>>) offsets(%dma_start3A_113 : memref<128xi32, #tpu.memory_space<vmem>>) semaphore(%arg13 : memref<!tpu.dma_semaphore, #tpu.memory_space<semaphore_mem>>) {add = true}
      %dma_wait3A_116 = arith.constant 0 : i32
      %dma_wait3A_117 = tpu.memref_slice %arg3[%dma_wait3A_116] : memref<100352xf32, #tpu.memory_space<hbm>> -> memref<1024xf32, #tpu.memory_space<hbm>>
      %dma_wait3A_118 = arith.constant 0 : i32
      %dma_wait3A_119 = tpu.memref_slice %arg3[%dma_wait3A_118] : memref<100352xf32, #tpu.memory_space<hbm>> -> memref<1024xf32, #tpu.memory_space<hbm>>
      tpu.wait_dma2 semaphore(%arg13 : memref<!tpu.dma_semaphore, #tpu.memory_space<semaphore_mem>>) src(%dma_wait3A_119 : memref<1024xf32, #tpu.memory_space<hbm>>) dst(%arg8 : memref<1024xf32, #tpu.memory_space<vmem>>)
      %lt3A = arith.constant 24 : i32
      %lt3A_120 = arith.cmpi slt, %scan3A_60, %lt3A : i32
      %convert_element_type3A = arith.extui %lt3A_120 : i1 to i32
      %cond3A = arith.constant 0 : i32
      %cond3A_121 = arith.cmpi ne, %convert_element_type3A, %cond3A : i32
      scf.if %cond3A_121 {
        %mul3A_187 = arith.constant 2 : i32
        %mul3A_188 = arith.muli %mul3A_187, %scan3A_60 : i32
        %add3A_189 = arith.addi %mul3A_4, %mul3A_188 : i32
        %add3A_190 = arith.constant 0 : i32
        %add3A_191 = arith.addi %add3A_189, %add3A_190 : i32
        %add3A_192 = arith.constant 2 : i32
        %add3A_193 = arith.addi %add3A_191, %add3A_192 : i32
        %dma_start3A_194 = arith.constant 0 : i32
        %dma_start3A_195 = arith.constant 0 : i32
        %dma_start3A_196 = tpu.memref_slice %arg2[%add3A_193, %dma_start3A_194, %dma_start3A_195] : memref<1600x16x128xi32, #tpu.memory_space<hbm>> -> memref<1x16x128xi32, #tpu.memory_space<hbm>>
        %dma_start3A_197 = tpu.memref_squeeze %dma_start3A_196 : memref<1x16x128xi32, #tpu.memory_space<hbm>> -> memref<16x128xi32, #tpu.memory_space<hbm>>
        %dma_start3A_198 = arith.constant 0 : i32
        %dma_start3A_199 = arith.constant 0 : i32
        %dma_start3A_200 = tpu.memref_slice %arg2[%add3A_193, %dma_start3A_198, %dma_start3A_199] : memref<1600x16x128xi32, #tpu.memory_space<hbm>> -> memref<1x16x128xi32, #tpu.memory_space<hbm>>
        %dma_start3A_201 = tpu.memref_squeeze %dma_start3A_200 : memref<1x16x128xi32, #tpu.memory_space<hbm>> -> memref<16x128xi32, #tpu.memory_space<hbm>>
        tpu.enqueue_dma source(%dma_start3A_201 : memref<16x128xi32, #tpu.memory_space<hbm>>) target(%arg5 : memref<16x128xi32, #tpu.memory_space<vmem>>) target_semaphore(%arg11 : memref<!tpu.dma_semaphore, #tpu.memory_space<semaphore_mem>>)
      } else {
      }
      %dma_wait3A_122 = arith.constant 0 : i32
      %dma_wait3A_123 = arith.constant 0 : i32
      %dma_wait3A_124 = tpu.memref_slice %arg2[%mul3A_4, %dma_wait3A_122, %dma_wait3A_123] : memref<1600x16x128xi32, #tpu.memory_space<hbm>> -> memref<1x16x128xi32, #tpu.memory_space<hbm>>
      %dma_wait3A_125 = tpu.memref_squeeze %dma_wait3A_124 : memref<1x16x128xi32, #tpu.memory_space<hbm>> -> memref<16x128xi32, #tpu.memory_space<hbm>>
      %dma_wait3A_126 = arith.constant 0 : i32
      %dma_wait3A_127 = arith.constant 0 : i32
      %dma_wait3A_128 = tpu.memref_slice %arg2[%mul3A_4, %dma_wait3A_126, %dma_wait3A_127] : memref<1600x16x128xi32, #tpu.memory_space<hbm>> -> memref<1x16x128xi32, #tpu.memory_space<hbm>>
      %dma_wait3A_129 = tpu.memref_squeeze %dma_wait3A_128 : memref<1x16x128xi32, #tpu.memory_space<hbm>> -> memref<16x128xi32, #tpu.memory_space<hbm>>
      tpu.wait_dma2 semaphore(%arg12 : memref<!tpu.dma_semaphore, #tpu.memory_space<semaphore_mem>>) src(%dma_wait3A_129 : memref<16x128xi32, #tpu.memory_space<hbm>>) dst(%arg6 : memref<16x128xi32, #tpu.memory_space<vmem>>)
      %dma_start3A_130 = arith.constant 8 : i32
      %dma_start3A_131 = arith.constant 0 : i32
      %dma_start3A_132 = tpu.memref_slice %arg6[%dma_start3A_130, %dma_start3A_131] : memref<16x128xi32, #tpu.memory_space<vmem>> -> memref<1x128xi32, #tpu.memory_space<vmem>>
      %dma_start3A_133 = tpu.memref_squeeze %dma_start3A_132 : memref<1x128xi32, #tpu.memory_space<vmem>> -> memref<128xi32, #tpu.memory_space<vmem>>
      %dma_start3A_134 = arith.constant 0 : i32
      %dma_start3A_135 = tpu.memref_slice %arg10[%dma_start3A_134] : memref<100352xf32, #tpu.memory_space<vmem_shared>> -> memref<100352xf32, #tpu.memory_space<vmem_shared>>
      tpu.enqueue_indirect_dma source(%arg7 : memref<128xf32, #tpu.memory_space<vmem>>) target(%dma_start3A_135 : memref<100352xf32, #tpu.memory_space<vmem_shared>>) offsets(%dma_start3A_133 : memref<128xi32, #tpu.memory_space<vmem>>) semaphore(%arg14 : memref<!tpu.dma_semaphore, #tpu.memory_space<semaphore_mem>>) {add = true}
      %dma_start3A_136 = arith.constant 9 : i32
      %dma_start3A_137 = arith.constant 0 : i32
      %dma_start3A_138 = tpu.memref_slice %arg6[%dma_start3A_136, %dma_start3A_137] : memref<16x128xi32, #tpu.memory_space<vmem>> -> memref<1x128xi32, #tpu.memory_space<vmem>>
      %dma_start3A_139 = tpu.memref_squeeze %dma_start3A_138 : memref<1x128xi32, #tpu.memory_space<vmem>> -> memref<128xi32, #tpu.memory_space<vmem>>
      %dma_start3A_140 = arith.constant 0 : i32
      %dma_start3A_141 = tpu.memref_slice %arg10[%dma_start3A_140] : memref<100352xf32, #tpu.memory_space<vmem_shared>> -> memref<100352xf32, #tpu.memory_space<vmem_shared>>
      tpu.enqueue_indirect_dma source(%arg7 : memref<128xf32, #tpu.memory_space<vmem>>) target(%dma_start3A_141 : memref<100352xf32, #tpu.memory_space<vmem_shared>>) offsets(%dma_start3A_139 : memref<128xi32, #tpu.memory_space<vmem>>) semaphore(%arg14 : memref<!tpu.dma_semaphore, #tpu.memory_space<semaphore_mem>>) {add = true}
      %dma_start3A_142 = arith.constant 10 : i32
      %dma_start3A_143 = arith.constant 0 : i32
      %dma_start3A_144 = tpu.memref_slice %arg6[%dma_start3A_142, %dma_start3A_143] : memref<16x128xi32, #tpu.memory_space<vmem>> -> memref<1x128xi32, #tpu.memory_space<vmem>>
      %dma_start3A_145 = tpu.memref_squeeze %dma_start3A_144 : memref<1x128xi32, #tpu.memory_space<vmem>> -> memref<128xi32, #tpu.memory_space<vmem>>
      %dma_start3A_146 = arith.constant 0 : i32
      %dma_start3A_147 = tpu.memref_slice %arg10[%dma_start3A_146] : memref<100352xf32, #tpu.memory_space<vmem_shared>> -> memref<100352xf32, #tpu.memory_space<vmem_shared>>
      tpu.enqueue_indirect_dma source(%arg7 : memref<128xf32, #tpu.memory_space<vmem>>) target(%dma_start3A_147 : memref<100352xf32, #tpu.memory_space<vmem_shared>>) offsets(%dma_start3A_145 : memref<128xi32, #tpu.memory_space<vmem>>) semaphore(%arg14 : memref<!tpu.dma_semaphore, #tpu.memory_space<semaphore_mem>>) {add = true}
      %dma_start3A_148 = arith.constant 11 : i32
      %dma_start3A_149 = arith.constant 0 : i32
      %dma_start3A_150 = tpu.memref_slice %arg6[%dma_start3A_148, %dma_start3A_149] : memref<16x128xi32, #tpu.memory_space<vmem>> -> memref<1x128xi32, #tpu.memory_space<vmem>>
      %dma_start3A_151 = tpu.memref_squeeze %dma_start3A_150 : memref<1x128xi32, #tpu.memory_space<vmem>> -> memref<128xi32, #tpu.memory_space<vmem>>
      %dma_start3A_152 = arith.constant 0 : i32
      %dma_start3A_153 = tpu.memref_slice %arg10[%dma_start3A_152] : memref<100352xf32, #tpu.memory_space<vmem_shared>> -> memref<100352xf32, #tpu.memory_space<vmem_shared>>
      tpu.enqueue_indirect_dma source(%arg7 : memref<128xf32, #tpu.memory_space<vmem>>) target(%dma_start3A_153 : memref<100352xf32, #tpu.memory_space<vmem_shared>>) offsets(%dma_start3A_151 : memref<128xi32, #tpu.memory_space<vmem>>) semaphore(%arg14 : memref<!tpu.dma_semaphore, #tpu.memory_space<semaphore_mem>>) {add = true}
      %dma_start3A_154 = arith.constant 12 : i32
      %dma_start3A_155 = arith.constant 0 : i32
      %dma_start3A_156 = tpu.memref_slice %arg6[%dma_start3A_154, %dma_start3A_155] : memref<16x128xi32, #tpu.memory_space<vmem>> -> memref<1x128xi32, #tpu.memory_space<vmem>>
      %dma_start3A_157 = tpu.memref_squeeze %dma_start3A_156 : memref<1x128xi32, #tpu.memory_space<vmem>> -> memref<128xi32, #tpu.memory_space<vmem>>
      %dma_start3A_158 = arith.constant 0 : i32
      %dma_start3A_159 = tpu.memref_slice %arg10[%dma_start3A_158] : memref<100352xf32, #tpu.memory_space<vmem_shared>> -> memref<100352xf32, #tpu.memory_space<vmem_shared>>
      tpu.enqueue_indirect_dma source(%arg7 : memref<128xf32, #tpu.memory_space<vmem>>) target(%dma_start3A_159 : memref<100352xf32, #tpu.memory_space<vmem_shared>>) offsets(%dma_start3A_157 : memref<128xi32, #tpu.memory_space<vmem>>) semaphore(%arg14 : memref<!tpu.dma_semaphore, #tpu.memory_space<semaphore_mem>>) {add = true}
      %dma_start3A_160 = arith.constant 13 : i32
      %dma_start3A_161 = arith.constant 0 : i32
      %dma_start3A_162 = tpu.memref_slice %arg6[%dma_start3A_160, %dma_start3A_161] : memref<16x128xi32, #tpu.memory_space<vmem>> -> memref<1x128xi32, #tpu.memory_space<vmem>>
      %dma_start3A_163 = tpu.memref_squeeze %dma_start3A_162 : memref<1x128xi32, #tpu.memory_space<vmem>> -> memref<128xi32, #tpu.memory_space<vmem>>
      %dma_start3A_164 = arith.constant 0 : i32
      %dma_start3A_165 = tpu.memref_slice %arg10[%dma_start3A_164] : memref<100352xf32, #tpu.memory_space<vmem_shared>> -> memref<100352xf32, #tpu.memory_space<vmem_shared>>
      tpu.enqueue_indirect_dma source(%arg7 : memref<128xf32, #tpu.memory_space<vmem>>) target(%dma_start3A_165 : memref<100352xf32, #tpu.memory_space<vmem_shared>>) offsets(%dma_start3A_163 : memref<128xi32, #tpu.memory_space<vmem>>) semaphore(%arg14 : memref<!tpu.dma_semaphore, #tpu.memory_space<semaphore_mem>>) {add = true}
      %dma_start3A_166 = arith.constant 14 : i32
      %dma_start3A_167 = arith.constant 0 : i32
      %dma_start3A_168 = tpu.memref_slice %arg6[%dma_start3A_166, %dma_start3A_167] : memref<16x128xi32, #tpu.memory_space<vmem>> -> memref<1x128xi32, #tpu.memory_space<vmem>>
      %dma_start3A_169 = tpu.memref_squeeze %dma_start3A_168 : memref<1x128xi32, #tpu.memory_space<vmem>> -> memref<128xi32, #tpu.memory_space<vmem>>
      %dma_start3A_170 = arith.constant 0 : i32
      %dma_start3A_171 = tpu.memref_slice %arg10[%dma_start3A_170] : memref<100352xf32, #tpu.memory_space<vmem_shared>> -> memref<100352xf32, #tpu.memory_space<vmem_shared>>
      tpu.enqueue_indirect_dma source(%arg7 : memref<128xf32, #tpu.memory_space<vmem>>) target(%dma_start3A_171 : memref<100352xf32, #tpu.memory_space<vmem_shared>>) offsets(%dma_start3A_169 : memref<128xi32, #tpu.memory_space<vmem>>) semaphore(%arg14 : memref<!tpu.dma_semaphore, #tpu.memory_space<semaphore_mem>>) {add = true}
      %dma_start3A_172 = arith.constant 15 : i32
      %dma_start3A_173 = arith.constant 0 : i32
      %dma_start3A_174 = tpu.memref_slice %arg6[%dma_start3A_172, %dma_start3A_173] : memref<16x128xi32, #tpu.memory_space<vmem>> -> memref<1x128xi32, #tpu.memory_space<vmem>>
      %dma_start3A_175 = tpu.memref_squeeze %dma_start3A_174 : memref<1x128xi32, #tpu.memory_space<vmem>> -> memref<128xi32, #tpu.memory_space<vmem>>
      %dma_start3A_176 = arith.constant 0 : i32
      %dma_start3A_177 = tpu.memref_slice %arg10[%dma_start3A_176] : memref<100352xf32, #tpu.memory_space<vmem_shared>> -> memref<100352xf32, #tpu.memory_space<vmem_shared>>
      tpu.enqueue_indirect_dma source(%arg7 : memref<128xf32, #tpu.memory_space<vmem>>) target(%dma_start3A_177 : memref<100352xf32, #tpu.memory_space<vmem_shared>>) offsets(%dma_start3A_175 : memref<128xi32, #tpu.memory_space<vmem>>) semaphore(%arg14 : memref<!tpu.dma_semaphore, #tpu.memory_space<semaphore_mem>>) {add = true}
      %dma_wait3A_178 = arith.constant 0 : i32
      %dma_wait3A_179 = tpu.memref_slice %arg3[%dma_wait3A_178] : memref<100352xf32, #tpu.memory_space<hbm>> -> memref<1024xf32, #tpu.memory_space<hbm>>
      %dma_wait3A_180 = arith.constant 0 : i32
      %dma_wait3A_181 = tpu.memref_slice %arg3[%dma_wait3A_180] : memref<100352xf32, #tpu.memory_space<hbm>> -> memref<1024xf32, #tpu.memory_space<hbm>>
      tpu.wait_dma2 semaphore(%arg14 : memref<!tpu.dma_semaphore, #tpu.memory_space<semaphore_mem>>) src(%dma_wait3A_181 : memref<1024xf32, #tpu.memory_space<hbm>>) dst(%arg9 : memref<1024xf32, #tpu.memory_space<vmem>>)
      %lt3A_182 = arith.constant 24 : i32
      %lt3A_183 = arith.cmpi slt, %scan3A_60, %lt3A_182 : i32
      %convert_element_type3A_184 = arith.extui %lt3A_183 : i1 to i32
      %cond3A_185 = arith.constant 0 : i32
      %cond3A_186 = arith.cmpi ne, %convert_element_type3A_184, %cond3A_185 : i32
      scf.if %cond3A_186 {
        %mul3A_187 = arith.constant 2 : i32
        %mul3A_188 = arith.muli %mul3A_187, %scan3A_60 : i32
        %add3A_189 = arith.addi %mul3A_4, %mul3A_188 : i32
        %add3A_190 = arith.constant 1 : i32
        %add3A_191 = arith.addi %add3A_189, %add3A_190 : i32
        %add3A_192 = arith.constant 2 : i32
        %add3A_193 = arith.addi %add3A_191, %add3A_192 : i32
        %dma_start3A_194 = arith.constant 0 : i32
        %dma_start3A_195 = arith.constant 0 : i32
        %dma_start3A_196 = tpu.memref_slice %arg2[%add3A_193, %dma_start3A_194, %dma_start3A_195] : memref<1600x16x128xi32, #tpu.memory_space<hbm>> -> memref<1x16x128xi32, #tpu.memory_space<hbm>>
        %dma_start3A_197 = tpu.memref_squeeze %dma_start3A_196 : memref<1x16x128xi32, #tpu.memory_space<hbm>> -> memref<16x128xi32, #tpu.memory_space<hbm>>
        %dma_start3A_198 = arith.constant 0 : i32
        %dma_start3A_199 = arith.constant 0 : i32
        %dma_start3A_200 = tpu.memref_slice %arg2[%add3A_193, %dma_start3A_198, %dma_start3A_199] : memref<1600x16x128xi32, #tpu.memory_space<hbm>> -> memref<1x16x128xi32, #tpu.memory_space<hbm>>
        %dma_start3A_201 = tpu.memref_squeeze %dma_start3A_200 : memref<1x16x128xi32, #tpu.memory_space<hbm>> -> memref<16x128xi32, #tpu.memory_space<hbm>>
        tpu.enqueue_dma source(%dma_start3A_201 : memref<16x128xi32, #tpu.memory_space<hbm>>) target(%arg6 : memref<16x128xi32, #tpu.memory_space<vmem>>) target_semaphore(%arg12 : memref<!tpu.dma_semaphore, #tpu.memory_space<semaphore_mem>>)
      } else {
      }
    }
    %scan3A_58 = arith.constant 25 : i32
    %barrier3A_59 = arith.constant 0 : index
    tpu.barrier barrier_id(%barrier3A_59)
    "tpu.region"() ({
      %run_scoped3A = tpu.sem_alloc : memref<!tpu.dma_semaphore, #tpu.memory_space<semaphore_mem>>
      %dma_start3A_60 = tpu.memref_slice %arg4[%arg0, %mul3A_2] : memref<2x100352xf32, #tpu.memory_space<hbm>> -> memref<1x6272xf32, #tpu.memory_space<hbm>>
      %dma_start3A_61 = tpu.memref_squeeze %dma_start3A_60 : memref<1x6272xf32, #tpu.memory_space<hbm>> -> memref<6272xf32, #tpu.memory_space<hbm>>
      %dma_start3A_62 = tpu.memref_slice %arg10[%mul3A_2] : memref<100352xf32, #tpu.memory_space<vmem_shared>> -> memref<6272xf32, #tpu.memory_space<vmem_shared>>
      tpu.enqueue_dma source(%dma_start3A_62 : memref<6272xf32, #tpu.memory_space<vmem_shared>>) target(%dma_start3A_61 : memref<6272xf32, #tpu.memory_space<hbm>>) target_semaphore(%run_scoped3A : memref<!tpu.dma_semaphore, #tpu.memory_space<semaphore_mem>>)
      %dma_wait3A = tpu.memref_slice %arg4[%arg0, %mul3A_2] : memref<2x100352xf32, #tpu.memory_space<hbm>> -> memref<1x6272xf32, #tpu.memory_space<hbm>>
      %dma_wait3A_63 = tpu.memref_squeeze %dma_wait3A : memref<1x6272xf32, #tpu.memory_space<hbm>> -> memref<6272xf32, #tpu.memory_space<hbm>>
      %dma_wait3A_64 = tpu.memref_slice %arg10[%mul3A_2] : memref<100352xf32, #tpu.memory_space<vmem_shared>> -> memref<6272xf32, #tpu.memory_space<vmem_shared>>
      tpu.wait_dma2 semaphore(%run_scoped3A : memref<!tpu.dma_semaphore, #tpu.memory_space<semaphore_mem>>) src(%dma_wait3A_64 : memref<6272xf32, #tpu.memory_space<vmem_shared>>) dst(%dma_wait3A_63 : memref<6272xf32, #tpu.memory_space<hbm>>)
      tpu.yield
    }) : () -> ()
    return
  }
}

#map = affine_map<(d0, d1) -> (0, 0, 0)>
#map1 = affine_map<(d0, d1) -> (0, 0)>
#map2 = affine_map<(d0, d1) -> (0)>
module attributes {stable_mosaic.version = 14 : i64} {
  func.func @_wide_body(%arg0: i32, %arg1: i32, %arg2: memref<1600x16x128xi32, #tpu.memory_space<hbm>>, %arg3: memref<12x100352xf32, #tpu.memory_space<hbm>>, %arg4: memref<100352xf32, #tpu.memory_space<hbm>>, %arg5: memref<2x12x100352xf32, #tpu.memory_space<hbm>>, %arg6: memref<100352xf32, #tpu.memory_space<vmem>>, %arg7: memref<16x128xi32, #tpu.memory_space<vmem>>, %arg8: memref<16x128xi32, #tpu.memory_space<vmem>>, %arg9: memref<1024xf32, #tpu.memory_space<vmem>>, %arg10: memref<1024xf32, #tpu.memory_space<vmem>>, %arg11: memref<100352xf32, #tpu.memory_space<vmem_shared>>, %arg12: memref<!tpu.dma_semaphore, #tpu.memory_space<semaphore_mem>>, %arg13: memref<!tpu.dma_semaphore, #tpu.memory_space<semaphore_mem>>, %arg14: memref<!tpu.dma_semaphore, #tpu.memory_space<semaphore_mem>>, %arg15: memref<!tpu.dma_semaphore, #tpu.memory_space<semaphore_mem>>, %arg16: memref<!tpu.dma_semaphore, #tpu.memory_space<semaphore_mem>>) attributes {dimension_semantics = [#tpu.dimension_semantics<core_parallel>, #tpu.dimension_semantics<subcore_parallel>], iteration_bounds = array<i64: 2, 16>, scalar_prefetch = 0 : i64, scratch_operands = 11 : i64, tpu.core_type = #tpu.core_type<sc_vector_subcore>, window_params = [{transform_indices = #map}, {transform_indices = #map1}, {transform_indices = #map2}, {transform_indices = #map}]} {
    %mul3A = arith.constant 2 : i32
    %mul3A_0 = arith.muli %arg1, %mul3A : i32
    %add3A = arith.addi %mul3A_0, %arg0 : i32
    %mul3A_1 = arith.constant 6272 : i32
    %mul3A_2 = arith.muli %arg1, %mul3A_1 : i32
    %mul3A_3 = arith.constant 50 : i32
    %mul3A_4 = arith.muli %add3A, %mul3A_3 : i32
    %dma_start3A = arith.constant 0 : i32
    %dma_start3A_5 = arith.constant 0 : i32
    %dma_start3A_6 = tpu.memref_slice %arg3[%dma_start3A, %dma_start3A_5] : memref<12x100352xf32, #tpu.memory_space<hbm>> -> memref<1x100352xf32, #tpu.memory_space<hbm>>
    %dma_start3A_7 = tpu.memref_squeeze %dma_start3A_6 : memref<1x100352xf32, #tpu.memory_space<hbm>> -> memref<100352xf32, #tpu.memory_space<hbm>>
    %dma_start3A_8 = arith.constant 0 : i32
    %dma_start3A_9 = tpu.memref_slice %arg3[%dma_start3A, %dma_start3A_8] : memref<12x100352xf32, #tpu.memory_space<hbm>> -> memref<1x100352xf32, #tpu.memory_space<hbm>>
    %dma_start3A_10 = tpu.memref_squeeze %dma_start3A_9 : memref<1x100352xf32, #tpu.memory_space<hbm>> -> memref<100352xf32, #tpu.memory_space<hbm>>
    tpu.enqueue_dma source(%dma_start3A_10 : memref<100352xf32, #tpu.memory_space<hbm>>) target(%arg6 : memref<100352xf32, #tpu.memory_space<vmem>>) target_semaphore(%arg16 : memref<!tpu.dma_semaphore, #tpu.memory_space<semaphore_mem>>)
    %scan3A = arith.constant 0 : i32
    %scan3A_11 = arith.constant 0 : i32
    %scan3A_12 = arith.constant 12 : i32
    %scan3A_13 = arith.addi %scan3A_11, %scan3A_12 : i32
    %scan3A_14 = arith.constant 1 : i32
    scf.for %scan3A_16 = %scan3A_11 to %scan3A_13 step %scan3A_14  : i32 {
      "tpu.region"() ({
        %run_scoped3A = tpu.sem_alloc : memref<!tpu.dma_semaphore, #tpu.memory_space<semaphore_mem>>
        %dma_start3A_51 = tpu.memref_slice %arg11[%mul3A_2] : memref<100352xf32, #tpu.memory_space<vmem_shared>> -> memref<6272xf32, #tpu.memory_space<vmem_shared>>
        %dma_start3A_52 = tpu.memref_slice %arg4[%mul3A_2] : memref<100352xf32, #tpu.memory_space<hbm>> -> memref<6272xf32, #tpu.memory_space<hbm>>
        tpu.enqueue_dma source(%dma_start3A_52 : memref<6272xf32, #tpu.memory_space<hbm>>) target(%dma_start3A_51 : memref<6272xf32, #tpu.memory_space<vmem_shared>>) target_semaphore(%run_scoped3A : memref<!tpu.dma_semaphore, #tpu.memory_space<semaphore_mem>>)
        %dma_wait3A_53 = tpu.memref_slice %arg11[%mul3A_2] : memref<100352xf32, #tpu.memory_space<vmem_shared>> -> memref<6272xf32, #tpu.memory_space<vmem_shared>>
        %dma_wait3A_54 = tpu.memref_slice %arg4[%mul3A_2] : memref<100352xf32, #tpu.memory_space<hbm>> -> memref<6272xf32, #tpu.memory_space<hbm>>
        tpu.wait_dma2 semaphore(%run_scoped3A : memref<!tpu.dma_semaphore, #tpu.memory_space<semaphore_mem>>) src(%dma_wait3A_54 : memref<6272xf32, #tpu.memory_space<hbm>>) dst(%dma_wait3A_53 : memref<6272xf32, #tpu.memory_space<vmem_shared>>)
        tpu.yield
      }) : () -> ()
      %add3A_17 = arith.constant 0 : i32
      %add3A_18 = arith.addi %mul3A_4, %add3A_17 : i32
      %dma_start3A_19 = arith.constant 0 : i32
      %dma_start3A_20 = arith.constant 0 : i32
      %dma_start3A_21 = tpu.memref_slice %arg2[%add3A_18, %dma_start3A_19, %dma_start3A_20] : memref<1600x16x128xi32, #tpu.memory_space<hbm>> -> memref<1x16x128xi32, #tpu.memory_space<hbm>>
      %dma_start3A_22 = tpu.memref_squeeze %dma_start3A_21 : memref<1x16x128xi32, #tpu.memory_space<hbm>> -> memref<16x128xi32, #tpu.memory_space<hbm>>
      %dma_start3A_23 = arith.constant 0 : i32
      %dma_start3A_24 = arith.constant 0 : i32
      %dma_start3A_25 = tpu.memref_slice %arg2[%add3A_18, %dma_start3A_23, %dma_start3A_24] : memref<1600x16x128xi32, #tpu.memory_space<hbm>> -> memref<1x16x128xi32, #tpu.memory_space<hbm>>
      %dma_start3A_26 = tpu.memref_squeeze %dma_start3A_25 : memref<1x16x128xi32, #tpu.memory_space<hbm>> -> memref<16x128xi32, #tpu.memory_space<hbm>>
      tpu.enqueue_dma source(%dma_start3A_26 : memref<16x128xi32, #tpu.memory_space<hbm>>) target(%arg7 : memref<16x128xi32, #tpu.memory_space<vmem>>) target_semaphore(%arg12 : memref<!tpu.dma_semaphore, #tpu.memory_space<semaphore_mem>>)
      %add3A_27 = arith.constant 1 : i32
      %add3A_28 = arith.addi %mul3A_4, %add3A_27 : i32
      %dma_start3A_29 = arith.constant 0 : i32
      %dma_start3A_30 = arith.constant 0 : i32
      %dma_start3A_31 = tpu.memref_slice %arg2[%add3A_28, %dma_start3A_29, %dma_start3A_30] : memref<1600x16x128xi32, #tpu.memory_space<hbm>> -> memref<1x16x128xi32, #tpu.memory_space<hbm>>
      %dma_start3A_32 = tpu.memref_squeeze %dma_start3A_31 : memref<1x16x128xi32, #tpu.memory_space<hbm>> -> memref<16x128xi32, #tpu.memory_space<hbm>>
      %dma_start3A_33 = arith.constant 0 : i32
      %dma_start3A_34 = arith.constant 0 : i32
      %dma_start3A_35 = tpu.memref_slice %arg2[%add3A_28, %dma_start3A_33, %dma_start3A_34] : memref<1600x16x128xi32, #tpu.memory_space<hbm>> -> memref<1x16x128xi32, #tpu.memory_space<hbm>>
      %dma_start3A_36 = tpu.memref_squeeze %dma_start3A_35 : memref<1x16x128xi32, #tpu.memory_space<hbm>> -> memref<16x128xi32, #tpu.memory_space<hbm>>
      tpu.enqueue_dma source(%dma_start3A_36 : memref<16x128xi32, #tpu.memory_space<hbm>>) target(%arg8 : memref<16x128xi32, #tpu.memory_space<vmem>>) target_semaphore(%arg13 : memref<!tpu.dma_semaphore, #tpu.memory_space<semaphore_mem>>)
      %dma_wait3A = arith.constant 0 : i32
      %dma_wait3A_37 = tpu.memref_slice %arg3[%scan3A_16, %dma_wait3A] : memref<12x100352xf32, #tpu.memory_space<hbm>> -> memref<1x100352xf32, #tpu.memory_space<hbm>>
      %dma_wait3A_38 = tpu.memref_squeeze %dma_wait3A_37 : memref<1x100352xf32, #tpu.memory_space<hbm>> -> memref<100352xf32, #tpu.memory_space<hbm>>
      %dma_wait3A_39 = arith.constant 0 : i32
      %dma_wait3A_40 = tpu.memref_slice %arg3[%scan3A_16, %dma_wait3A_39] : memref<12x100352xf32, #tpu.memory_space<hbm>> -> memref<1x100352xf32, #tpu.memory_space<hbm>>
      %dma_wait3A_41 = tpu.memref_squeeze %dma_wait3A_40 : memref<1x100352xf32, #tpu.memory_space<hbm>> -> memref<100352xf32, #tpu.memory_space<hbm>>
      tpu.wait_dma2 semaphore(%arg16 : memref<!tpu.dma_semaphore, #tpu.memory_space<semaphore_mem>>) src(%dma_wait3A_41 : memref<100352xf32, #tpu.memory_space<hbm>>) dst(%arg6 : memref<100352xf32, #tpu.memory_space<vmem>>)
      %barrier3A = arith.constant 0 : index
      tpu.barrier barrier_id(%barrier3A)
      %scan3A_42 = arith.constant 0 : i32
      %scan3A_43 = arith.constant 0 : i32
      %scan3A_44 = arith.constant 25 : i32
      %scan3A_45 = arith.addi %scan3A_43, %scan3A_44 : i32
      %scan3A_46 = arith.constant 1 : i32
      scf.for %scan3A_51 = %scan3A_43 to %scan3A_45 step %scan3A_46  : i32 {
        %dma_wait3A_52 = arith.constant 0 : i32
        %dma_wait3A_53 = arith.constant 0 : i32
        %dma_wait3A_54 = tpu.memref_slice %arg2[%mul3A_4, %dma_wait3A_52, %dma_wait3A_53] : memref<1600x16x128xi32, #tpu.memory_space<hbm>> -> memref<1x16x128xi32, #tpu.memory_space<hbm>>
        %dma_wait3A_55 = tpu.memref_squeeze %dma_wait3A_54 : memref<1x16x128xi32, #tpu.memory_space<hbm>> -> memref<16x128xi32, #tpu.memory_space<hbm>>
        %dma_wait3A_56 = arith.constant 0 : i32
        %dma_wait3A_57 = arith.constant 0 : i32
        %dma_wait3A_58 = tpu.memref_slice %arg2[%mul3A_4, %dma_wait3A_56, %dma_wait3A_57] : memref<1600x16x128xi32, #tpu.memory_space<hbm>> -> memref<1x16x128xi32, #tpu.memory_space<hbm>>
        %dma_wait3A_59 = tpu.memref_squeeze %dma_wait3A_58 : memref<1x16x128xi32, #tpu.memory_space<hbm>> -> memref<16x128xi32, #tpu.memory_space<hbm>>
        tpu.wait_dma2 semaphore(%arg12 : memref<!tpu.dma_semaphore, #tpu.memory_space<semaphore_mem>>) src(%dma_wait3A_59 : memref<16x128xi32, #tpu.memory_space<hbm>>) dst(%arg7 : memref<16x128xi32, #tpu.memory_space<vmem>>)
        %parallel_loop3A = arith.constant 0 : i32
        %parallel_loop3A_60 = arith.constant 1024 : i32
        %parallel_loop3A_61 = arith.constant 16 : i32
        scf.for %parallel_loop3A_219 = %parallel_loop3A to %parallel_loop3A_60 step %parallel_loop3A_61  : i32 {
          %parallel_loop3A_220 = arith.constant 128 : i32
          %parallel_loop3A_221 = arith.divsi %parallel_loop3A_219, %parallel_loop3A_220 : i32
          %parallel_loop3A_222 = arith.constant 0 : i32
          %parallel_loop3A_223 = arith.cmpi sgt, %parallel_loop3A_219, %parallel_loop3A_222 : i32
          %parallel_loop3A_224 = arith.extui %parallel_loop3A_223 : i1 to i32
          %parallel_loop3A_225 = arith.constant 0 : i32
          %parallel_loop3A_226 = arith.cmpi slt, %parallel_loop3A_219, %parallel_loop3A_225 : i32
          %parallel_loop3A_227 = arith.extui %parallel_loop3A_226 : i1 to i32
          %parallel_loop3A_228 = arith.subi %parallel_loop3A_224, %parallel_loop3A_227 : i32
          %parallel_loop3A_229 = arith.constant 0 : i32
          %parallel_loop3A_230 = arith.cmpi sgt, %parallel_loop3A_220, %parallel_loop3A_229 : i32
          %parallel_loop3A_231 = arith.extui %parallel_loop3A_230 : i1 to i32
          %parallel_loop3A_232 = arith.constant 0 : i32
          %parallel_loop3A_233 = arith.cmpi slt, %parallel_loop3A_220, %parallel_loop3A_232 : i32
          %parallel_loop3A_234 = arith.extui %parallel_loop3A_233 : i1 to i32
          %parallel_loop3A_235 = arith.subi %parallel_loop3A_231, %parallel_loop3A_234 : i32
          %parallel_loop3A_236 = arith.cmpi ne, %parallel_loop3A_228, %parallel_loop3A_235 : i32
          %parallel_loop3A_237 = arith.remsi %parallel_loop3A_219, %parallel_loop3A_220 : i32
          %parallel_loop3A_238 = arith.constant 0 : i32
          %parallel_loop3A_239 = arith.cmpi ne, %parallel_loop3A_237, %parallel_loop3A_238 : i32
          %parallel_loop3A_240 = arith.andi %parallel_loop3A_236, %parallel_loop3A_239 : i1
          %parallel_loop3A_241 = arith.constant 1 : i32
          %parallel_loop3A_242 = arith.subi %parallel_loop3A_221, %parallel_loop3A_241 : i32
          %parallel_loop3A_243 = arith.select %parallel_loop3A_240, %parallel_loop3A_242, %parallel_loop3A_221 : i32
          %parallel_loop3A_244 = arith.constant 128 : i32
          %parallel_loop3A_245 = arith.remsi %parallel_loop3A_219, %parallel_loop3A_244 : i32
          %parallel_loop3A_246 = arith.index_cast %parallel_loop3A_243 : i32 to index
          %parallel_loop3A_247 = arith.index_cast %parallel_loop3A_245 : i32 to index
          %parallel_loop3A_248 = tpu.vector_load %arg7[%parallel_loop3A_246, %parallel_loop3A_247] {strides = array<i32>} : memref<16x128xi32, #tpu.memory_space<vmem>>, vector<16xi32>,
          %parallel_loop3A_249 = tpu.vector_load_idx %arg6[%parallel_loop3A_248] : memref<100352xf32, #tpu.memory_space<vmem>>[vector<16xi32>], vector<16xf32>,
          %parallel_loop3A_250 = arith.index_cast %parallel_loop3A_219 : i32 to index
          %parallel_loop3A_251 = tpu.vector_load %arg9[%parallel_loop3A_250] {strides = array<i32>} : memref<1024xf32, #tpu.memory_space<vmem>>, vector<16xf32>,
          tpu.vector_store %arg9[%parallel_loop3A_250], %parallel_loop3A_249 {strides = array<i32>} : memref<1024xf32, #tpu.memory_space<vmem>>, vector<16xf32>,
        } {sc.loop_unroll_factor = 16 : i64, sc.parallel_access}
        %dma_start3A_62 = arith.constant 8 : i32
        %dma_start3A_63 = arith.constant 0 : i32
        %dma_start3A_64 = tpu.memref_slice %arg9[%dma_start3A_63] : memref<1024xf32, #tpu.memory_space<vmem>> -> memref<128xf32, #tpu.memory_space<vmem>>
        %dma_start3A_65 = arith.constant 0 : i32
        %dma_start3A_66 = tpu.memref_slice %arg7[%dma_start3A_62, %dma_start3A_65] : memref<16x128xi32, #tpu.memory_space<vmem>> -> memref<1x128xi32, #tpu.memory_space<vmem>>
        %dma_start3A_67 = tpu.memref_squeeze %dma_start3A_66 : memref<1x128xi32, #tpu.memory_space<vmem>> -> memref<128xi32, #tpu.memory_space<vmem>>
        %dma_start3A_68 = arith.constant 0 : i32
        %dma_start3A_69 = tpu.memref_slice %arg11[%dma_start3A_68] : memref<100352xf32, #tpu.memory_space<vmem_shared>> -> memref<100352xf32, #tpu.memory_space<vmem_shared>>
        tpu.enqueue_indirect_dma source(%dma_start3A_64 : memref<128xf32, #tpu.memory_space<vmem>>) target(%dma_start3A_69 : memref<100352xf32, #tpu.memory_space<vmem_shared>>) offsets(%dma_start3A_67 : memref<128xi32, #tpu.memory_space<vmem>>) semaphore(%arg14 : memref<!tpu.dma_semaphore, #tpu.memory_space<semaphore_mem>>) {add = true}
        %dma_start3A_70 = arith.constant 9 : i32
        %dma_start3A_71 = arith.constant 128 : i32
        %dma_start3A_72 = tpu.memref_slice %arg9[%dma_start3A_71] : memref<1024xf32, #tpu.memory_space<vmem>> -> memref<128xf32, #tpu.memory_space<vmem>>
        %dma_start3A_73 = arith.constant 0 : i32
        %dma_start3A_74 = tpu.memref_slice %arg7[%dma_start3A_70, %dma_start3A_73] : memref<16x128xi32, #tpu.memory_space<vmem>> -> memref<1x128xi32, #tpu.memory_space<vmem>>
        %dma_start3A_75 = tpu.memref_squeeze %dma_start3A_74 : memref<1x128xi32, #tpu.memory_space<vmem>> -> memref<128xi32, #tpu.memory_space<vmem>>
        %dma_start3A_76 = arith.constant 0 : i32
        %dma_start3A_77 = tpu.memref_slice %arg11[%dma_start3A_76] : memref<100352xf32, #tpu.memory_space<vmem_shared>> -> memref<100352xf32, #tpu.memory_space<vmem_shared>>
        tpu.enqueue_indirect_dma source(%dma_start3A_72 : memref<128xf32, #tpu.memory_space<vmem>>) target(%dma_start3A_77 : memref<100352xf32, #tpu.memory_space<vmem_shared>>) offsets(%dma_start3A_75 : memref<128xi32, #tpu.memory_space<vmem>>) semaphore(%arg14 : memref<!tpu.dma_semaphore, #tpu.memory_space<semaphore_mem>>) {add = true}
        %dma_start3A_78 = arith.constant 10 : i32
        %dma_start3A_79 = arith.constant 256 : i32
        %dma_start3A_80 = tpu.memref_slice %arg9[%dma_start3A_79] : memref<1024xf32, #tpu.memory_space<vmem>> -> memref<128xf32, #tpu.memory_space<vmem>>
        %dma_start3A_81 = arith.constant 0 : i32
        %dma_start3A_82 = tpu.memref_slice %arg7[%dma_start3A_78, %dma_start3A_81] : memref<16x128xi32, #tpu.memory_space<vmem>> -> memref<1x128xi32, #tpu.memory_space<vmem>>
        %dma_start3A_83 = tpu.memref_squeeze %dma_start3A_82 : memref<1x128xi32, #tpu.memory_space<vmem>> -> memref<128xi32, #tpu.memory_space<vmem>>
        %dma_start3A_84 = arith.constant 0 : i32
        %dma_start3A_85 = tpu.memref_slice %arg11[%dma_start3A_84] : memref<100352xf32, #tpu.memory_space<vmem_shared>> -> memref<100352xf32, #tpu.memory_space<vmem_shared>>
        tpu.enqueue_indirect_dma source(%dma_start3A_80 : memref<128xf32, #tpu.memory_space<vmem>>) target(%dma_start3A_85 : memref<100352xf32, #tpu.memory_space<vmem_shared>>) offsets(%dma_start3A_83 : memref<128xi32, #tpu.memory_space<vmem>>) semaphore(%arg14 : memref<!tpu.dma_semaphore, #tpu.memory_space<semaphore_mem>>) {add = true}
        %dma_start3A_86 = arith.constant 11 : i32
        %dma_start3A_87 = arith.constant 384 : i32
        %dma_start3A_88 = tpu.memref_slice %arg9[%dma_start3A_87] : memref<1024xf32, #tpu.memory_space<vmem>> -> memref<128xf32, #tpu.memory_space<vmem>>
        %dma_start3A_89 = arith.constant 0 : i32
        %dma_start3A_90 = tpu.memref_slice %arg7[%dma_start3A_86, %dma_start3A_89] : memref<16x128xi32, #tpu.memory_space<vmem>> -> memref<1x128xi32, #tpu.memory_space<vmem>>
        %dma_start3A_91 = tpu.memref_squeeze %dma_start3A_90 : memref<1x128xi32, #tpu.memory_space<vmem>> -> memref<128xi32, #tpu.memory_space<vmem>>
        %dma_start3A_92 = arith.constant 0 : i32
        %dma_start3A_93 = tpu.memref_slice %arg11[%dma_start3A_92] : memref<100352xf32, #tpu.memory_space<vmem_shared>> -> memref<100352xf32, #tpu.memory_space<vmem_shared>>
        tpu.enqueue_indirect_dma source(%dma_start3A_88 : memref<128xf32, #tpu.memory_space<vmem>>) target(%dma_start3A_93 : memref<100352xf32, #tpu.memory_space<vmem_shared>>) offsets(%dma_start3A_91 : memref<128xi32, #tpu.memory_space<vmem>>) semaphore(%arg14 : memref<!tpu.dma_semaphore, #tpu.memory_space<semaphore_mem>>) {add = true}
        %dma_start3A_94 = arith.constant 12 : i32
        %dma_start3A_95 = arith.constant 512 : i32
        %dma_start3A_96 = tpu.memref_slice %arg9[%dma_start3A_95] : memref<1024xf32, #tpu.memory_space<vmem>> -> memref<128xf32, #tpu.memory_space<vmem>>
        %dma_start3A_97 = arith.constant 0 : i32
        %dma_start3A_98 = tpu.memref_slice %arg7[%dma_start3A_94, %dma_start3A_97] : memref<16x128xi32, #tpu.memory_space<vmem>> -> memref<1x128xi32, #tpu.memory_space<vmem>>
        %dma_start3A_99 = tpu.memref_squeeze %dma_start3A_98 : memref<1x128xi32, #tpu.memory_space<vmem>> -> memref<128xi32, #tpu.memory_space<vmem>>
        %dma_start3A_100 = arith.constant 0 : i32
        %dma_start3A_101 = tpu.memref_slice %arg11[%dma_start3A_100] : memref<100352xf32, #tpu.memory_space<vmem_shared>> -> memref<100352xf32, #tpu.memory_space<vmem_shared>>
        tpu.enqueue_indirect_dma source(%dma_start3A_96 : memref<128xf32, #tpu.memory_space<vmem>>) target(%dma_start3A_101 : memref<100352xf32, #tpu.memory_space<vmem_shared>>) offsets(%dma_start3A_99 : memref<128xi32, #tpu.memory_space<vmem>>) semaphore(%arg14 : memref<!tpu.dma_semaphore, #tpu.memory_space<semaphore_mem>>) {add = true}
        %dma_start3A_102 = arith.constant 13 : i32
        %dma_start3A_103 = arith.constant 640 : i32
        %dma_start3A_104 = tpu.memref_slice %arg9[%dma_start3A_103] : memref<1024xf32, #tpu.memory_space<vmem>> -> memref<128xf32, #tpu.memory_space<vmem>>
        %dma_start3A_105 = arith.constant 0 : i32
        %dma_start3A_106 = tpu.memref_slice %arg7[%dma_start3A_102, %dma_start3A_105] : memref<16x128xi32, #tpu.memory_space<vmem>> -> memref<1x128xi32, #tpu.memory_space<vmem>>
        %dma_start3A_107 = tpu.memref_squeeze %dma_start3A_106 : memref<1x128xi32, #tpu.memory_space<vmem>> -> memref<128xi32, #tpu.memory_space<vmem>>
        %dma_start3A_108 = arith.constant 0 : i32
        %dma_start3A_109 = tpu.memref_slice %arg11[%dma_start3A_108] : memref<100352xf32, #tpu.memory_space<vmem_shared>> -> memref<100352xf32, #tpu.memory_space<vmem_shared>>
        tpu.enqueue_indirect_dma source(%dma_start3A_104 : memref<128xf32, #tpu.memory_space<vmem>>) target(%dma_start3A_109 : memref<100352xf32, #tpu.memory_space<vmem_shared>>) offsets(%dma_start3A_107 : memref<128xi32, #tpu.memory_space<vmem>>) semaphore(%arg14 : memref<!tpu.dma_semaphore, #tpu.memory_space<semaphore_mem>>) {add = true}
        %dma_start3A_110 = arith.constant 14 : i32
        %dma_start3A_111 = arith.constant 768 : i32
        %dma_start3A_112 = tpu.memref_slice %arg9[%dma_start3A_111] : memref<1024xf32, #tpu.memory_space<vmem>> -> memref<128xf32, #tpu.memory_space<vmem>>
        %dma_start3A_113 = arith.constant 0 : i32
        %dma_start3A_114 = tpu.memref_slice %arg7[%dma_start3A_110, %dma_start3A_113] : memref<16x128xi32, #tpu.memory_space<vmem>> -> memref<1x128xi32, #tpu.memory_space<vmem>>
        %dma_start3A_115 = tpu.memref_squeeze %dma_start3A_114 : memref<1x128xi32, #tpu.memory_space<vmem>> -> memref<128xi32, #tpu.memory_space<vmem>>
        %dma_start3A_116 = arith.constant 0 : i32
        %dma_start3A_117 = tpu.memref_slice %arg11[%dma_start3A_116] : memref<100352xf32, #tpu.memory_space<vmem_shared>> -> memref<100352xf32, #tpu.memory_space<vmem_shared>>
        tpu.enqueue_indirect_dma source(%dma_start3A_112 : memref<128xf32, #tpu.memory_space<vmem>>) target(%dma_start3A_117 : memref<100352xf32, #tpu.memory_space<vmem_shared>>) offsets(%dma_start3A_115 : memref<128xi32, #tpu.memory_space<vmem>>) semaphore(%arg14 : memref<!tpu.dma_semaphore, #tpu.memory_space<semaphore_mem>>) {add = true}
        %dma_start3A_118 = arith.constant 15 : i32
        %dma_start3A_119 = arith.constant 896 : i32
        %dma_start3A_120 = tpu.memref_slice %arg9[%dma_start3A_119] : memref<1024xf32, #tpu.memory_space<vmem>> -> memref<128xf32, #tpu.memory_space<vmem>>
        %dma_start3A_121 = arith.constant 0 : i32
        %dma_start3A_122 = tpu.memref_slice %arg7[%dma_start3A_118, %dma_start3A_121] : memref<16x128xi32, #tpu.memory_space<vmem>> -> memref<1x128xi32, #tpu.memory_space<vmem>>
        %dma_start3A_123 = tpu.memref_squeeze %dma_start3A_122 : memref<1x128xi32, #tpu.memory_space<vmem>> -> memref<128xi32, #tpu.memory_space<vmem>>
        %dma_start3A_124 = arith.constant 0 : i32
        %dma_start3A_125 = tpu.memref_slice %arg11[%dma_start3A_124] : memref<100352xf32, #tpu.memory_space<vmem_shared>> -> memref<100352xf32, #tpu.memory_space<vmem_shared>>
        tpu.enqueue_indirect_dma source(%dma_start3A_120 : memref<128xf32, #tpu.memory_space<vmem>>) target(%dma_start3A_125 : memref<100352xf32, #tpu.memory_space<vmem_shared>>) offsets(%dma_start3A_123 : memref<128xi32, #tpu.memory_space<vmem>>) semaphore(%arg14 : memref<!tpu.dma_semaphore, #tpu.memory_space<semaphore_mem>>) {add = true}
        %dma_wait3A_126 = arith.constant 0 : i32
        %dma_wait3A_127 = tpu.memref_slice %arg4[%dma_wait3A_126] : memref<100352xf32, #tpu.memory_space<hbm>> -> memref<1024xf32, #tpu.memory_space<hbm>>
        %dma_wait3A_128 = arith.constant 0 : i32
        %dma_wait3A_129 = tpu.memref_slice %arg4[%dma_wait3A_128] : memref<100352xf32, #tpu.memory_space<hbm>> -> memref<1024xf32, #tpu.memory_space<hbm>>
        tpu.wait_dma2 semaphore(%arg14 : memref<!tpu.dma_semaphore, #tpu.memory_space<semaphore_mem>>) src(%dma_wait3A_129 : memref<1024xf32, #tpu.memory_space<hbm>>) dst(%arg9 : memref<1024xf32, #tpu.memory_space<vmem>>)
        %lt3A_130 = arith.constant 24 : i32
        %lt3A_131 = arith.cmpi slt, %scan3A_51, %lt3A_130 : i32
        %convert_element_type3A_132 = arith.extui %lt3A_131 : i1 to i32
        %cond3A_133 = arith.constant 0 : i32
        %cond3A_134 = arith.cmpi ne, %convert_element_type3A_132, %cond3A_133 : i32
        scf.if %cond3A_134 {
          %mul3A_219 = arith.constant 2 : i32
          %mul3A_220 = arith.muli %mul3A_219, %scan3A_51 : i32
          %add3A_221 = arith.addi %mul3A_4, %mul3A_220 : i32
          %add3A_222 = arith.constant 0 : i32
          %add3A_223 = arith.addi %add3A_221, %add3A_222 : i32
          %add3A_224 = arith.constant 2 : i32
          %add3A_225 = arith.addi %add3A_223, %add3A_224 : i32
          %dma_start3A_226 = arith.constant 0 : i32
          %dma_start3A_227 = arith.constant 0 : i32
          %dma_start3A_228 = tpu.memref_slice %arg2[%add3A_225, %dma_start3A_226, %dma_start3A_227] : memref<1600x16x128xi32, #tpu.memory_space<hbm>> -> memref<1x16x128xi32, #tpu.memory_space<hbm>>
          %dma_start3A_229 = tpu.memref_squeeze %dma_start3A_228 : memref<1x16x128xi32, #tpu.memory_space<hbm>> -> memref<16x128xi32, #tpu.memory_space<hbm>>
          %dma_start3A_230 = arith.constant 0 : i32
          %dma_start3A_231 = arith.constant 0 : i32
          %dma_start3A_232 = tpu.memref_slice %arg2[%add3A_225, %dma_start3A_230, %dma_start3A_231] : memref<1600x16x128xi32, #tpu.memory_space<hbm>> -> memref<1x16x128xi32, #tpu.memory_space<hbm>>
          %dma_start3A_233 = tpu.memref_squeeze %dma_start3A_232 : memref<1x16x128xi32, #tpu.memory_space<hbm>> -> memref<16x128xi32, #tpu.memory_space<hbm>>
          tpu.enqueue_dma source(%dma_start3A_233 : memref<16x128xi32, #tpu.memory_space<hbm>>) target(%arg7 : memref<16x128xi32, #tpu.memory_space<vmem>>) target_semaphore(%arg12 : memref<!tpu.dma_semaphore, #tpu.memory_space<semaphore_mem>>)
        } else {
        }
        %dma_wait3A_135 = arith.constant 0 : i32
        %dma_wait3A_136 = arith.constant 0 : i32
        %dma_wait3A_137 = tpu.memref_slice %arg2[%mul3A_4, %dma_wait3A_135, %dma_wait3A_136] : memref<1600x16x128xi32, #tpu.memory_space<hbm>> -> memref<1x16x128xi32, #tpu.memory_space<hbm>>
        %dma_wait3A_138 = tpu.memref_squeeze %dma_wait3A_137 : memref<1x16x128xi32, #tpu.memory_space<hbm>> -> memref<16x128xi32, #tpu.memory_space<hbm>>
        %dma_wait3A_139 = arith.constant 0 : i32
        %dma_wait3A_140 = arith.constant 0 : i32
        %dma_wait3A_141 = tpu.memref_slice %arg2[%mul3A_4, %dma_wait3A_139, %dma_wait3A_140] : memref<1600x16x128xi32, #tpu.memory_space<hbm>> -> memref<1x16x128xi32, #tpu.memory_space<hbm>>
        %dma_wait3A_142 = tpu.memref_squeeze %dma_wait3A_141 : memref<1x16x128xi32, #tpu.memory_space<hbm>> -> memref<16x128xi32, #tpu.memory_space<hbm>>
        tpu.wait_dma2 semaphore(%arg13 : memref<!tpu.dma_semaphore, #tpu.memory_space<semaphore_mem>>) src(%dma_wait3A_142 : memref<16x128xi32, #tpu.memory_space<hbm>>) dst(%arg8 : memref<16x128xi32, #tpu.memory_space<vmem>>)
        %parallel_loop3A_143 = arith.constant 0 : i32
        %parallel_loop3A_144 = arith.constant 1024 : i32
        %parallel_loop3A_145 = arith.constant 16 : i32
        scf.for %parallel_loop3A_219 = %parallel_loop3A_143 to %parallel_loop3A_144 step %parallel_loop3A_145  : i32 {
          %parallel_loop3A_220 = arith.constant 128 : i32
          %parallel_loop3A_221 = arith.divsi %parallel_loop3A_219, %parallel_loop3A_220 : i32
          %parallel_loop3A_222 = arith.constant 0 : i32
          %parallel_loop3A_223 = arith.cmpi sgt, %parallel_loop3A_219, %parallel_loop3A_222 : i32
          %parallel_loop3A_224 = arith.extui %parallel_loop3A_223 : i1 to i32
          %parallel_loop3A_225 = arith.constant 0 : i32
          %parallel_loop3A_226 = arith.cmpi slt, %parallel_loop3A_219, %parallel_loop3A_225 : i32
          %parallel_loop3A_227 = arith.extui %parallel_loop3A_226 : i1 to i32
          %parallel_loop3A_228 = arith.subi %parallel_loop3A_224, %parallel_loop3A_227 : i32
          %parallel_loop3A_229 = arith.constant 0 : i32
          %parallel_loop3A_230 = arith.cmpi sgt, %parallel_loop3A_220, %parallel_loop3A_229 : i32
          %parallel_loop3A_231 = arith.extui %parallel_loop3A_230 : i1 to i32
          %parallel_loop3A_232 = arith.constant 0 : i32
          %parallel_loop3A_233 = arith.cmpi slt, %parallel_loop3A_220, %parallel_loop3A_232 : i32
          %parallel_loop3A_234 = arith.extui %parallel_loop3A_233 : i1 to i32
          %parallel_loop3A_235 = arith.subi %parallel_loop3A_231, %parallel_loop3A_234 : i32
          %parallel_loop3A_236 = arith.cmpi ne, %parallel_loop3A_228, %parallel_loop3A_235 : i32
          %parallel_loop3A_237 = arith.remsi %parallel_loop3A_219, %parallel_loop3A_220 : i32
          %parallel_loop3A_238 = arith.constant 0 : i32
          %parallel_loop3A_239 = arith.cmpi ne, %parallel_loop3A_237, %parallel_loop3A_238 : i32
          %parallel_loop3A_240 = arith.andi %parallel_loop3A_236, %parallel_loop3A_239 : i1
          %parallel_loop3A_241 = arith.constant 1 : i32
          %parallel_loop3A_242 = arith.subi %parallel_loop3A_221, %parallel_loop3A_241 : i32
          %parallel_loop3A_243 = arith.select %parallel_loop3A_240, %parallel_loop3A_242, %parallel_loop3A_221 : i32
          %parallel_loop3A_244 = arith.constant 128 : i32
          %parallel_loop3A_245 = arith.remsi %parallel_loop3A_219, %parallel_loop3A_244 : i32
          %parallel_loop3A_246 = arith.index_cast %parallel_loop3A_243 : i32 to index
          %parallel_loop3A_247 = arith.index_cast %parallel_loop3A_245 : i32 to index
          %parallel_loop3A_248 = tpu.vector_load %arg8[%parallel_loop3A_246, %parallel_loop3A_247] {strides = array<i32>} : memref<16x128xi32, #tpu.memory_space<vmem>>, vector<16xi32>,
          %parallel_loop3A_249 = tpu.vector_load_idx %arg6[%parallel_loop3A_248] : memref<100352xf32, #tpu.memory_space<vmem>>[vector<16xi32>], vector<16xf32>,
          %parallel_loop3A_250 = arith.index_cast %parallel_loop3A_219 : i32 to index
          %parallel_loop3A_251 = tpu.vector_load %arg10[%parallel_loop3A_250] {strides = array<i32>} : memref<1024xf32, #tpu.memory_space<vmem>>, vector<16xf32>,
          tpu.vector_store %arg10[%parallel_loop3A_250], %parallel_loop3A_249 {strides = array<i32>} : memref<1024xf32, #tpu.memory_space<vmem>>, vector<16xf32>,
        } {sc.loop_unroll_factor = 16 : i64, sc.parallel_access}
        %dma_start3A_146 = arith.constant 8 : i32
        %dma_start3A_147 = arith.constant 0 : i32
        %dma_start3A_148 = tpu.memref_slice %arg10[%dma_start3A_147] : memref<1024xf32, #tpu.memory_space<vmem>> -> memref<128xf32, #tpu.memory_space<vmem>>
        %dma_start3A_149 = arith.constant 0 : i32
        %dma_start3A_150 = tpu.memref_slice %arg8[%dma_start3A_146, %dma_start3A_149] : memref<16x128xi32, #tpu.memory_space<vmem>> -> memref<1x128xi32, #tpu.memory_space<vmem>>
        %dma_start3A_151 = tpu.memref_squeeze %dma_start3A_150 : memref<1x128xi32, #tpu.memory_space<vmem>> -> memref<128xi32, #tpu.memory_space<vmem>>
        %dma_start3A_152 = arith.constant 0 : i32
        %dma_start3A_153 = tpu.memref_slice %arg11[%dma_start3A_152] : memref<100352xf32, #tpu.memory_space<vmem_shared>> -> memref<100352xf32, #tpu.memory_space<vmem_shared>>
        tpu.enqueue_indirect_dma source(%dma_start3A_148 : memref<128xf32, #tpu.memory_space<vmem>>) target(%dma_start3A_153 : memref<100352xf32, #tpu.memory_space<vmem_shared>>) offsets(%dma_start3A_151 : memref<128xi32, #tpu.memory_space<vmem>>) semaphore(%arg15 : memref<!tpu.dma_semaphore, #tpu.memory_space<semaphore_mem>>) {add = true}
        %dma_start3A_154 = arith.constant 9 : i32
        %dma_start3A_155 = arith.constant 128 : i32
        %dma_start3A_156 = tpu.memref_slice %arg10[%dma_start3A_155] : memref<1024xf32, #tpu.memory_space<vmem>> -> memref<128xf32, #tpu.memory_space<vmem>>
        %dma_start3A_157 = arith.constant 0 : i32
        %dma_start3A_158 = tpu.memref_slice %arg8[%dma_start3A_154, %dma_start3A_157] : memref<16x128xi32, #tpu.memory_space<vmem>> -> memref<1x128xi32, #tpu.memory_space<vmem>>
        %dma_start3A_159 = tpu.memref_squeeze %dma_start3A_158 : memref<1x128xi32, #tpu.memory_space<vmem>> -> memref<128xi32, #tpu.memory_space<vmem>>
        %dma_start3A_160 = arith.constant 0 : i32
        %dma_start3A_161 = tpu.memref_slice %arg11[%dma_start3A_160] : memref<100352xf32, #tpu.memory_space<vmem_shared>> -> memref<100352xf32, #tpu.memory_space<vmem_shared>>
        tpu.enqueue_indirect_dma source(%dma_start3A_156 : memref<128xf32, #tpu.memory_space<vmem>>) target(%dma_start3A_161 : memref<100352xf32, #tpu.memory_space<vmem_shared>>) offsets(%dma_start3A_159 : memref<128xi32, #tpu.memory_space<vmem>>) semaphore(%arg15 : memref<!tpu.dma_semaphore, #tpu.memory_space<semaphore_mem>>) {add = true}
        %dma_start3A_162 = arith.constant 10 : i32
        %dma_start3A_163 = arith.constant 256 : i32
        %dma_start3A_164 = tpu.memref_slice %arg10[%dma_start3A_163] : memref<1024xf32, #tpu.memory_space<vmem>> -> memref<128xf32, #tpu.memory_space<vmem>>
        %dma_start3A_165 = arith.constant 0 : i32
        %dma_start3A_166 = tpu.memref_slice %arg8[%dma_start3A_162, %dma_start3A_165] : memref<16x128xi32, #tpu.memory_space<vmem>> -> memref<1x128xi32, #tpu.memory_space<vmem>>
        %dma_start3A_167 = tpu.memref_squeeze %dma_start3A_166 : memref<1x128xi32, #tpu.memory_space<vmem>> -> memref<128xi32, #tpu.memory_space<vmem>>
        %dma_start3A_168 = arith.constant 0 : i32
        %dma_start3A_169 = tpu.memref_slice %arg11[%dma_start3A_168] : memref<100352xf32, #tpu.memory_space<vmem_shared>> -> memref<100352xf32, #tpu.memory_space<vmem_shared>>
        tpu.enqueue_indirect_dma source(%dma_start3A_164 : memref<128xf32, #tpu.memory_space<vmem>>) target(%dma_start3A_169 : memref<100352xf32, #tpu.memory_space<vmem_shared>>) offsets(%dma_start3A_167 : memref<128xi32, #tpu.memory_space<vmem>>) semaphore(%arg15 : memref<!tpu.dma_semaphore, #tpu.memory_space<semaphore_mem>>) {add = true}
        %dma_start3A_170 = arith.constant 11 : i32
        %dma_start3A_171 = arith.constant 384 : i32
        %dma_start3A_172 = tpu.memref_slice %arg10[%dma_start3A_171] : memref<1024xf32, #tpu.memory_space<vmem>> -> memref<128xf32, #tpu.memory_space<vmem>>
        %dma_start3A_173 = arith.constant 0 : i32
        %dma_start3A_174 = tpu.memref_slice %arg8[%dma_start3A_170, %dma_start3A_173] : memref<16x128xi32, #tpu.memory_space<vmem>> -> memref<1x128xi32, #tpu.memory_space<vmem>>
        %dma_start3A_175 = tpu.memref_squeeze %dma_start3A_174 : memref<1x128xi32, #tpu.memory_space<vmem>> -> memref<128xi32, #tpu.memory_space<vmem>>
        %dma_start3A_176 = arith.constant 0 : i32
        %dma_start3A_177 = tpu.memref_slice %arg11[%dma_start3A_176] : memref<100352xf32, #tpu.memory_space<vmem_shared>> -> memref<100352xf32, #tpu.memory_space<vmem_shared>>
        tpu.enqueue_indirect_dma source(%dma_start3A_172 : memref<128xf32, #tpu.memory_space<vmem>>) target(%dma_start3A_177 : memref<100352xf32, #tpu.memory_space<vmem_shared>>) offsets(%dma_start3A_175 : memref<128xi32, #tpu.memory_space<vmem>>) semaphore(%arg15 : memref<!tpu.dma_semaphore, #tpu.memory_space<semaphore_mem>>) {add = true}
        %dma_start3A_178 = arith.constant 12 : i32
        %dma_start3A_179 = arith.constant 512 : i32
        %dma_start3A_180 = tpu.memref_slice %arg10[%dma_start3A_179] : memref<1024xf32, #tpu.memory_space<vmem>> -> memref<128xf32, #tpu.memory_space<vmem>>
        %dma_start3A_181 = arith.constant 0 : i32
        %dma_start3A_182 = tpu.memref_slice %arg8[%dma_start3A_178, %dma_start3A_181] : memref<16x128xi32, #tpu.memory_space<vmem>> -> memref<1x128xi32, #tpu.memory_space<vmem>>
        %dma_start3A_183 = tpu.memref_squeeze %dma_start3A_182 : memref<1x128xi32, #tpu.memory_space<vmem>> -> memref<128xi32, #tpu.memory_space<vmem>>
        %dma_start3A_184 = arith.constant 0 : i32
        %dma_start3A_185 = tpu.memref_slice %arg11[%dma_start3A_184] : memref<100352xf32, #tpu.memory_space<vmem_shared>> -> memref<100352xf32, #tpu.memory_space<vmem_shared>>
        tpu.enqueue_indirect_dma source(%dma_start3A_180 : memref<128xf32, #tpu.memory_space<vmem>>) target(%dma_start3A_185 : memref<100352xf32, #tpu.memory_space<vmem_shared>>) offsets(%dma_start3A_183 : memref<128xi32, #tpu.memory_space<vmem>>) semaphore(%arg15 : memref<!tpu.dma_semaphore, #tpu.memory_space<semaphore_mem>>) {add = true}
        %dma_start3A_186 = arith.constant 13 : i32
        %dma_start3A_187 = arith.constant 640 : i32
        %dma_start3A_188 = tpu.memref_slice %arg10[%dma_start3A_187] : memref<1024xf32, #tpu.memory_space<vmem>> -> memref<128xf32, #tpu.memory_space<vmem>>
        %dma_start3A_189 = arith.constant 0 : i32
        %dma_start3A_190 = tpu.memref_slice %arg8[%dma_start3A_186, %dma_start3A_189] : memref<16x128xi32, #tpu.memory_space<vmem>> -> memref<1x128xi32, #tpu.memory_space<vmem>>
        %dma_start3A_191 = tpu.memref_squeeze %dma_start3A_190 : memref<1x128xi32, #tpu.memory_space<vmem>> -> memref<128xi32, #tpu.memory_space<vmem>>
        %dma_start3A_192 = arith.constant 0 : i32
        %dma_start3A_193 = tpu.memref_slice %arg11[%dma_start3A_192] : memref<100352xf32, #tpu.memory_space<vmem_shared>> -> memref<100352xf32, #tpu.memory_space<vmem_shared>>
        tpu.enqueue_indirect_dma source(%dma_start3A_188 : memref<128xf32, #tpu.memory_space<vmem>>) target(%dma_start3A_193 : memref<100352xf32, #tpu.memory_space<vmem_shared>>) offsets(%dma_start3A_191 : memref<128xi32, #tpu.memory_space<vmem>>) semaphore(%arg15 : memref<!tpu.dma_semaphore, #tpu.memory_space<semaphore_mem>>) {add = true}
        %dma_start3A_194 = arith.constant 14 : i32
        %dma_start3A_195 = arith.constant 768 : i32
        %dma_start3A_196 = tpu.memref_slice %arg10[%dma_start3A_195] : memref<1024xf32, #tpu.memory_space<vmem>> -> memref<128xf32, #tpu.memory_space<vmem>>
        %dma_start3A_197 = arith.constant 0 : i32
        %dma_start3A_198 = tpu.memref_slice %arg8[%dma_start3A_194, %dma_start3A_197] : memref<16x128xi32, #tpu.memory_space<vmem>> -> memref<1x128xi32, #tpu.memory_space<vmem>>
        %dma_start3A_199 = tpu.memref_squeeze %dma_start3A_198 : memref<1x128xi32, #tpu.memory_space<vmem>> -> memref<128xi32, #tpu.memory_space<vmem>>
        %dma_start3A_200 = arith.constant 0 : i32
        %dma_start3A_201 = tpu.memref_slice %arg11[%dma_start3A_200] : memref<100352xf32, #tpu.memory_space<vmem_shared>> -> memref<100352xf32, #tpu.memory_space<vmem_shared>>
        tpu.enqueue_indirect_dma source(%dma_start3A_196 : memref<128xf32, #tpu.memory_space<vmem>>) target(%dma_start3A_201 : memref<100352xf32, #tpu.memory_space<vmem_shared>>) offsets(%dma_start3A_199 : memref<128xi32, #tpu.memory_space<vmem>>) semaphore(%arg15 : memref<!tpu.dma_semaphore, #tpu.memory_space<semaphore_mem>>) {add = true}
        %dma_start3A_202 = arith.constant 15 : i32
        %dma_start3A_203 = arith.constant 896 : i32
        %dma_start3A_204 = tpu.memref_slice %arg10[%dma_start3A_203] : memref<1024xf32, #tpu.memory_space<vmem>> -> memref<128xf32, #tpu.memory_space<vmem>>
        %dma_start3A_205 = arith.constant 0 : i32
        %dma_start3A_206 = tpu.memref_slice %arg8[%dma_start3A_202, %dma_start3A_205] : memref<16x128xi32, #tpu.memory_space<vmem>> -> memref<1x128xi32, #tpu.memory_space<vmem>>
        %dma_start3A_207 = tpu.memref_squeeze %dma_start3A_206 : memref<1x128xi32, #tpu.memory_space<vmem>> -> memref<128xi32, #tpu.memory_space<vmem>>
        %dma_start3A_208 = arith.constant 0 : i32
        %dma_start3A_209 = tpu.memref_slice %arg11[%dma_start3A_208] : memref<100352xf32, #tpu.memory_space<vmem_shared>> -> memref<100352xf32, #tpu.memory_space<vmem_shared>>
        tpu.enqueue_indirect_dma source(%dma_start3A_204 : memref<128xf32, #tpu.memory_space<vmem>>) target(%dma_start3A_209 : memref<100352xf32, #tpu.memory_space<vmem_shared>>) offsets(%dma_start3A_207 : memref<128xi32, #tpu.memory_space<vmem>>) semaphore(%arg15 : memref<!tpu.dma_semaphore, #tpu.memory_space<semaphore_mem>>) {add = true}
        %dma_wait3A_210 = arith.constant 0 : i32
        %dma_wait3A_211 = tpu.memref_slice %arg4[%dma_wait3A_210] : memref<100352xf32, #tpu.memory_space<hbm>> -> memref<1024xf32, #tpu.memory_space<hbm>>
        %dma_wait3A_212 = arith.constant 0 : i32
        %dma_wait3A_213 = tpu.memref_slice %arg4[%dma_wait3A_212] : memref<100352xf32, #tpu.memory_space<hbm>> -> memref<1024xf32, #tpu.memory_space<hbm>>
        tpu.wait_dma2 semaphore(%arg15 : memref<!tpu.dma_semaphore, #tpu.memory_space<semaphore_mem>>) src(%dma_wait3A_213 : memref<1024xf32, #tpu.memory_space<hbm>>) dst(%arg10 : memref<1024xf32, #tpu.memory_space<vmem>>)
        %lt3A_214 = arith.constant 24 : i32
        %lt3A_215 = arith.cmpi slt, %scan3A_51, %lt3A_214 : i32
        %convert_element_type3A_216 = arith.extui %lt3A_215 : i1 to i32
        %cond3A_217 = arith.constant 0 : i32
        %cond3A_218 = arith.cmpi ne, %convert_element_type3A_216, %cond3A_217 : i32
        scf.if %cond3A_218 {
          %mul3A_219 = arith.constant 2 : i32
          %mul3A_220 = arith.muli %mul3A_219, %scan3A_51 : i32
          %add3A_221 = arith.addi %mul3A_4, %mul3A_220 : i32
          %add3A_222 = arith.constant 1 : i32
          %add3A_223 = arith.addi %add3A_221, %add3A_222 : i32
          %add3A_224 = arith.constant 2 : i32
          %add3A_225 = arith.addi %add3A_223, %add3A_224 : i32
          %dma_start3A_226 = arith.constant 0 : i32
          %dma_start3A_227 = arith.constant 0 : i32
          %dma_start3A_228 = tpu.memref_slice %arg2[%add3A_225, %dma_start3A_226, %dma_start3A_227] : memref<1600x16x128xi32, #tpu.memory_space<hbm>> -> memref<1x16x128xi32, #tpu.memory_space<hbm>>
          %dma_start3A_229 = tpu.memref_squeeze %dma_start3A_228 : memref<1x16x128xi32, #tpu.memory_space<hbm>> -> memref<16x128xi32, #tpu.memory_space<hbm>>
          %dma_start3A_230 = arith.constant 0 : i32
          %dma_start3A_231 = arith.constant 0 : i32
          %dma_start3A_232 = tpu.memref_slice %arg2[%add3A_225, %dma_start3A_230, %dma_start3A_231] : memref<1600x16x128xi32, #tpu.memory_space<hbm>> -> memref<1x16x128xi32, #tpu.memory_space<hbm>>
          %dma_start3A_233 = tpu.memref_squeeze %dma_start3A_232 : memref<1x16x128xi32, #tpu.memory_space<hbm>> -> memref<16x128xi32, #tpu.memory_space<hbm>>
          tpu.enqueue_dma source(%dma_start3A_233 : memref<16x128xi32, #tpu.memory_space<hbm>>) target(%arg8 : memref<16x128xi32, #tpu.memory_space<vmem>>) target_semaphore(%arg13 : memref<!tpu.dma_semaphore, #tpu.memory_space<semaphore_mem>>)
        } else {
        }
      }
      %scan3A_47 = arith.constant 25 : i32
      %barrier3A_48 = arith.constant 0 : index
      tpu.barrier barrier_id(%barrier3A_48)
      %lt3A = arith.constant 11 : i32
      %lt3A_49 = arith.cmpi slt, %scan3A_16, %lt3A : i32
      %convert_element_type3A = arith.extui %lt3A_49 : i1 to i32
      %cond3A = arith.constant 0 : i32
      %cond3A_50 = arith.cmpi ne, %convert_element_type3A, %cond3A : i32
      scf.if %cond3A_50 {
        %add3A_51 = arith.constant 1 : i32
        %add3A_52 = arith.addi %scan3A_16, %add3A_51 : i32
        %dma_start3A_53 = arith.constant 0 : i32
        %dma_start3A_54 = tpu.memref_slice %arg3[%add3A_52, %dma_start3A_53] : memref<12x100352xf32, #tpu.memory_space<hbm>> -> memref<1x100352xf32, #tpu.memory_space<hbm>>
        %dma_start3A_55 = tpu.memref_squeeze %dma_start3A_54 : memref<1x100352xf32, #tpu.memory_space<hbm>> -> memref<100352xf32, #tpu.memory_space<hbm>>
        %dma_start3A_56 = arith.constant 0 : i32
        %dma_start3A_57 = tpu.memref_slice %arg3[%add3A_52, %dma_start3A_56] : memref<12x100352xf32, #tpu.memory_space<hbm>> -> memref<1x100352xf32, #tpu.memory_space<hbm>>
        %dma_start3A_58 = tpu.memref_squeeze %dma_start3A_57 : memref<1x100352xf32, #tpu.memory_space<hbm>> -> memref<100352xf32, #tpu.memory_space<hbm>>
        tpu.enqueue_dma source(%dma_start3A_58 : memref<100352xf32, #tpu.memory_space<hbm>>) target(%arg6 : memref<100352xf32, #tpu.memory_space<vmem>>) target_semaphore(%arg16 : memref<!tpu.dma_semaphore, #tpu.memory_space<semaphore_mem>>)
      } else {
      }
      "tpu.region"() ({
        %run_scoped3A = tpu.sem_alloc : memref<!tpu.dma_semaphore, #tpu.memory_space<semaphore_mem>>
        %dma_start3A_51 = tpu.memref_slice %arg5[%arg0, %scan3A_16, %mul3A_2] : memref<2x12x100352xf32, #tpu.memory_space<hbm>> -> memref<1x1x6272xf32, #tpu.memory_space<hbm>>
        %dma_start3A_52 = tpu.memref_squeeze %dma_start3A_51 : memref<1x1x6272xf32, #tpu.memory_space<hbm>> -> memref<6272xf32, #tpu.memory_space<hbm>>
        %dma_start3A_53 = tpu.memref_slice %arg11[%mul3A_2] : memref<100352xf32, #tpu.memory_space<vmem_shared>> -> memref<6272xf32, #tpu.memory_space<vmem_shared>>
        tpu.enqueue_dma source(%dma_start3A_53 : memref<6272xf32, #tpu.memory_space<vmem_shared>>) target(%dma_start3A_52 : memref<6272xf32, #tpu.memory_space<hbm>>) target_semaphore(%run_scoped3A : memref<!tpu.dma_semaphore, #tpu.memory_space<semaphore_mem>>)
        %dma_wait3A_54 = tpu.memref_slice %arg5[%arg0, %scan3A_16, %mul3A_2] : memref<2x12x100352xf32, #tpu.memory_space<hbm>> -> memref<1x1x6272xf32, #tpu.memory_space<hbm>>
        %dma_wait3A_55 = tpu.memref_squeeze %dma_wait3A_54 : memref<1x1x6272xf32, #tpu.memory_space<hbm>> -> memref<6272xf32, #tpu.memory_space<hbm>>
        %dma_wait3A_56 = tpu.memref_slice %arg11[%mul3A_2] : memref<100352xf32, #tpu.memory_space<vmem_shared>> -> memref<6272xf32, #tpu.memory_space<vmem_shared>>
        tpu.wait_dma2 semaphore(%run_scoped3A : memref<!tpu.dma_semaphore, #tpu.memory_space<semaphore_mem>>) src(%dma_wait3A_56 : memref<6272xf32, #tpu.memory_space<vmem_shared>>) dst(%dma_wait3A_55 : memref<6272xf32, #tpu.memory_space<hbm>>)
        tpu.yield
      }) : () -> ()
    }
    %scan3A_15 = arith.constant 12 : i32
    return
  }
}

#map = affine_map<(d0, d1) -> (0, 0, 0)>
#map1 = affine_map<(d0, d1) -> (0)>
#map2 = affine_map<(d0, d1) -> (0, 0)>
module attributes {stable_mosaic.version = 14 : i64} {
  func.func @_scalar_body(%arg0: i32, %arg1: i32, %arg2: memref<1600x16x128xi32, #tpu.memory_space<hbm>>, %arg3: memref<100352xf32, #tpu.memory_space<hbm>>, %arg4: memref<100352xf32, #tpu.memory_space<hbm>>, %arg5: memref<2x100352xf32, #tpu.memory_space<hbm>>, %arg6: memref<100352xf32, #tpu.memory_space<vmem>>, %arg7: memref<16x128xi32, #tpu.memory_space<vmem>>, %arg8: memref<16x128xi32, #tpu.memory_space<vmem>>, %arg9: memref<1024xf32, #tpu.memory_space<vmem>>, %arg10: memref<1024xf32, #tpu.memory_space<vmem>>, %arg11: memref<100352xf32, #tpu.memory_space<vmem_shared>>, %arg12: memref<!tpu.dma_semaphore, #tpu.memory_space<semaphore_mem>>, %arg13: memref<!tpu.dma_semaphore, #tpu.memory_space<semaphore_mem>>, %arg14: memref<!tpu.dma_semaphore, #tpu.memory_space<semaphore_mem>>, %arg15: memref<!tpu.dma_semaphore, #tpu.memory_space<semaphore_mem>>, %arg16: memref<!tpu.dma_semaphore, #tpu.memory_space<semaphore_mem>>) attributes {dimension_semantics = [#tpu.dimension_semantics<core_parallel>, #tpu.dimension_semantics<subcore_parallel>], iteration_bounds = array<i64: 2, 16>, scalar_prefetch = 0 : i64, scratch_operands = 11 : i64, tpu.core_type = #tpu.core_type<sc_vector_subcore>, window_params = [{transform_indices = #map}, {transform_indices = #map1}, {transform_indices = #map1}, {transform_indices = #map2}]} {
    %mul3A = arith.constant 2 : i32
    %mul3A_0 = arith.muli %arg1, %mul3A : i32
    %add3A = arith.addi %mul3A_0, %arg0 : i32
    %mul3A_1 = arith.constant 6272 : i32
    %mul3A_2 = arith.muli %arg1, %mul3A_1 : i32
    %mul3A_3 = arith.constant 50 : i32
    %mul3A_4 = arith.muli %add3A, %mul3A_3 : i32
    tpu.enqueue_dma source(%arg3 : memref<100352xf32, #tpu.memory_space<hbm>>) target(%arg6 : memref<100352xf32, #tpu.memory_space<vmem>>) target_semaphore(%arg16 : memref<!tpu.dma_semaphore, #tpu.memory_space<semaphore_mem>>)
    "tpu.region"() ({
      %run_scoped3A = tpu.sem_alloc : memref<!tpu.dma_semaphore, #tpu.memory_space<semaphore_mem>>
      %dma_start3A_30 = tpu.memref_slice %arg11[%mul3A_2] : memref<100352xf32, #tpu.memory_space<vmem_shared>> -> memref<6272xf32, #tpu.memory_space<vmem_shared>>
      %dma_start3A_31 = tpu.memref_slice %arg4[%mul3A_2] : memref<100352xf32, #tpu.memory_space<hbm>> -> memref<6272xf32, #tpu.memory_space<hbm>>
      tpu.enqueue_dma source(%dma_start3A_31 : memref<6272xf32, #tpu.memory_space<hbm>>) target(%dma_start3A_30 : memref<6272xf32, #tpu.memory_space<vmem_shared>>) target_semaphore(%run_scoped3A : memref<!tpu.dma_semaphore, #tpu.memory_space<semaphore_mem>>)
      %dma_wait3A = tpu.memref_slice %arg11[%mul3A_2] : memref<100352xf32, #tpu.memory_space<vmem_shared>> -> memref<6272xf32, #tpu.memory_space<vmem_shared>>
      %dma_wait3A_32 = tpu.memref_slice %arg4[%mul3A_2] : memref<100352xf32, #tpu.memory_space<hbm>> -> memref<6272xf32, #tpu.memory_space<hbm>>
      tpu.wait_dma2 semaphore(%run_scoped3A : memref<!tpu.dma_semaphore, #tpu.memory_space<semaphore_mem>>) src(%dma_wait3A_32 : memref<6272xf32, #tpu.memory_space<hbm>>) dst(%dma_wait3A : memref<6272xf32, #tpu.memory_space<vmem_shared>>)
      tpu.yield
    }) : () -> ()
    %add3A_5 = arith.constant 0 : i32
    %add3A_6 = arith.addi %mul3A_4, %add3A_5 : i32
    %dma_start3A = arith.constant 0 : i32
    %dma_start3A_7 = arith.constant 0 : i32
    %dma_start3A_8 = tpu.memref_slice %arg2[%add3A_6, %dma_start3A, %dma_start3A_7] : memref<1600x16x128xi32, #tpu.memory_space<hbm>> -> memref<1x16x128xi32, #tpu.memory_space<hbm>>
    %dma_start3A_9 = tpu.memref_squeeze %dma_start3A_8 : memref<1x16x128xi32, #tpu.memory_space<hbm>> -> memref<16x128xi32, #tpu.memory_space<hbm>>
    %dma_start3A_10 = arith.constant 0 : i32
    %dma_start3A_11 = arith.constant 0 : i32
    %dma_start3A_12 = tpu.memref_slice %arg2[%add3A_6, %dma_start3A_10, %dma_start3A_11] : memref<1600x16x128xi32, #tpu.memory_space<hbm>> -> memref<1x16x128xi32, #tpu.memory_space<hbm>>
    %dma_start3A_13 = tpu.memref_squeeze %dma_start3A_12 : memref<1x16x128xi32, #tpu.memory_space<hbm>> -> memref<16x128xi32, #tpu.memory_space<hbm>>
    tpu.enqueue_dma source(%dma_start3A_13 : memref<16x128xi32, #tpu.memory_space<hbm>>) target(%arg7 : memref<16x128xi32, #tpu.memory_space<vmem>>) target_semaphore(%arg12 : memref<!tpu.dma_semaphore, #tpu.memory_space<semaphore_mem>>)
    %add3A_14 = arith.constant 1 : i32
    %add3A_15 = arith.addi %mul3A_4, %add3A_14 : i32
    %dma_start3A_16 = arith.constant 0 : i32
    %dma_start3A_17 = arith.constant 0 : i32
    %dma_start3A_18 = tpu.memref_slice %arg2[%add3A_15, %dma_start3A_16, %dma_start3A_17] : memref<1600x16x128xi32, #tpu.memory_space<hbm>> -> memref<1x16x128xi32, #tpu.memory_space<hbm>>
    %dma_start3A_19 = tpu.memref_squeeze %dma_start3A_18 : memref<1x16x128xi32, #tpu.memory_space<hbm>> -> memref<16x128xi32, #tpu.memory_space<hbm>>
    %dma_start3A_20 = arith.constant 0 : i32
    %dma_start3A_21 = arith.constant 0 : i32
    %dma_start3A_22 = tpu.memref_slice %arg2[%add3A_15, %dma_start3A_20, %dma_start3A_21] : memref<1600x16x128xi32, #tpu.memory_space<hbm>> -> memref<1x16x128xi32, #tpu.memory_space<hbm>>
    %dma_start3A_23 = tpu.memref_squeeze %dma_start3A_22 : memref<1x16x128xi32, #tpu.memory_space<hbm>> -> memref<16x128xi32, #tpu.memory_space<hbm>>
    tpu.enqueue_dma source(%dma_start3A_23 : memref<16x128xi32, #tpu.memory_space<hbm>>) target(%arg8 : memref<16x128xi32, #tpu.memory_space<vmem>>) target_semaphore(%arg13 : memref<!tpu.dma_semaphore, #tpu.memory_space<semaphore_mem>>)
    tpu.wait_dma2 semaphore(%arg16 : memref<!tpu.dma_semaphore, #tpu.memory_space<semaphore_mem>>) src(%arg3 : memref<100352xf32, #tpu.memory_space<hbm>>) dst(%arg6 : memref<100352xf32, #tpu.memory_space<vmem>>)
    %barrier3A = arith.constant 0 : index
    tpu.barrier barrier_id(%barrier3A)
    %scan3A = arith.constant 0 : i32
    %scan3A_24 = arith.constant 0 : i32
    %scan3A_25 = arith.constant 25 : i32
    %scan3A_26 = arith.addi %scan3A_24, %scan3A_25 : i32
    %scan3A_27 = arith.constant 1 : i32
    scf.for %scan3A_30 = %scan3A_24 to %scan3A_26 step %scan3A_27  : i32 {
      %dma_wait3A = arith.constant 0 : i32
      %dma_wait3A_31 = arith.constant 0 : i32
      %dma_wait3A_32 = tpu.memref_slice %arg2[%mul3A_4, %dma_wait3A, %dma_wait3A_31] : memref<1600x16x128xi32, #tpu.memory_space<hbm>> -> memref<1x16x128xi32, #tpu.memory_space<hbm>>
      %dma_wait3A_33 = tpu.memref_squeeze %dma_wait3A_32 : memref<1x16x128xi32, #tpu.memory_space<hbm>> -> memref<16x128xi32, #tpu.memory_space<hbm>>
      %dma_wait3A_34 = arith.constant 0 : i32
      %dma_wait3A_35 = arith.constant 0 : i32
      %dma_wait3A_36 = tpu.memref_slice %arg2[%mul3A_4, %dma_wait3A_34, %dma_wait3A_35] : memref<1600x16x128xi32, #tpu.memory_space<hbm>> -> memref<1x16x128xi32, #tpu.memory_space<hbm>>
      %dma_wait3A_37 = tpu.memref_squeeze %dma_wait3A_36 : memref<1x16x128xi32, #tpu.memory_space<hbm>> -> memref<16x128xi32, #tpu.memory_space<hbm>>
      tpu.wait_dma2 semaphore(%arg12 : memref<!tpu.dma_semaphore, #tpu.memory_space<semaphore_mem>>) src(%dma_wait3A_37 : memref<16x128xi32, #tpu.memory_space<hbm>>) dst(%arg7 : memref<16x128xi32, #tpu.memory_space<vmem>>)
      %parallel_loop3A = arith.constant 0 : i32
      %parallel_loop3A_38 = arith.constant 1024 : i32
      %parallel_loop3A_39 = arith.constant 16 : i32
      scf.for %parallel_loop3A_194 = %parallel_loop3A to %parallel_loop3A_38 step %parallel_loop3A_39  : i32 {
        %parallel_loop3A_195 = arith.constant 128 : i32
        %parallel_loop3A_196 = arith.divsi %parallel_loop3A_194, %parallel_loop3A_195 : i32
        %parallel_loop3A_197 = arith.constant 0 : i32
        %parallel_loop3A_198 = arith.cmpi sgt, %parallel_loop3A_194, %parallel_loop3A_197 : i32
        %parallel_loop3A_199 = arith.extui %parallel_loop3A_198 : i1 to i32
        %parallel_loop3A_200 = arith.constant 0 : i32
        %parallel_loop3A_201 = arith.cmpi slt, %parallel_loop3A_194, %parallel_loop3A_200 : i32
        %parallel_loop3A_202 = arith.extui %parallel_loop3A_201 : i1 to i32
        %parallel_loop3A_203 = arith.subi %parallel_loop3A_199, %parallel_loop3A_202 : i32
        %parallel_loop3A_204 = arith.constant 0 : i32
        %parallel_loop3A_205 = arith.cmpi sgt, %parallel_loop3A_195, %parallel_loop3A_204 : i32
        %parallel_loop3A_206 = arith.extui %parallel_loop3A_205 : i1 to i32
        %parallel_loop3A_207 = arith.constant 0 : i32
        %parallel_loop3A_208 = arith.cmpi slt, %parallel_loop3A_195, %parallel_loop3A_207 : i32
        %parallel_loop3A_209 = arith.extui %parallel_loop3A_208 : i1 to i32
        %parallel_loop3A_210 = arith.subi %parallel_loop3A_206, %parallel_loop3A_209 : i32
        %parallel_loop3A_211 = arith.cmpi ne, %parallel_loop3A_203, %parallel_loop3A_210 : i32
        %parallel_loop3A_212 = arith.remsi %parallel_loop3A_194, %parallel_loop3A_195 : i32
        %parallel_loop3A_213 = arith.constant 0 : i32
        %parallel_loop3A_214 = arith.cmpi ne, %parallel_loop3A_212, %parallel_loop3A_213 : i32
        %parallel_loop3A_215 = arith.andi %parallel_loop3A_211, %parallel_loop3A_214 : i1
        %parallel_loop3A_216 = arith.constant 1 : i32
        %parallel_loop3A_217 = arith.subi %parallel_loop3A_196, %parallel_loop3A_216 : i32
        %parallel_loop3A_218 = arith.select %parallel_loop3A_215, %parallel_loop3A_217, %parallel_loop3A_196 : i32
        %parallel_loop3A_219 = arith.constant 128 : i32
        %parallel_loop3A_220 = arith.remsi %parallel_loop3A_194, %parallel_loop3A_219 : i32
        %parallel_loop3A_221 = arith.index_cast %parallel_loop3A_218 : i32 to index
        %parallel_loop3A_222 = arith.index_cast %parallel_loop3A_220 : i32 to index
        %parallel_loop3A_223 = tpu.vector_load %arg7[%parallel_loop3A_221, %parallel_loop3A_222] {strides = array<i32>} : memref<16x128xi32, #tpu.memory_space<vmem>>, vector<16xi32>,
        %parallel_loop3A_224 = tpu.vector_load_idx %arg6[%parallel_loop3A_223] : memref<100352xf32, #tpu.memory_space<vmem>>[vector<16xi32>], vector<16xf32>,
        %parallel_loop3A_225 = arith.index_cast %parallel_loop3A_194 : i32 to index
        %parallel_loop3A_226 = tpu.vector_load %arg9[%parallel_loop3A_225] {strides = array<i32>} : memref<1024xf32, #tpu.memory_space<vmem>>, vector<16xf32>,
        tpu.vector_store %arg9[%parallel_loop3A_225], %parallel_loop3A_224 {strides = array<i32>} : memref<1024xf32, #tpu.memory_space<vmem>>, vector<16xf32>,
      } {sc.loop_unroll_factor = 16 : i64, sc.parallel_access}
      %dma_start3A_40 = arith.constant 8 : i32
      %dma_start3A_41 = arith.constant 0 : i32
      %dma_start3A_42 = tpu.memref_slice %arg9[%dma_start3A_41] : memref<1024xf32, #tpu.memory_space<vmem>> -> memref<128xf32, #tpu.memory_space<vmem>>
      %dma_start3A_43 = arith.constant 0 : i32
      %dma_start3A_44 = tpu.memref_slice %arg7[%dma_start3A_40, %dma_start3A_43] : memref<16x128xi32, #tpu.memory_space<vmem>> -> memref<1x128xi32, #tpu.memory_space<vmem>>
      %dma_start3A_45 = tpu.memref_squeeze %dma_start3A_44 : memref<1x128xi32, #tpu.memory_space<vmem>> -> memref<128xi32, #tpu.memory_space<vmem>>
      %dma_start3A_46 = arith.constant 0 : i32
      %dma_start3A_47 = tpu.memref_slice %arg11[%dma_start3A_46] : memref<100352xf32, #tpu.memory_space<vmem_shared>> -> memref<100352xf32, #tpu.memory_space<vmem_shared>>
      tpu.enqueue_indirect_dma source(%dma_start3A_42 : memref<128xf32, #tpu.memory_space<vmem>>) target(%dma_start3A_47 : memref<100352xf32, #tpu.memory_space<vmem_shared>>) offsets(%dma_start3A_45 : memref<128xi32, #tpu.memory_space<vmem>>) semaphore(%arg14 : memref<!tpu.dma_semaphore, #tpu.memory_space<semaphore_mem>>) {add = true}
      %dma_start3A_48 = arith.constant 9 : i32
      %dma_start3A_49 = arith.constant 128 : i32
      %dma_start3A_50 = tpu.memref_slice %arg9[%dma_start3A_49] : memref<1024xf32, #tpu.memory_space<vmem>> -> memref<128xf32, #tpu.memory_space<vmem>>
      %dma_start3A_51 = arith.constant 0 : i32
      %dma_start3A_52 = tpu.memref_slice %arg7[%dma_start3A_48, %dma_start3A_51] : memref<16x128xi32, #tpu.memory_space<vmem>> -> memref<1x128xi32, #tpu.memory_space<vmem>>
      %dma_start3A_53 = tpu.memref_squeeze %dma_start3A_52 : memref<1x128xi32, #tpu.memory_space<vmem>> -> memref<128xi32, #tpu.memory_space<vmem>>
      %dma_start3A_54 = arith.constant 0 : i32
      %dma_start3A_55 = tpu.memref_slice %arg11[%dma_start3A_54] : memref<100352xf32, #tpu.memory_space<vmem_shared>> -> memref<100352xf32, #tpu.memory_space<vmem_shared>>
      tpu.enqueue_indirect_dma source(%dma_start3A_50 : memref<128xf32, #tpu.memory_space<vmem>>) target(%dma_start3A_55 : memref<100352xf32, #tpu.memory_space<vmem_shared>>) offsets(%dma_start3A_53 : memref<128xi32, #tpu.memory_space<vmem>>) semaphore(%arg14 : memref<!tpu.dma_semaphore, #tpu.memory_space<semaphore_mem>>) {add = true}
      %dma_start3A_56 = arith.constant 10 : i32
      %dma_start3A_57 = arith.constant 256 : i32
      %dma_start3A_58 = tpu.memref_slice %arg9[%dma_start3A_57] : memref<1024xf32, #tpu.memory_space<vmem>> -> memref<128xf32, #tpu.memory_space<vmem>>
      %dma_start3A_59 = arith.constant 0 : i32
      %dma_start3A_60 = tpu.memref_slice %arg7[%dma_start3A_56, %dma_start3A_59] : memref<16x128xi32, #tpu.memory_space<vmem>> -> memref<1x128xi32, #tpu.memory_space<vmem>>
      %dma_start3A_61 = tpu.memref_squeeze %dma_start3A_60 : memref<1x128xi32, #tpu.memory_space<vmem>> -> memref<128xi32, #tpu.memory_space<vmem>>
      %dma_start3A_62 = arith.constant 0 : i32
      %dma_start3A_63 = tpu.memref_slice %arg11[%dma_start3A_62] : memref<100352xf32, #tpu.memory_space<vmem_shared>> -> memref<100352xf32, #tpu.memory_space<vmem_shared>>
      tpu.enqueue_indirect_dma source(%dma_start3A_58 : memref<128xf32, #tpu.memory_space<vmem>>) target(%dma_start3A_63 : memref<100352xf32, #tpu.memory_space<vmem_shared>>) offsets(%dma_start3A_61 : memref<128xi32, #tpu.memory_space<vmem>>) semaphore(%arg14 : memref<!tpu.dma_semaphore, #tpu.memory_space<semaphore_mem>>) {add = true}
      %dma_start3A_64 = arith.constant 11 : i32
      %dma_start3A_65 = arith.constant 384 : i32
      %dma_start3A_66 = tpu.memref_slice %arg9[%dma_start3A_65] : memref<1024xf32, #tpu.memory_space<vmem>> -> memref<128xf32, #tpu.memory_space<vmem>>
      %dma_start3A_67 = arith.constant 0 : i32
      %dma_start3A_68 = tpu.memref_slice %arg7[%dma_start3A_64, %dma_start3A_67] : memref<16x128xi32, #tpu.memory_space<vmem>> -> memref<1x128xi32, #tpu.memory_space<vmem>>
      %dma_start3A_69 = tpu.memref_squeeze %dma_start3A_68 : memref<1x128xi32, #tpu.memory_space<vmem>> -> memref<128xi32, #tpu.memory_space<vmem>>
      %dma_start3A_70 = arith.constant 0 : i32
      %dma_start3A_71 = tpu.memref_slice %arg11[%dma_start3A_70] : memref<100352xf32, #tpu.memory_space<vmem_shared>> -> memref<100352xf32, #tpu.memory_space<vmem_shared>>
      tpu.enqueue_indirect_dma source(%dma_start3A_66 : memref<128xf32, #tpu.memory_space<vmem>>) target(%dma_start3A_71 : memref<100352xf32, #tpu.memory_space<vmem_shared>>) offsets(%dma_start3A_69 : memref<128xi32, #tpu.memory_space<vmem>>) semaphore(%arg14 : memref<!tpu.dma_semaphore, #tpu.memory_space<semaphore_mem>>) {add = true}
      %dma_start3A_72 = arith.constant 12 : i32
      %dma_start3A_73 = arith.constant 512 : i32
      %dma_start3A_74 = tpu.memref_slice %arg9[%dma_start3A_73] : memref<1024xf32, #tpu.memory_space<vmem>> -> memref<128xf32, #tpu.memory_space<vmem>>
      %dma_start3A_75 = arith.constant 0 : i32
      %dma_start3A_76 = tpu.memref_slice %arg7[%dma_start3A_72, %dma_start3A_75] : memref<16x128xi32, #tpu.memory_space<vmem>> -> memref<1x128xi32, #tpu.memory_space<vmem>>
      %dma_start3A_77 = tpu.memref_squeeze %dma_start3A_76 : memref<1x128xi32, #tpu.memory_space<vmem>> -> memref<128xi32, #tpu.memory_space<vmem>>
      %dma_start3A_78 = arith.constant 0 : i32
      %dma_start3A_79 = tpu.memref_slice %arg11[%dma_start3A_78] : memref<100352xf32, #tpu.memory_space<vmem_shared>> -> memref<100352xf32, #tpu.memory_space<vmem_shared>>
      tpu.enqueue_indirect_dma source(%dma_start3A_74 : memref<128xf32, #tpu.memory_space<vmem>>) target(%dma_start3A_79 : memref<100352xf32, #tpu.memory_space<vmem_shared>>) offsets(%dma_start3A_77 : memref<128xi32, #tpu.memory_space<vmem>>) semaphore(%arg14 : memref<!tpu.dma_semaphore, #tpu.memory_space<semaphore_mem>>) {add = true}
      %dma_start3A_80 = arith.constant 13 : i32
      %dma_start3A_81 = arith.constant 640 : i32
      %dma_start3A_82 = tpu.memref_slice %arg9[%dma_start3A_81] : memref<1024xf32, #tpu.memory_space<vmem>> -> memref<128xf32, #tpu.memory_space<vmem>>
      %dma_start3A_83 = arith.constant 0 : i32
      %dma_start3A_84 = tpu.memref_slice %arg7[%dma_start3A_80, %dma_start3A_83] : memref<16x128xi32, #tpu.memory_space<vmem>> -> memref<1x128xi32, #tpu.memory_space<vmem>>
      %dma_start3A_85 = tpu.memref_squeeze %dma_start3A_84 : memref<1x128xi32, #tpu.memory_space<vmem>> -> memref<128xi32, #tpu.memory_space<vmem>>
      %dma_start3A_86 = arith.constant 0 : i32
      %dma_start3A_87 = tpu.memref_slice %arg11[%dma_start3A_86] : memref<100352xf32, #tpu.memory_space<vmem_shared>> -> memref<100352xf32, #tpu.memory_space<vmem_shared>>
      tpu.enqueue_indirect_dma source(%dma_start3A_82 : memref<128xf32, #tpu.memory_space<vmem>>) target(%dma_start3A_87 : memref<100352xf32, #tpu.memory_space<vmem_shared>>) offsets(%dma_start3A_85 : memref<128xi32, #tpu.memory_space<vmem>>) semaphore(%arg14 : memref<!tpu.dma_semaphore, #tpu.memory_space<semaphore_mem>>) {add = true}
      %dma_start3A_88 = arith.constant 14 : i32
      %dma_start3A_89 = arith.constant 768 : i32
      %dma_start3A_90 = tpu.memref_slice %arg9[%dma_start3A_89] : memref<1024xf32, #tpu.memory_space<vmem>> -> memref<128xf32, #tpu.memory_space<vmem>>
      %dma_start3A_91 = arith.constant 0 : i32
      %dma_start3A_92 = tpu.memref_slice %arg7[%dma_start3A_88, %dma_start3A_91] : memref<16x128xi32, #tpu.memory_space<vmem>> -> memref<1x128xi32, #tpu.memory_space<vmem>>
      %dma_start3A_93 = tpu.memref_squeeze %dma_start3A_92 : memref<1x128xi32, #tpu.memory_space<vmem>> -> memref<128xi32, #tpu.memory_space<vmem>>
      %dma_start3A_94 = arith.constant 0 : i32
      %dma_start3A_95 = tpu.memref_slice %arg11[%dma_start3A_94] : memref<100352xf32, #tpu.memory_space<vmem_shared>> -> memref<100352xf32, #tpu.memory_space<vmem_shared>>
      tpu.enqueue_indirect_dma source(%dma_start3A_90 : memref<128xf32, #tpu.memory_space<vmem>>) target(%dma_start3A_95 : memref<100352xf32, #tpu.memory_space<vmem_shared>>) offsets(%dma_start3A_93 : memref<128xi32, #tpu.memory_space<vmem>>) semaphore(%arg14 : memref<!tpu.dma_semaphore, #tpu.memory_space<semaphore_mem>>) {add = true}
      %dma_start3A_96 = arith.constant 15 : i32
      %dma_start3A_97 = arith.constant 896 : i32
      %dma_start3A_98 = tpu.memref_slice %arg9[%dma_start3A_97] : memref<1024xf32, #tpu.memory_space<vmem>> -> memref<128xf32, #tpu.memory_space<vmem>>
      %dma_start3A_99 = arith.constant 0 : i32
      %dma_start3A_100 = tpu.memref_slice %arg7[%dma_start3A_96, %dma_start3A_99] : memref<16x128xi32, #tpu.memory_space<vmem>> -> memref<1x128xi32, #tpu.memory_space<vmem>>
      %dma_start3A_101 = tpu.memref_squeeze %dma_start3A_100 : memref<1x128xi32, #tpu.memory_space<vmem>> -> memref<128xi32, #tpu.memory_space<vmem>>
      %dma_start3A_102 = arith.constant 0 : i32
      %dma_start3A_103 = tpu.memref_slice %arg11[%dma_start3A_102] : memref<100352xf32, #tpu.memory_space<vmem_shared>> -> memref<100352xf32, #tpu.memory_space<vmem_shared>>
      tpu.enqueue_indirect_dma source(%dma_start3A_98 : memref<128xf32, #tpu.memory_space<vmem>>) target(%dma_start3A_103 : memref<100352xf32, #tpu.memory_space<vmem_shared>>) offsets(%dma_start3A_101 : memref<128xi32, #tpu.memory_space<vmem>>) semaphore(%arg14 : memref<!tpu.dma_semaphore, #tpu.memory_space<semaphore_mem>>) {add = true}
      %dma_wait3A_104 = arith.constant 0 : i32
      %dma_wait3A_105 = tpu.memref_slice %arg4[%dma_wait3A_104] : memref<100352xf32, #tpu.memory_space<hbm>> -> memref<1024xf32, #tpu.memory_space<hbm>>
      %dma_wait3A_106 = arith.constant 0 : i32
      %dma_wait3A_107 = tpu.memref_slice %arg4[%dma_wait3A_106] : memref<100352xf32, #tpu.memory_space<hbm>> -> memref<1024xf32, #tpu.memory_space<hbm>>
      tpu.wait_dma2 semaphore(%arg14 : memref<!tpu.dma_semaphore, #tpu.memory_space<semaphore_mem>>) src(%dma_wait3A_107 : memref<1024xf32, #tpu.memory_space<hbm>>) dst(%arg9 : memref<1024xf32, #tpu.memory_space<vmem>>)
      %lt3A = arith.constant 24 : i32
      %lt3A_108 = arith.cmpi slt, %scan3A_30, %lt3A : i32
      %convert_element_type3A = arith.extui %lt3A_108 : i1 to i32
      %cond3A = arith.constant 0 : i32
      %cond3A_109 = arith.cmpi ne, %convert_element_type3A, %cond3A : i32
      scf.if %cond3A_109 {
        %mul3A_194 = arith.constant 2 : i32
        %mul3A_195 = arith.muli %mul3A_194, %scan3A_30 : i32
        %add3A_196 = arith.addi %mul3A_4, %mul3A_195 : i32
        %add3A_197 = arith.constant 0 : i32
        %add3A_198 = arith.addi %add3A_196, %add3A_197 : i32
        %add3A_199 = arith.constant 2 : i32
        %add3A_200 = arith.addi %add3A_198, %add3A_199 : i32
        %dma_start3A_201 = arith.constant 0 : i32
        %dma_start3A_202 = arith.constant 0 : i32
        %dma_start3A_203 = tpu.memref_slice %arg2[%add3A_200, %dma_start3A_201, %dma_start3A_202] : memref<1600x16x128xi32, #tpu.memory_space<hbm>> -> memref<1x16x128xi32, #tpu.memory_space<hbm>>
        %dma_start3A_204 = tpu.memref_squeeze %dma_start3A_203 : memref<1x16x128xi32, #tpu.memory_space<hbm>> -> memref<16x128xi32, #tpu.memory_space<hbm>>
        %dma_start3A_205 = arith.constant 0 : i32
        %dma_start3A_206 = arith.constant 0 : i32
        %dma_start3A_207 = tpu.memref_slice %arg2[%add3A_200, %dma_start3A_205, %dma_start3A_206] : memref<1600x16x128xi32, #tpu.memory_space<hbm>> -> memref<1x16x128xi32, #tpu.memory_space<hbm>>
        %dma_start3A_208 = tpu.memref_squeeze %dma_start3A_207 : memref<1x16x128xi32, #tpu.memory_space<hbm>> -> memref<16x128xi32, #tpu.memory_space<hbm>>
        tpu.enqueue_dma source(%dma_start3A_208 : memref<16x128xi32, #tpu.memory_space<hbm>>) target(%arg7 : memref<16x128xi32, #tpu.memory_space<vmem>>) target_semaphore(%arg12 : memref<!tpu.dma_semaphore, #tpu.memory_space<semaphore_mem>>)
      } else {
      }
      %dma_wait3A_110 = arith.constant 0 : i32
      %dma_wait3A_111 = arith.constant 0 : i32
      %dma_wait3A_112 = tpu.memref_slice %arg2[%mul3A_4, %dma_wait3A_110, %dma_wait3A_111] : memref<1600x16x128xi32, #tpu.memory_space<hbm>> -> memref<1x16x128xi32, #tpu.memory_space<hbm>>
      %dma_wait3A_113 = tpu.memref_squeeze %dma_wait3A_112 : memref<1x16x128xi32, #tpu.memory_space<hbm>> -> memref<16x128xi32, #tpu.memory_space<hbm>>
      %dma_wait3A_114 = arith.constant 0 : i32
      %dma_wait3A_115 = arith.constant 0 : i32
      %dma_wait3A_116 = tpu.memref_slice %arg2[%mul3A_4, %dma_wait3A_114, %dma_wait3A_115] : memref<1600x16x128xi32, #tpu.memory_space<hbm>> -> memref<1x16x128xi32, #tpu.memory_space<hbm>>
      %dma_wait3A_117 = tpu.memref_squeeze %dma_wait3A_116 : memref<1x16x128xi32, #tpu.memory_space<hbm>> -> memref<16x128xi32, #tpu.memory_space<hbm>>
      tpu.wait_dma2 semaphore(%arg13 : memref<!tpu.dma_semaphore, #tpu.memory_space<semaphore_mem>>) src(%dma_wait3A_117 : memref<16x128xi32, #tpu.memory_space<hbm>>) dst(%arg8 : memref<16x128xi32, #tpu.memory_space<vmem>>)
      %parallel_loop3A_118 = arith.constant 0 : i32
      %parallel_loop3A_119 = arith.constant 1024 : i32
      %parallel_loop3A_120 = arith.constant 16 : i32
      scf.for %parallel_loop3A_194 = %parallel_loop3A_118 to %parallel_loop3A_119 step %parallel_loop3A_120  : i32 {
        %parallel_loop3A_195 = arith.constant 128 : i32
        %parallel_loop3A_196 = arith.divsi %parallel_loop3A_194, %parallel_loop3A_195 : i32
        %parallel_loop3A_197 = arith.constant 0 : i32
        %parallel_loop3A_198 = arith.cmpi sgt, %parallel_loop3A_194, %parallel_loop3A_197 : i32
        %parallel_loop3A_199 = arith.extui %parallel_loop3A_198 : i1 to i32
        %parallel_loop3A_200 = arith.constant 0 : i32
        %parallel_loop3A_201 = arith.cmpi slt, %parallel_loop3A_194, %parallel_loop3A_200 : i32
        %parallel_loop3A_202 = arith.extui %parallel_loop3A_201 : i1 to i32
        %parallel_loop3A_203 = arith.subi %parallel_loop3A_199, %parallel_loop3A_202 : i32
        %parallel_loop3A_204 = arith.constant 0 : i32
        %parallel_loop3A_205 = arith.cmpi sgt, %parallel_loop3A_195, %parallel_loop3A_204 : i32
        %parallel_loop3A_206 = arith.extui %parallel_loop3A_205 : i1 to i32
        %parallel_loop3A_207 = arith.constant 0 : i32
        %parallel_loop3A_208 = arith.cmpi slt, %parallel_loop3A_195, %parallel_loop3A_207 : i32
        %parallel_loop3A_209 = arith.extui %parallel_loop3A_208 : i1 to i32
        %parallel_loop3A_210 = arith.subi %parallel_loop3A_206, %parallel_loop3A_209 : i32
        %parallel_loop3A_211 = arith.cmpi ne, %parallel_loop3A_203, %parallel_loop3A_210 : i32
        %parallel_loop3A_212 = arith.remsi %parallel_loop3A_194, %parallel_loop3A_195 : i32
        %parallel_loop3A_213 = arith.constant 0 : i32
        %parallel_loop3A_214 = arith.cmpi ne, %parallel_loop3A_212, %parallel_loop3A_213 : i32
        %parallel_loop3A_215 = arith.andi %parallel_loop3A_211, %parallel_loop3A_214 : i1
        %parallel_loop3A_216 = arith.constant 1 : i32
        %parallel_loop3A_217 = arith.subi %parallel_loop3A_196, %parallel_loop3A_216 : i32
        %parallel_loop3A_218 = arith.select %parallel_loop3A_215, %parallel_loop3A_217, %parallel_loop3A_196 : i32
        %parallel_loop3A_219 = arith.constant 128 : i32
        %parallel_loop3A_220 = arith.remsi %parallel_loop3A_194, %parallel_loop3A_219 : i32
        %parallel_loop3A_221 = arith.index_cast %parallel_loop3A_218 : i32 to index
        %parallel_loop3A_222 = arith.index_cast %parallel_loop3A_220 : i32 to index
        %parallel_loop3A_223 = tpu.vector_load %arg8[%parallel_loop3A_221, %parallel_loop3A_222] {strides = array<i32>} : memref<16x128xi32, #tpu.memory_space<vmem>>, vector<16xi32>,
        %parallel_loop3A_224 = tpu.vector_load_idx %arg6[%parallel_loop3A_223] : memref<100352xf32, #tpu.memory_space<vmem>>[vector<16xi32>], vector<16xf32>,
        %parallel_loop3A_225 = arith.index_cast %parallel_loop3A_194 : i32 to index
        %parallel_loop3A_226 = tpu.vector_load %arg10[%parallel_loop3A_225] {strides = array<i32>} : memref<1024xf32, #tpu.memory_space<vmem>>, vector<16xf32>,
        tpu.vector_store %arg10[%parallel_loop3A_225], %parallel_loop3A_224 {strides = array<i32>} : memref<1024xf32, #tpu.memory_space<vmem>>, vector<16xf32>,
      } {sc.loop_unroll_factor = 16 : i64, sc.parallel_access}
      %dma_start3A_121 = arith.constant 8 : i32
      %dma_start3A_122 = arith.constant 0 : i32
      %dma_start3A_123 = tpu.memref_slice %arg10[%dma_start3A_122] : memref<1024xf32, #tpu.memory_space<vmem>> -> memref<128xf32, #tpu.memory_space<vmem>>
      %dma_start3A_124 = arith.constant 0 : i32
      %dma_start3A_125 = tpu.memref_slice %arg8[%dma_start3A_121, %dma_start3A_124] : memref<16x128xi32, #tpu.memory_space<vmem>> -> memref<1x128xi32, #tpu.memory_space<vmem>>
      %dma_start3A_126 = tpu.memref_squeeze %dma_start3A_125 : memref<1x128xi32, #tpu.memory_space<vmem>> -> memref<128xi32, #tpu.memory_space<vmem>>
      %dma_start3A_127 = arith.constant 0 : i32
      %dma_start3A_128 = tpu.memref_slice %arg11[%dma_start3A_127] : memref<100352xf32, #tpu.memory_space<vmem_shared>> -> memref<100352xf32, #tpu.memory_space<vmem_shared>>
      tpu.enqueue_indirect_dma source(%dma_start3A_123 : memref<128xf32, #tpu.memory_space<vmem>>) target(%dma_start3A_128 : memref<100352xf32, #tpu.memory_space<vmem_shared>>) offsets(%dma_start3A_126 : memref<128xi32, #tpu.memory_space<vmem>>) semaphore(%arg15 : memref<!tpu.dma_semaphore, #tpu.memory_space<semaphore_mem>>) {add = true}
      %dma_start3A_129 = arith.constant 9 : i32
      %dma_start3A_130 = arith.constant 128 : i32
      %dma_start3A_131 = tpu.memref_slice %arg10[%dma_start3A_130] : memref<1024xf32, #tpu.memory_space<vmem>> -> memref<128xf32, #tpu.memory_space<vmem>>
      %dma_start3A_132 = arith.constant 0 : i32
      %dma_start3A_133 = tpu.memref_slice %arg8[%dma_start3A_129, %dma_start3A_132] : memref<16x128xi32, #tpu.memory_space<vmem>> -> memref<1x128xi32, #tpu.memory_space<vmem>>
      %dma_start3A_134 = tpu.memref_squeeze %dma_start3A_133 : memref<1x128xi32, #tpu.memory_space<vmem>> -> memref<128xi32, #tpu.memory_space<vmem>>
      %dma_start3A_135 = arith.constant 0 : i32
      %dma_start3A_136 = tpu.memref_slice %arg11[%dma_start3A_135] : memref<100352xf32, #tpu.memory_space<vmem_shared>> -> memref<100352xf32, #tpu.memory_space<vmem_shared>>
      tpu.enqueue_indirect_dma source(%dma_start3A_131 : memref<128xf32, #tpu.memory_space<vmem>>) target(%dma_start3A_136 : memref<100352xf32, #tpu.memory_space<vmem_shared>>) offsets(%dma_start3A_134 : memref<128xi32, #tpu.memory_space<vmem>>) semaphore(%arg15 : memref<!tpu.dma_semaphore, #tpu.memory_space<semaphore_mem>>) {add = true}
      %dma_start3A_137 = arith.constant 10 : i32
      %dma_start3A_138 = arith.constant 256 : i32
      %dma_start3A_139 = tpu.memref_slice %arg10[%dma_start3A_138] : memref<1024xf32, #tpu.memory_space<vmem>> -> memref<128xf32, #tpu.memory_space<vmem>>
      %dma_start3A_140 = arith.constant 0 : i32
      %dma_start3A_141 = tpu.memref_slice %arg8[%dma_start3A_137, %dma_start3A_140] : memref<16x128xi32, #tpu.memory_space<vmem>> -> memref<1x128xi32, #tpu.memory_space<vmem>>
      %dma_start3A_142 = tpu.memref_squeeze %dma_start3A_141 : memref<1x128xi32, #tpu.memory_space<vmem>> -> memref<128xi32, #tpu.memory_space<vmem>>
      %dma_start3A_143 = arith.constant 0 : i32
      %dma_start3A_144 = tpu.memref_slice %arg11[%dma_start3A_143] : memref<100352xf32, #tpu.memory_space<vmem_shared>> -> memref<100352xf32, #tpu.memory_space<vmem_shared>>
      tpu.enqueue_indirect_dma source(%dma_start3A_139 : memref<128xf32, #tpu.memory_space<vmem>>) target(%dma_start3A_144 : memref<100352xf32, #tpu.memory_space<vmem_shared>>) offsets(%dma_start3A_142 : memref<128xi32, #tpu.memory_space<vmem>>) semaphore(%arg15 : memref<!tpu.dma_semaphore, #tpu.memory_space<semaphore_mem>>) {add = true}
      %dma_start3A_145 = arith.constant 11 : i32
      %dma_start3A_146 = arith.constant 384 : i32
      %dma_start3A_147 = tpu.memref_slice %arg10[%dma_start3A_146] : memref<1024xf32, #tpu.memory_space<vmem>> -> memref<128xf32, #tpu.memory_space<vmem>>
      %dma_start3A_148 = arith.constant 0 : i32
      %dma_start3A_149 = tpu.memref_slice %arg8[%dma_start3A_145, %dma_start3A_148] : memref<16x128xi32, #tpu.memory_space<vmem>> -> memref<1x128xi32, #tpu.memory_space<vmem>>
      %dma_start3A_150 = tpu.memref_squeeze %dma_start3A_149 : memref<1x128xi32, #tpu.memory_space<vmem>> -> memref<128xi32, #tpu.memory_space<vmem>>
      %dma_start3A_151 = arith.constant 0 : i32
      %dma_start3A_152 = tpu.memref_slice %arg11[%dma_start3A_151] : memref<100352xf32, #tpu.memory_space<vmem_shared>> -> memref<100352xf32, #tpu.memory_space<vmem_shared>>
      tpu.enqueue_indirect_dma source(%dma_start3A_147 : memref<128xf32, #tpu.memory_space<vmem>>) target(%dma_start3A_152 : memref<100352xf32, #tpu.memory_space<vmem_shared>>) offsets(%dma_start3A_150 : memref<128xi32, #tpu.memory_space<vmem>>) semaphore(%arg15 : memref<!tpu.dma_semaphore, #tpu.memory_space<semaphore_mem>>) {add = true}
      %dma_start3A_153 = arith.constant 12 : i32
      %dma_start3A_154 = arith.constant 512 : i32
      %dma_start3A_155 = tpu.memref_slice %arg10[%dma_start3A_154] : memref<1024xf32, #tpu.memory_space<vmem>> -> memref<128xf32, #tpu.memory_space<vmem>>
      %dma_start3A_156 = arith.constant 0 : i32
      %dma_start3A_157 = tpu.memref_slice %arg8[%dma_start3A_153, %dma_start3A_156] : memref<16x128xi32, #tpu.memory_space<vmem>> -> memref<1x128xi32, #tpu.memory_space<vmem>>
      %dma_start3A_158 = tpu.memref_squeeze %dma_start3A_157 : memref<1x128xi32, #tpu.memory_space<vmem>> -> memref<128xi32, #tpu.memory_space<vmem>>
      %dma_start3A_159 = arith.constant 0 : i32
      %dma_start3A_160 = tpu.memref_slice %arg11[%dma_start3A_159] : memref<100352xf32, #tpu.memory_space<vmem_shared>> -> memref<100352xf32, #tpu.memory_space<vmem_shared>>
      tpu.enqueue_indirect_dma source(%dma_start3A_155 : memref<128xf32, #tpu.memory_space<vmem>>) target(%dma_start3A_160 : memref<100352xf32, #tpu.memory_space<vmem_shared>>) offsets(%dma_start3A_158 : memref<128xi32, #tpu.memory_space<vmem>>) semaphore(%arg15 : memref<!tpu.dma_semaphore, #tpu.memory_space<semaphore_mem>>) {add = true}
      %dma_start3A_161 = arith.constant 13 : i32
      %dma_start3A_162 = arith.constant 640 : i32
      %dma_start3A_163 = tpu.memref_slice %arg10[%dma_start3A_162] : memref<1024xf32, #tpu.memory_space<vmem>> -> memref<128xf32, #tpu.memory_space<vmem>>
      %dma_start3A_164 = arith.constant 0 : i32
      %dma_start3A_165 = tpu.memref_slice %arg8[%dma_start3A_161, %dma_start3A_164] : memref<16x128xi32, #tpu.memory_space<vmem>> -> memref<1x128xi32, #tpu.memory_space<vmem>>
      %dma_start3A_166 = tpu.memref_squeeze %dma_start3A_165 : memref<1x128xi32, #tpu.memory_space<vmem>> -> memref<128xi32, #tpu.memory_space<vmem>>
      %dma_start3A_167 = arith.constant 0 : i32
      %dma_start3A_168 = tpu.memref_slice %arg11[%dma_start3A_167] : memref<100352xf32, #tpu.memory_space<vmem_shared>> -> memref<100352xf32, #tpu.memory_space<vmem_shared>>
      tpu.enqueue_indirect_dma source(%dma_start3A_163 : memref<128xf32, #tpu.memory_space<vmem>>) target(%dma_start3A_168 : memref<100352xf32, #tpu.memory_space<vmem_shared>>) offsets(%dma_start3A_166 : memref<128xi32, #tpu.memory_space<vmem>>) semaphore(%arg15 : memref<!tpu.dma_semaphore, #tpu.memory_space<semaphore_mem>>) {add = true}
      %dma_start3A_169 = arith.constant 14 : i32
      %dma_start3A_170 = arith.constant 768 : i32
      %dma_start3A_171 = tpu.memref_slice %arg10[%dma_start3A_170] : memref<1024xf32, #tpu.memory_space<vmem>> -> memref<128xf32, #tpu.memory_space<vmem>>
      %dma_start3A_172 = arith.constant 0 : i32
      %dma_start3A_173 = tpu.memref_slice %arg8[%dma_start3A_169, %dma_start3A_172] : memref<16x128xi32, #tpu.memory_space<vmem>> -> memref<1x128xi32, #tpu.memory_space<vmem>>
      %dma_start3A_174 = tpu.memref_squeeze %dma_start3A_173 : memref<1x128xi32, #tpu.memory_space<vmem>> -> memref<128xi32, #tpu.memory_space<vmem>>
      %dma_start3A_175 = arith.constant 0 : i32
      %dma_start3A_176 = tpu.memref_slice %arg11[%dma_start3A_175] : memref<100352xf32, #tpu.memory_space<vmem_shared>> -> memref<100352xf32, #tpu.memory_space<vmem_shared>>
      tpu.enqueue_indirect_dma source(%dma_start3A_171 : memref<128xf32, #tpu.memory_space<vmem>>) target(%dma_start3A_176 : memref<100352xf32, #tpu.memory_space<vmem_shared>>) offsets(%dma_start3A_174 : memref<128xi32, #tpu.memory_space<vmem>>) semaphore(%arg15 : memref<!tpu.dma_semaphore, #tpu.memory_space<semaphore_mem>>) {add = true}
      %dma_start3A_177 = arith.constant 15 : i32
      %dma_start3A_178 = arith.constant 896 : i32
      %dma_start3A_179 = tpu.memref_slice %arg10[%dma_start3A_178] : memref<1024xf32, #tpu.memory_space<vmem>> -> memref<128xf32, #tpu.memory_space<vmem>>
      %dma_start3A_180 = arith.constant 0 : i32
      %dma_start3A_181 = tpu.memref_slice %arg8[%dma_start3A_177, %dma_start3A_180] : memref<16x128xi32, #tpu.memory_space<vmem>> -> memref<1x128xi32, #tpu.memory_space<vmem>>
      %dma_start3A_182 = tpu.memref_squeeze %dma_start3A_181 : memref<1x128xi32, #tpu.memory_space<vmem>> -> memref<128xi32, #tpu.memory_space<vmem>>
      %dma_start3A_183 = arith.constant 0 : i32
      %dma_start3A_184 = tpu.memref_slice %arg11[%dma_start3A_183] : memref<100352xf32, #tpu.memory_space<vmem_shared>> -> memref<100352xf32, #tpu.memory_space<vmem_shared>>
      tpu.enqueue_indirect_dma source(%dma_start3A_179 : memref<128xf32, #tpu.memory_space<vmem>>) target(%dma_start3A_184 : memref<100352xf32, #tpu.memory_space<vmem_shared>>) offsets(%dma_start3A_182 : memref<128xi32, #tpu.memory_space<vmem>>) semaphore(%arg15 : memref<!tpu.dma_semaphore, #tpu.memory_space<semaphore_mem>>) {add = true}
      %dma_wait3A_185 = arith.constant 0 : i32
      %dma_wait3A_186 = tpu.memref_slice %arg4[%dma_wait3A_185] : memref<100352xf32, #tpu.memory_space<hbm>> -> memref<1024xf32, #tpu.memory_space<hbm>>
      %dma_wait3A_187 = arith.constant 0 : i32
      %dma_wait3A_188 = tpu.memref_slice %arg4[%dma_wait3A_187] : memref<100352xf32, #tpu.memory_space<hbm>> -> memref<1024xf32, #tpu.memory_space<hbm>>
      tpu.wait_dma2 semaphore(%arg15 : memref<!tpu.dma_semaphore, #tpu.memory_space<semaphore_mem>>) src(%dma_wait3A_188 : memref<1024xf32, #tpu.memory_space<hbm>>) dst(%arg10 : memref<1024xf32, #tpu.memory_space<vmem>>)
      %lt3A_189 = arith.constant 24 : i32
      %lt3A_190 = arith.cmpi slt, %scan3A_30, %lt3A_189 : i32
      %convert_element_type3A_191 = arith.extui %lt3A_190 : i1 to i32
      %cond3A_192 = arith.constant 0 : i32
      %cond3A_193 = arith.cmpi ne, %convert_element_type3A_191, %cond3A_192 : i32
      scf.if %cond3A_193 {
        %mul3A_194 = arith.constant 2 : i32
        %mul3A_195 = arith.muli %mul3A_194, %scan3A_30 : i32
        %add3A_196 = arith.addi %mul3A_4, %mul3A_195 : i32
        %add3A_197 = arith.constant 1 : i32
        %add3A_198 = arith.addi %add3A_196, %add3A_197 : i32
        %add3A_199 = arith.constant 2 : i32
        %add3A_200 = arith.addi %add3A_198, %add3A_199 : i32
        %dma_start3A_201 = arith.constant 0 : i32
        %dma_start3A_202 = arith.constant 0 : i32
        %dma_start3A_203 = tpu.memref_slice %arg2[%add3A_200, %dma_start3A_201, %dma_start3A_202] : memref<1600x16x128xi32, #tpu.memory_space<hbm>> -> memref<1x16x128xi32, #tpu.memory_space<hbm>>
        %dma_start3A_204 = tpu.memref_squeeze %dma_start3A_203 : memref<1x16x128xi32, #tpu.memory_space<hbm>> -> memref<16x128xi32, #tpu.memory_space<hbm>>
        %dma_start3A_205 = arith.constant 0 : i32
        %dma_start3A_206 = arith.constant 0 : i32
        %dma_start3A_207 = tpu.memref_slice %arg2[%add3A_200, %dma_start3A_205, %dma_start3A_206] : memref<1600x16x128xi32, #tpu.memory_space<hbm>> -> memref<1x16x128xi32, #tpu.memory_space<hbm>>
        %dma_start3A_208 = tpu.memref_squeeze %dma_start3A_207 : memref<1x16x128xi32, #tpu.memory_space<hbm>> -> memref<16x128xi32, #tpu.memory_space<hbm>>
        tpu.enqueue_dma source(%dma_start3A_208 : memref<16x128xi32, #tpu.memory_space<hbm>>) target(%arg8 : memref<16x128xi32, #tpu.memory_space<vmem>>) target_semaphore(%arg13 : memref<!tpu.dma_semaphore, #tpu.memory_space<semaphore_mem>>)
      } else {
      }
    }
    %scan3A_28 = arith.constant 25 : i32
    %barrier3A_29 = arith.constant 0 : index
    tpu.barrier barrier_id(%barrier3A_29)
    "tpu.region"() ({
      %run_scoped3A = tpu.sem_alloc : memref<!tpu.dma_semaphore, #tpu.memory_space<semaphore_mem>>
      %dma_start3A_30 = tpu.memref_slice %arg5[%arg0, %mul3A_2] : memref<2x100352xf32, #tpu.memory_space<hbm>> -> memref<1x6272xf32, #tpu.memory_space<hbm>>
      %dma_start3A_31 = tpu.memref_squeeze %dma_start3A_30 : memref<1x6272xf32, #tpu.memory_space<hbm>> -> memref<6272xf32, #tpu.memory_space<hbm>>
      %dma_start3A_32 = tpu.memref_slice %arg11[%mul3A_2] : memref<100352xf32, #tpu.memory_space<vmem_shared>> -> memref<6272xf32, #tpu.memory_space<vmem_shared>>
      tpu.enqueue_dma source(%dma_start3A_32 : memref<6272xf32, #tpu.memory_space<vmem_shared>>) target(%dma_start3A_31 : memref<6272xf32, #tpu.memory_space<hbm>>) target_semaphore(%run_scoped3A : memref<!tpu.dma_semaphore, #tpu.memory_space<semaphore_mem>>)
      %dma_wait3A = tpu.memref_slice %arg5[%arg0, %mul3A_2] : memref<2x100352xf32, #tpu.memory_space<hbm>> -> memref<1x6272xf32, #tpu.memory_space<hbm>>
      %dma_wait3A_33 = tpu.memref_squeeze %dma_wait3A : memref<1x6272xf32, #tpu.memory_space<hbm>> -> memref<6272xf32, #tpu.memory_space<hbm>>
      %dma_wait3A_34 = tpu.memref_slice %arg11[%mul3A_2] : memref<100352xf32, #tpu.memory_space<vmem_shared>> -> memref<6272xf32, #tpu.memory_space<vmem_shared>>
      tpu.wait_dma2 semaphore(%run_scoped3A : memref<!tpu.dma_semaphore, #tpu.memory_space<semaphore_mem>>) src(%dma_wait3A_34 : memref<6272xf32, #tpu.memory_space<vmem_shared>>) dst(%dma_wait3A_33 : memref<6272xf32, #tpu.memory_space<hbm>>)
      tpu.yield
    }) : () -> ()
    return
  }
}

module attributes {stable_mosaic.version = 14 : i64} {
  func.func @_prep_body(%arg0: i32, %arg1: memref<2x2048xf32, #tpu.memory_space<vmem>>, %arg2: memref<12x2048xf32, #tpu.memory_space<vmem>>, %arg3: memref<12x2048xf32, #tpu.memory_space<vmem>>, %arg4: memref<1x2048xf32, #tpu.memory_space<vmem>>) attributes {dimension_semantics = [#tpu.dimension_semantics<arbitrary>], iteration_bounds = array<i64: 49>, scalar_prefetch = 0 : i64, scratch_operands = 0 : i64, tpu.core_type = #tpu.core_type<tc>, window_params = [{transform_indices = @transform_0, window_bounds = array<i64: 2, 2048>}, {transform_indices = @transform_1, window_bounds = array<i64: 12, 2048>}, {transform_indices = @transform_2, window_bounds = array<i64: 12, 2048>}, {transform_indices = @transform_3, window_bounds = array<i64: 1, 2048>}]} {
    %get3A = arith.constant 0 : index
    %get3A_0 = arith.constant 0 : index
    %get3A_1 = vector.load %arg1[%get3A, %get3A_0] : memref<2x2048xf32, #tpu.memory_space<vmem>>, vector<1x2048xf32>
    %get3A_2 = arith.constant 1 : index
    %get3A_3 = arith.constant 0 : index
    %get3A_4 = vector.load %arg1[%get3A_2, %get3A_3] : memref<2x2048xf32, #tpu.memory_space<vmem>>, vector<1x2048xf32>
    %add3A = arith.addf %get3A_1, %get3A_4 : vector<1x2048xf32>
    %add3A_5 = arith.constant 1.000000e+00 : f32
    %add3A_6 = vector.broadcast %add3A_5 : f32 to vector<1x2048xf32>
    %add3A_7 = arith.addf %add3A, %add3A_6 : vector<1x2048xf32>
    %rsqrt3A = math.rsqrt %add3A_7 : vector<1x2048xf32>
    %swap3A = arith.constant 0 : index
    %swap3A_8 = arith.constant 0 : index
    %swap3A_9 = vector.load %arg4[%swap3A, %swap3A_8] : memref<1x2048xf32, #tpu.memory_space<vmem>>, vector<1x2048xf32>
    tpu.vector_store %arg4[%swap3A, %swap3A_8], %rsqrt3A {strides = array<i32>} : memref<1x2048xf32, #tpu.memory_space<vmem>>, vector<1x2048xf32>,
    %get3A_10 = arith.constant 0 : index
    %get3A_11 = arith.constant 0 : index
    %get3A_12 = vector.load %arg2[%get3A_10, %get3A_11] : memref<12x2048xf32, #tpu.memory_space<vmem>>, vector<12x2048xf32>
    %mul3A = vector.broadcast %rsqrt3A : vector<1x2048xf32> to vector<12x2048xf32>
    %mul3A_13 = arith.mulf %mul3A, %get3A_12 : vector<12x2048xf32>
    %swap3A_14 = arith.constant 0 : index
    %swap3A_15 = arith.constant 0 : index
    %swap3A_16 = vector.load %arg3[%swap3A_14, %swap3A_15] : memref<12x2048xf32, #tpu.memory_space<vmem>>, vector<12x2048xf32>
    tpu.vector_store %arg3[%swap3A_14, %swap3A_15], %mul3A_13 {strides = array<i32>} : memref<12x2048xf32, #tpu.memory_space<vmem>>, vector<12x2048xf32>,
    return
  }
  func.func @transform_0(%arg0: i32) -> (i32, i32) {
    %c0_i32 = arith.constant 0 : i32
    %c0_i32_0 = arith.constant 0 : i32
    return %c0_i32, %arg0 : i32, i32
  }
  func.func @transform_1(%arg0: i32) -> (i32, i32) {
    %c0_i32 = arith.constant 0 : i32
    %c0_i32_0 = arith.constant 0 : i32
    return %c0_i32, %arg0 : i32, i32
  }
  func.func @transform_2(%arg0: i32) -> (i32, i32) {
    %c0_i32 = arith.constant 0 : i32
    %c0_i32_0 = arith.constant 0 : i32
    return %c0_i32, %arg0 : i32, i32
  }
  func.func @transform_3(%arg0: i32) -> (i32, i32) {
    %c0_i32 = arith.constant 0 : i32
    %c0_i32_0 = arith.constant 0 : i32
    return %c0_i32, %arg0 : i32, i32
  }
}

module attributes {stable_mosaic.version = 14 : i64} {
  func.func @_gru_body(%arg0: i32, %arg1: memref<2x12x2048xf32, #tpu.memory_space<vmem>>, %arg2: memref<12x2048xf32, #tpu.memory_space<vmem>>, %arg3: memref<1x2048xf32, #tpu.memory_space<vmem>>, %arg4: memref<16x1xf32, #tpu.memory_space<vmem>>, %arg5: memref<16x1xf32, #tpu.memory_space<vmem>>, %arg6: memref<96x16xf32, #tpu.memory_space<vmem>>, %arg7: memref<96x32xf32, #tpu.memory_space<vmem>>, %arg8: memref<96x1xf32, #tpu.memory_space<vmem>>, %arg9: memref<96x1xf32, #tpu.memory_space<vmem>>, %arg10: memref<1x32xf32, #tpu.memory_space<vmem>>, %arg11: memref<1x2048xf32, #tpu.memory_space<vmem>>) attributes {dimension_semantics = [#tpu.dimension_semantics<arbitrary>], iteration_bounds = array<i64: 49>, scalar_prefetch = 0 : i64, scratch_operands = 0 : i64, tpu.core_type = #tpu.core_type<tc>, window_params = [{transform_indices = @transform_0, window_bounds = array<i64: 2, 12, 2048>}, {transform_indices = @transform_1, window_bounds = array<i64: 12, 2048>}, {transform_indices = @transform_2, window_bounds = array<i64: 1, 2048>}, {pipeline_mode = #tpu.pipeline_mode<synchronous>, transform_indices = @transform_3, window_bounds = array<i64: 16, 1>}, {pipeline_mode = #tpu.pipeline_mode<synchronous>, transform_indices = @transform_4, window_bounds = array<i64: 16, 1>}, {pipeline_mode = #tpu.pipeline_mode<synchronous>, transform_indices = @transform_5, window_bounds = array<i64: 96, 16>}, {pipeline_mode = #tpu.pipeline_mode<synchronous>, transform_indices = @transform_6, window_bounds = array<i64: 96, 32>}, {pipeline_mode = #tpu.pipeline_mode<synchronous>, transform_indices = @transform_7, window_bounds = array<i64: 96, 1>}, {pipeline_mode = #tpu.pipeline_mode<synchronous>, transform_indices = @transform_8, window_bounds = array<i64: 96, 1>}, {pipeline_mode = #tpu.pipeline_mode<synchronous>, transform_indices = @transform_9, window_bounds = array<i64: 1, 32>}, {transform_indices = @transform_10, window_bounds = array<i64: 1, 2048>}]} {
    %get3A = arith.constant 0 : index
    %get3A_0 = arith.constant 0 : index
    %get3A_1 = vector.load %arg3[%get3A, %get3A_0] : memref<1x2048xf32, #tpu.memory_space<vmem>>, vector<1x2048xf32>
    %get3A_2 = arith.constant 0 : index
    %get3A_3 = arith.constant 0 : index
    %get3A_4 = arith.constant 0 : index
    %get3A_5 = vector.load %arg1[%get3A_2, %get3A_3, %get3A_4] : memref<2x12x2048xf32, #tpu.memory_space<vmem>>, vector<1x12x2048xf32>
    %get3A_6 = vector.shape_cast %get3A_5 : vector<1x12x2048xf32> to vector<12x2048xf32>
    %get3A_7 = arith.constant 1 : index
    %get3A_8 = arith.constant 0 : index
    %get3A_9 = arith.constant 0 : index
    %get3A_10 = vector.load %arg1[%get3A_7, %get3A_8, %get3A_9] : memref<2x12x2048xf32, #tpu.memory_space<vmem>>, vector<1x12x2048xf32>
    %get3A_11 = vector.shape_cast %get3A_10 : vector<1x12x2048xf32> to vector<12x2048xf32>
    %add3A = arith.addf %get3A_6, %get3A_11 : vector<12x2048xf32>
    %get3A_12 = arith.constant 0 : index
    %get3A_13 = arith.constant 0 : index
    %get3A_14 = vector.load %arg2[%get3A_12, %get3A_13] : memref<12x2048xf32, #tpu.memory_space<vmem>>, vector<12x2048xf32>
    %add3A_15 = arith.addf %add3A, %get3A_14 : vector<12x2048xf32>
    %mul3A = vector.broadcast %get3A_1 : vector<1x2048xf32> to vector<12x2048xf32>
    %mul3A_16 = arith.mulf %mul3A, %add3A_15 : vector<12x2048xf32>
    %get3A_17 = arith.constant 0 : index
    %get3A_18 = arith.constant 0 : index
    %get3A_19 = vector.load %arg4[%get3A_17, %get3A_18] : memref<16x1xf32, #tpu.memory_space<vmem>>, vector<16x1xf32>
    %get3A_20 = arith.constant 0 : index
    %get3A_21 = arith.constant 0 : index
    %get3A_22 = vector.load %arg5[%get3A_20, %get3A_21] : memref<16x1xf32, #tpu.memory_space<vmem>>, vector<16x1xf32>
    %get3A_23 = arith.constant 0 : index
    %get3A_24 = arith.constant 0 : index
    %get3A_25 = vector.load %arg6[%get3A_23, %get3A_24] : memref<96x16xf32, #tpu.memory_space<vmem>>, vector<96x16xf32>
    %get3A_26 = arith.constant 0 : index
    %get3A_27 = arith.constant 0 : index
    %get3A_28 = vector.load %arg7[%get3A_26, %get3A_27] : memref<96x32xf32, #tpu.memory_space<vmem>>, vector<96x32xf32>
    %get3A_29 = arith.constant 0 : index
    %get3A_30 = arith.constant 0 : index
    %get3A_31 = vector.load %arg8[%get3A_29, %get3A_30] : memref<96x1xf32, #tpu.memory_space<vmem>>, vector<96x1xf32>
    %get3A_32 = arith.constant 0 : index
    %get3A_33 = arith.constant 0 : index
    %get3A_34 = vector.load %arg9[%get3A_32, %get3A_33] : memref<96x1xf32, #tpu.memory_space<vmem>>, vector<96x1xf32>
    %broadcast_in_dim3A = arith.constant 0.000000e+00 : f32
    %broadcast_in_dim3A_35 = vector.broadcast %broadcast_in_dim3A : f32 to vector<32x2048xf32>
    %slice3A = vector.extract_strided_slice %mul3A_16 {offsets = [0, 0], sizes = [1, 2048], strides = [1, 1]} : vector<12x2048xf32> to vector<1x2048xf32>
    %mul3A_36 = vector.broadcast %get3A_19 : vector<16x1xf32> to vector<16x2048xf32>
    %mul3A_37 = vector.broadcast %slice3A : vector<1x2048xf32> to vector<16x2048xf32>
    %mul3A_38 = arith.mulf %mul3A_36, %mul3A_37 : vector<16x2048xf32>
    %add3A_39 = vector.broadcast %get3A_22 : vector<16x1xf32> to vector<16x2048xf32>
    %add3A_40 = arith.addf %mul3A_38, %add3A_39 : vector<16x2048xf32>
    %max3A = arith.constant 0.000000e+00 : f32
    %max3A_41 = vector.broadcast %max3A : f32 to vector<16x2048xf32>
    %max3A_42 = arith.maximumf %add3A_40, %max3A_41 : vector<16x2048xf32>
    %dot_general3A = arith.constant dense<0.000000e+00> : vector<96x2048xf32>
    %dot_general3A_43 = tpu.matmul %get3A_25, %max3A_42, %dot_general3A {dimension_numbers = #tpu.dot_dimension_numbers<[1], [0], [0], [1], [0, 0, 1, 1], [], []>, transpose_lhs_hint = false} : vector<96x16xf32>, vector<16x2048xf32>, vector<96x2048xf32> -> vector<96x2048xf32>
    %add3A_44 = vector.broadcast %get3A_31 : vector<96x1xf32> to vector<96x2048xf32>
    %add3A_45 = arith.addf %dot_general3A_43, %add3A_44 : vector<96x2048xf32>
    %dot_general3A_46 = arith.constant dense<0.000000e+00> : vector<96x2048xf32>
    %dot_general3A_47 = tpu.matmul %get3A_28, %broadcast_in_dim3A_35, %dot_general3A_46 {dimension_numbers = #tpu.dot_dimension_numbers<[1], [0], [0], [1], [0, 0, 1, 1], [], []>, transpose_lhs_hint = false} : vector<96x32xf32>, vector<32x2048xf32>, vector<96x2048xf32> -> vector<96x2048xf32>
    %add3A_48 = vector.broadcast %get3A_34 : vector<96x1xf32> to vector<96x2048xf32>
    %add3A_49 = arith.addf %dot_general3A_47, %add3A_48 : vector<96x2048xf32>
    %slice3A_50 = vector.extract_strided_slice %add3A_45 {offsets = [0, 0], sizes = [32, 2048], strides = [1, 1]} : vector<96x2048xf32> to vector<32x2048xf32>
    %slice3A_51 = vector.extract_strided_slice %add3A_49 {offsets = [0, 0], sizes = [32, 2048], strides = [1, 1]} : vector<96x2048xf32> to vector<32x2048xf32>
    %add3A_52 = arith.addf %slice3A_50, %slice3A_51 : vector<32x2048xf32>
    %logistic3A = arith.negf %add3A_52 : vector<32x2048xf32>
    %logistic3A_53 = math.exp %logistic3A : vector<32x2048xf32>
    %logistic3A_54 = arith.constant 1.000000e+00 : f32
    %logistic3A_55 = vector.broadcast %logistic3A_54 : f32 to vector<32x2048xf32>
    %logistic3A_56 = arith.addf %logistic3A_55, %logistic3A_53 : vector<32x2048xf32>
    %logistic3A_57 = arith.divf %logistic3A_55, %logistic3A_56 : vector<32x2048xf32>
    %slice3A_58 = vector.extract_strided_slice %add3A_45 {offsets = [32, 0], sizes = [32, 2048], strides = [1, 1]} : vector<96x2048xf32> to vector<32x2048xf32>
    %slice3A_59 = vector.extract_strided_slice %add3A_49 {offsets = [32, 0], sizes = [32, 2048], strides = [1, 1]} : vector<96x2048xf32> to vector<32x2048xf32>
    %add3A_60 = arith.addf %slice3A_58, %slice3A_59 : vector<32x2048xf32>
    %logistic3A_61 = arith.negf %add3A_60 : vector<32x2048xf32>
    %logistic3A_62 = math.exp %logistic3A_61 : vector<32x2048xf32>
    %logistic3A_63 = arith.constant 1.000000e+00 : f32
    %logistic3A_64 = vector.broadcast %logistic3A_63 : f32 to vector<32x2048xf32>
    %logistic3A_65 = arith.addf %logistic3A_64, %logistic3A_62 : vector<32x2048xf32>
    %logistic3A_66 = arith.divf %logistic3A_64, %logistic3A_65 : vector<32x2048xf32>
    %slice3A_67 = vector.extract_strided_slice %add3A_45 {offsets = [64, 0], sizes = [32, 2048], strides = [1, 1]} : vector<96x2048xf32> to vector<32x2048xf32>
    %slice3A_68 = vector.extract_strided_slice %add3A_49 {offsets = [64, 0], sizes = [32, 2048], strides = [1, 1]} : vector<96x2048xf32> to vector<32x2048xf32>
    %mul3A_69 = arith.mulf %logistic3A_57, %slice3A_68 : vector<32x2048xf32>
    %add3A_70 = arith.addf %slice3A_67, %mul3A_69 : vector<32x2048xf32>
    %tanh3A = math.tanh %add3A_70 : vector<32x2048xf32>
    %sub3A = arith.constant 1.000000e+00 : f32
    %sub3A_71 = vector.broadcast %sub3A : f32 to vector<32x2048xf32>
    %sub3A_72 = arith.subf %sub3A_71, %logistic3A_66 : vector<32x2048xf32>
    %mul3A_73 = arith.mulf %sub3A_72, %tanh3A : vector<32x2048xf32>
    %mul3A_74 = arith.mulf %logistic3A_66, %broadcast_in_dim3A_35 : vector<32x2048xf32>
    %add3A_75 = arith.addf %mul3A_73, %mul3A_74 : vector<32x2048xf32>
    %slice3A_76 = vector.extract_strided_slice %mul3A_16 {offsets = [1, 0], sizes = [1, 2048], strides = [1, 1]} : vector<12x2048xf32> to vector<1x2048xf32>
    %mul3A_77 = vector.broadcast %get3A_19 : vector<16x1xf32> to vector<16x2048xf32>
    %mul3A_78 = vector.broadcast %slice3A_76 : vector<1x2048xf32> to vector<16x2048xf32>
    %mul3A_79 = arith.mulf %mul3A_77, %mul3A_78 : vector<16x2048xf32>
    %add3A_80 = vector.broadcast %get3A_22 : vector<16x1xf32> to vector<16x2048xf32>
    %add3A_81 = arith.addf %mul3A_79, %add3A_80 : vector<16x2048xf32>
    %max3A_82 = arith.constant 0.000000e+00 : f32
    %max3A_83 = vector.broadcast %max3A_82 : f32 to vector<16x2048xf32>
    %max3A_84 = arith.maximumf %add3A_81, %max3A_83 : vector<16x2048xf32>
    %dot_general3A_85 = arith.constant dense<0.000000e+00> : vector<96x2048xf32>
    %dot_general3A_86 = tpu.matmul %get3A_25, %max3A_84, %dot_general3A_85 {dimension_numbers = #tpu.dot_dimension_numbers<[1], [0], [0], [1], [0, 0, 1, 1], [], []>, transpose_lhs_hint = false} : vector<96x16xf32>, vector<16x2048xf32>, vector<96x2048xf32> -> vector<96x2048xf32>
    %add3A_87 = vector.broadcast %get3A_31 : vector<96x1xf32> to vector<96x2048xf32>
    %add3A_88 = arith.addf %dot_general3A_86, %add3A_87 : vector<96x2048xf32>
    %dot_general3A_89 = arith.constant dense<0.000000e+00> : vector<96x2048xf32>
    %dot_general3A_90 = tpu.matmul %get3A_28, %add3A_75, %dot_general3A_89 {dimension_numbers = #tpu.dot_dimension_numbers<[1], [0], [0], [1], [0, 0, 1, 1], [], []>, transpose_lhs_hint = false} : vector<96x32xf32>, vector<32x2048xf32>, vector<96x2048xf32> -> vector<96x2048xf32>
    %add3A_91 = vector.broadcast %get3A_34 : vector<96x1xf32> to vector<96x2048xf32>
    %add3A_92 = arith.addf %dot_general3A_90, %add3A_91 : vector<96x2048xf32>
    %slice3A_93 = vector.extract_strided_slice %add3A_88 {offsets = [0, 0], sizes = [32, 2048], strides = [1, 1]} : vector<96x2048xf32> to vector<32x2048xf32>
    %slice3A_94 = vector.extract_strided_slice %add3A_92 {offsets = [0, 0], sizes = [32, 2048], strides = [1, 1]} : vector<96x2048xf32> to vector<32x2048xf32>
    %add3A_95 = arith.addf %slice3A_93, %slice3A_94 : vector<32x2048xf32>
    %logistic3A_96 = arith.negf %add3A_95 : vector<32x2048xf32>
    %logistic3A_97 = math.exp %logistic3A_96 : vector<32x2048xf32>
    %logistic3A_98 = arith.constant 1.000000e+00 : f32
    %logistic3A_99 = vector.broadcast %logistic3A_98 : f32 to vector<32x2048xf32>
    %logistic3A_100 = arith.addf %logistic3A_99, %logistic3A_97 : vector<32x2048xf32>
    %logistic3A_101 = arith.divf %logistic3A_99, %logistic3A_100 : vector<32x2048xf32>
    %slice3A_102 = vector.extract_strided_slice %add3A_88 {offsets = [32, 0], sizes = [32, 2048], strides = [1, 1]} : vector<96x2048xf32> to vector<32x2048xf32>
    %slice3A_103 = vector.extract_strided_slice %add3A_92 {offsets = [32, 0], sizes = [32, 2048], strides = [1, 1]} : vector<96x2048xf32> to vector<32x2048xf32>
    %add3A_104 = arith.addf %slice3A_102, %slice3A_103 : vector<32x2048xf32>
    %logistic3A_105 = arith.negf %add3A_104 : vector<32x2048xf32>
    %logistic3A_106 = math.exp %logistic3A_105 : vector<32x2048xf32>
    %logistic3A_107 = arith.constant 1.000000e+00 : f32
    %logistic3A_108 = vector.broadcast %logistic3A_107 : f32 to vector<32x2048xf32>
    %logistic3A_109 = arith.addf %logistic3A_108, %logistic3A_106 : vector<32x2048xf32>
    %logistic3A_110 = arith.divf %logistic3A_108, %logistic3A_109 : vector<32x2048xf32>
    %slice3A_111 = vector.extract_strided_slice %add3A_88 {offsets = [64, 0], sizes = [32, 2048], strides = [1, 1]} : vector<96x2048xf32> to vector<32x2048xf32>
    %slice3A_112 = vector.extract_strided_slice %add3A_92 {offsets = [64, 0], sizes = [32, 2048], strides = [1, 1]} : vector<96x2048xf32> to vector<32x2048xf32>
    %mul3A_113 = arith.mulf %logistic3A_101, %slice3A_112 : vector<32x2048xf32>
    %add3A_114 = arith.addf %slice3A_111, %mul3A_113 : vector<32x2048xf32>
    %tanh3A_115 = math.tanh %add3A_114 : vector<32x2048xf32>
    %sub3A_116 = arith.constant 1.000000e+00 : f32
    %sub3A_117 = vector.broadcast %sub3A_116 : f32 to vector<32x2048xf32>
    %sub3A_118 = arith.subf %sub3A_117, %logistic3A_110 : vector<32x2048xf32>
    %mul3A_119 = arith.mulf %sub3A_118, %tanh3A_115 : vector<32x2048xf32>
    %mul3A_120 = arith.mulf %logistic3A_110, %add3A_75 : vector<32x2048xf32>
    %add3A_121 = arith.addf %mul3A_119, %mul3A_120 : vector<32x2048xf32>
    %slice3A_122 = vector.extract_strided_slice %mul3A_16 {offsets = [2, 0], sizes = [1, 2048], strides = [1, 1]} : vector<12x2048xf32> to vector<1x2048xf32>
    %mul3A_123 = vector.broadcast %get3A_19 : vector<16x1xf32> to vector<16x2048xf32>
    %mul3A_124 = vector.broadcast %slice3A_122 : vector<1x2048xf32> to vector<16x2048xf32>
    %mul3A_125 = arith.mulf %mul3A_123, %mul3A_124 : vector<16x2048xf32>
    %add3A_126 = vector.broadcast %get3A_22 : vector<16x1xf32> to vector<16x2048xf32>
    %add3A_127 = arith.addf %mul3A_125, %add3A_126 : vector<16x2048xf32>
    %max3A_128 = arith.constant 0.000000e+00 : f32
    %max3A_129 = vector.broadcast %max3A_128 : f32 to vector<16x2048xf32>
    %max3A_130 = arith.maximumf %add3A_127, %max3A_129 : vector<16x2048xf32>
    %dot_general3A_131 = arith.constant dense<0.000000e+00> : vector<96x2048xf32>
    %dot_general3A_132 = tpu.matmul %get3A_25, %max3A_130, %dot_general3A_131 {dimension_numbers = #tpu.dot_dimension_numbers<[1], [0], [0], [1], [0, 0, 1, 1], [], []>, transpose_lhs_hint = false} : vector<96x16xf32>, vector<16x2048xf32>, vector<96x2048xf32> -> vector<96x2048xf32>
    %add3A_133 = vector.broadcast %get3A_31 : vector<96x1xf32> to vector<96x2048xf32>
    %add3A_134 = arith.addf %dot_general3A_132, %add3A_133 : vector<96x2048xf32>
    %dot_general3A_135 = arith.constant dense<0.000000e+00> : vector<96x2048xf32>
    %dot_general3A_136 = tpu.matmul %get3A_28, %add3A_121, %dot_general3A_135 {dimension_numbers = #tpu.dot_dimension_numbers<[1], [0], [0], [1], [0, 0, 1, 1], [], []>, transpose_lhs_hint = false} : vector<96x32xf32>, vector<32x2048xf32>, vector<96x2048xf32> -> vector<96x2048xf32>
    %add3A_137 = vector.broadcast %get3A_34 : vector<96x1xf32> to vector<96x2048xf32>
    %add3A_138 = arith.addf %dot_general3A_136, %add3A_137 : vector<96x2048xf32>
    %slice3A_139 = vector.extract_strided_slice %add3A_134 {offsets = [0, 0], sizes = [32, 2048], strides = [1, 1]} : vector<96x2048xf32> to vector<32x2048xf32>
    %slice3A_140 = vector.extract_strided_slice %add3A_138 {offsets = [0, 0], sizes = [32, 2048], strides = [1, 1]} : vector<96x2048xf32> to vector<32x2048xf32>
    %add3A_141 = arith.addf %slice3A_139, %slice3A_140 : vector<32x2048xf32>
    %logistic3A_142 = arith.negf %add3A_141 : vector<32x2048xf32>
    %logistic3A_143 = math.exp %logistic3A_142 : vector<32x2048xf32>
    %logistic3A_144 = arith.constant 1.000000e+00 : f32
    %logistic3A_145 = vector.broadcast %logistic3A_144 : f32 to vector<32x2048xf32>
    %logistic3A_146 = arith.addf %logistic3A_145, %logistic3A_143 : vector<32x2048xf32>
    %logistic3A_147 = arith.divf %logistic3A_145, %logistic3A_146 : vector<32x2048xf32>
    %slice3A_148 = vector.extract_strided_slice %add3A_134 {offsets = [32, 0], sizes = [32, 2048], strides = [1, 1]} : vector<96x2048xf32> to vector<32x2048xf32>
    %slice3A_149 = vector.extract_strided_slice %add3A_138 {offsets = [32, 0], sizes = [32, 2048], strides = [1, 1]} : vector<96x2048xf32> to vector<32x2048xf32>
    %add3A_150 = arith.addf %slice3A_148, %slice3A_149 : vector<32x2048xf32>
    %logistic3A_151 = arith.negf %add3A_150 : vector<32x2048xf32>
    %logistic3A_152 = math.exp %logistic3A_151 : vector<32x2048xf32>
    %logistic3A_153 = arith.constant 1.000000e+00 : f32
    %logistic3A_154 = vector.broadcast %logistic3A_153 : f32 to vector<32x2048xf32>
    %logistic3A_155 = arith.addf %logistic3A_154, %logistic3A_152 : vector<32x2048xf32>
    %logistic3A_156 = arith.divf %logistic3A_154, %logistic3A_155 : vector<32x2048xf32>
    %slice3A_157 = vector.extract_strided_slice %add3A_134 {offsets = [64, 0], sizes = [32, 2048], strides = [1, 1]} : vector<96x2048xf32> to vector<32x2048xf32>
    %slice3A_158 = vector.extract_strided_slice %add3A_138 {offsets = [64, 0], sizes = [32, 2048], strides = [1, 1]} : vector<96x2048xf32> to vector<32x2048xf32>
    %mul3A_159 = arith.mulf %logistic3A_147, %slice3A_158 : vector<32x2048xf32>
    %add3A_160 = arith.addf %slice3A_157, %mul3A_159 : vector<32x2048xf32>
    %tanh3A_161 = math.tanh %add3A_160 : vector<32x2048xf32>
    %sub3A_162 = arith.constant 1.000000e+00 : f32
    %sub3A_163 = vector.broadcast %sub3A_162 : f32 to vector<32x2048xf32>
    %sub3A_164 = arith.subf %sub3A_163, %logistic3A_156 : vector<32x2048xf32>
    %mul3A_165 = arith.mulf %sub3A_164, %tanh3A_161 : vector<32x2048xf32>
    %mul3A_166 = arith.mulf %logistic3A_156, %add3A_121 : vector<32x2048xf32>
    %add3A_167 = arith.addf %mul3A_165, %mul3A_166 : vector<32x2048xf32>
    %slice3A_168 = vector.extract_strided_slice %mul3A_16 {offsets = [3, 0], sizes = [1, 2048], strides = [1, 1]} : vector<12x2048xf32> to vector<1x2048xf32>
    %mul3A_169 = vector.broadcast %get3A_19 : vector<16x1xf32> to vector<16x2048xf32>
    %mul3A_170 = vector.broadcast %slice3A_168 : vector<1x2048xf32> to vector<16x2048xf32>
    %mul3A_171 = arith.mulf %mul3A_169, %mul3A_170 : vector<16x2048xf32>
    %add3A_172 = vector.broadcast %get3A_22 : vector<16x1xf32> to vector<16x2048xf32>
    %add3A_173 = arith.addf %mul3A_171, %add3A_172 : vector<16x2048xf32>
    %max3A_174 = arith.constant 0.000000e+00 : f32
    %max3A_175 = vector.broadcast %max3A_174 : f32 to vector<16x2048xf32>
    %max3A_176 = arith.maximumf %add3A_173, %max3A_175 : vector<16x2048xf32>
    %dot_general3A_177 = arith.constant dense<0.000000e+00> : vector<96x2048xf32>
    %dot_general3A_178 = tpu.matmul %get3A_25, %max3A_176, %dot_general3A_177 {dimension_numbers = #tpu.dot_dimension_numbers<[1], [0], [0], [1], [0, 0, 1, 1], [], []>, transpose_lhs_hint = false} : vector<96x16xf32>, vector<16x2048xf32>, vector<96x2048xf32> -> vector<96x2048xf32>
    %add3A_179 = vector.broadcast %get3A_31 : vector<96x1xf32> to vector<96x2048xf32>
    %add3A_180 = arith.addf %dot_general3A_178, %add3A_179 : vector<96x2048xf32>
    %dot_general3A_181 = arith.constant dense<0.000000e+00> : vector<96x2048xf32>
    %dot_general3A_182 = tpu.matmul %get3A_28, %add3A_167, %dot_general3A_181 {dimension_numbers = #tpu.dot_dimension_numbers<[1], [0], [0], [1], [0, 0, 1, 1], [], []>, transpose_lhs_hint = false} : vector<96x32xf32>, vector<32x2048xf32>, vector<96x2048xf32> -> vector<96x2048xf32>
    %add3A_183 = vector.broadcast %get3A_34 : vector<96x1xf32> to vector<96x2048xf32>
    %add3A_184 = arith.addf %dot_general3A_182, %add3A_183 : vector<96x2048xf32>
    %slice3A_185 = vector.extract_strided_slice %add3A_180 {offsets = [0, 0], sizes = [32, 2048], strides = [1, 1]} : vector<96x2048xf32> to vector<32x2048xf32>
    %slice3A_186 = vector.extract_strided_slice %add3A_184 {offsets = [0, 0], sizes = [32, 2048], strides = [1, 1]} : vector<96x2048xf32> to vector<32x2048xf32>
    %add3A_187 = arith.addf %slice3A_185, %slice3A_186 : vector<32x2048xf32>
    %logistic3A_188 = arith.negf %add3A_187 : vector<32x2048xf32>
    %logistic3A_189 = math.exp %logistic3A_188 : vector<32x2048xf32>
    %logistic3A_190 = arith.constant 1.000000e+00 : f32
    %logistic3A_191 = vector.broadcast %logistic3A_190 : f32 to vector<32x2048xf32>
    %logistic3A_192 = arith.addf %logistic3A_191, %logistic3A_189 : vector<32x2048xf32>
    %logistic3A_193 = arith.divf %logistic3A_191, %logistic3A_192 : vector<32x2048xf32>
    %slice3A_194 = vector.extract_strided_slice %add3A_180 {offsets = [32, 0], sizes = [32, 2048], strides = [1, 1]} : vector<96x2048xf32> to vector<32x2048xf32>
    %slice3A_195 = vector.extract_strided_slice %add3A_184 {offsets = [32, 0], sizes = [32, 2048], strides = [1, 1]} : vector<96x2048xf32> to vector<32x2048xf32>
    %add3A_196 = arith.addf %slice3A_194, %slice3A_195 : vector<32x2048xf32>
    %logistic3A_197 = arith.negf %add3A_196 : vector<32x2048xf32>
    %logistic3A_198 = math.exp %logistic3A_197 : vector<32x2048xf32>
    %logistic3A_199 = arith.constant 1.000000e+00 : f32
    %logistic3A_200 = vector.broadcast %logistic3A_199 : f32 to vector<32x2048xf32>
    %logistic3A_201 = arith.addf %logistic3A_200, %logistic3A_198 : vector<32x2048xf32>
    %logistic3A_202 = arith.divf %logistic3A_200, %logistic3A_201 : vector<32x2048xf32>
    %slice3A_203 = vector.extract_strided_slice %add3A_180 {offsets = [64, 0], sizes = [32, 2048], strides = [1, 1]} : vector<96x2048xf32> to vector<32x2048xf32>
    %slice3A_204 = vector.extract_strided_slice %add3A_184 {offsets = [64, 0], sizes = [32, 2048], strides = [1, 1]} : vector<96x2048xf32> to vector<32x2048xf32>
    %mul3A_205 = arith.mulf %logistic3A_193, %slice3A_204 : vector<32x2048xf32>
    %add3A_206 = arith.addf %slice3A_203, %mul3A_205 : vector<32x2048xf32>
    %tanh3A_207 = math.tanh %add3A_206 : vector<32x2048xf32>
    %sub3A_208 = arith.constant 1.000000e+00 : f32
    %sub3A_209 = vector.broadcast %sub3A_208 : f32 to vector<32x2048xf32>
    %sub3A_210 = arith.subf %sub3A_209, %logistic3A_202 : vector<32x2048xf32>
    %mul3A_211 = arith.mulf %sub3A_210, %tanh3A_207 : vector<32x2048xf32>
    %mul3A_212 = arith.mulf %logistic3A_202, %add3A_167 : vector<32x2048xf32>
    %add3A_213 = arith.addf %mul3A_211, %mul3A_212 : vector<32x2048xf32>
    %slice3A_214 = vector.extract_strided_slice %mul3A_16 {offsets = [4, 0], sizes = [1, 2048], strides = [1, 1]} : vector<12x2048xf32> to vector<1x2048xf32>
    %mul3A_215 = vector.broadcast %get3A_19 : vector<16x1xf32> to vector<16x2048xf32>
    %mul3A_216 = vector.broadcast %slice3A_214 : vector<1x2048xf32> to vector<16x2048xf32>
    %mul3A_217 = arith.mulf %mul3A_215, %mul3A_216 : vector<16x2048xf32>
    %add3A_218 = vector.broadcast %get3A_22 : vector<16x1xf32> to vector<16x2048xf32>
    %add3A_219 = arith.addf %mul3A_217, %add3A_218 : vector<16x2048xf32>
    %max3A_220 = arith.constant 0.000000e+00 : f32
    %max3A_221 = vector.broadcast %max3A_220 : f32 to vector<16x2048xf32>
    %max3A_222 = arith.maximumf %add3A_219, %max3A_221 : vector<16x2048xf32>
    %dot_general3A_223 = arith.constant dense<0.000000e+00> : vector<96x2048xf32>
    %dot_general3A_224 = tpu.matmul %get3A_25, %max3A_222, %dot_general3A_223 {dimension_numbers = #tpu.dot_dimension_numbers<[1], [0], [0], [1], [0, 0, 1, 1], [], []>, transpose_lhs_hint = false} : vector<96x16xf32>, vector<16x2048xf32>, vector<96x2048xf32> -> vector<96x2048xf32>
    %add3A_225 = vector.broadcast %get3A_31 : vector<96x1xf32> to vector<96x2048xf32>
    %add3A_226 = arith.addf %dot_general3A_224, %add3A_225 : vector<96x2048xf32>
    %dot_general3A_227 = arith.constant dense<0.000000e+00> : vector<96x2048xf32>
    %dot_general3A_228 = tpu.matmul %get3A_28, %add3A_213, %dot_general3A_227 {dimension_numbers = #tpu.dot_dimension_numbers<[1], [0], [0], [1], [0, 0, 1, 1], [], []>, transpose_lhs_hint = false} : vector<96x32xf32>, vector<32x2048xf32>, vector<96x2048xf32> -> vector<96x2048xf32>
    %add3A_229 = vector.broadcast %get3A_34 : vector<96x1xf32> to vector<96x2048xf32>
    %add3A_230 = arith.addf %dot_general3A_228, %add3A_229 : vector<96x2048xf32>
    %slice3A_231 = vector.extract_strided_slice %add3A_226 {offsets = [0, 0], sizes = [32, 2048], strides = [1, 1]} : vector<96x2048xf32> to vector<32x2048xf32>
    %slice3A_232 = vector.extract_strided_slice %add3A_230 {offsets = [0, 0], sizes = [32, 2048], strides = [1, 1]} : vector<96x2048xf32> to vector<32x2048xf32>
    %add3A_233 = arith.addf %slice3A_231, %slice3A_232 : vector<32x2048xf32>
    %logistic3A_234 = arith.negf %add3A_233 : vector<32x2048xf32>
    %logistic3A_235 = math.exp %logistic3A_234 : vector<32x2048xf32>
    %logistic3A_236 = arith.constant 1.000000e+00 : f32
    %logistic3A_237 = vector.broadcast %logistic3A_236 : f32 to vector<32x2048xf32>
    %logistic3A_238 = arith.addf %logistic3A_237, %logistic3A_235 : vector<32x2048xf32>
    %logistic3A_239 = arith.divf %logistic3A_237, %logistic3A_238 : vector<32x2048xf32>
    %slice3A_240 = vector.extract_strided_slice %add3A_226 {offsets = [32, 0], sizes = [32, 2048], strides = [1, 1]} : vector<96x2048xf32> to vector<32x2048xf32>
    %slice3A_241 = vector.extract_strided_slice %add3A_230 {offsets = [32, 0], sizes = [32, 2048], strides = [1, 1]} : vector<96x2048xf32> to vector<32x2048xf32>
    %add3A_242 = arith.addf %slice3A_240, %slice3A_241 : vector<32x2048xf32>
    %logistic3A_243 = arith.negf %add3A_242 : vector<32x2048xf32>
    %logistic3A_244 = math.exp %logistic3A_243 : vector<32x2048xf32>
    %logistic3A_245 = arith.constant 1.000000e+00 : f32
    %logistic3A_246 = vector.broadcast %logistic3A_245 : f32 to vector<32x2048xf32>
    %logistic3A_247 = arith.addf %logistic3A_246, %logistic3A_244 : vector<32x2048xf32>
    %logistic3A_248 = arith.divf %logistic3A_246, %logistic3A_247 : vector<32x2048xf32>
    %slice3A_249 = vector.extract_strided_slice %add3A_226 {offsets = [64, 0], sizes = [32, 2048], strides = [1, 1]} : vector<96x2048xf32> to vector<32x2048xf32>
    %slice3A_250 = vector.extract_strided_slice %add3A_230 {offsets = [64, 0], sizes = [32, 2048], strides = [1, 1]} : vector<96x2048xf32> to vector<32x2048xf32>
    %mul3A_251 = arith.mulf %logistic3A_239, %slice3A_250 : vector<32x2048xf32>
    %add3A_252 = arith.addf %slice3A_249, %mul3A_251 : vector<32x2048xf32>
    %tanh3A_253 = math.tanh %add3A_252 : vector<32x2048xf32>
    %sub3A_254 = arith.constant 1.000000e+00 : f32
    %sub3A_255 = vector.broadcast %sub3A_254 : f32 to vector<32x2048xf32>
    %sub3A_256 = arith.subf %sub3A_255, %logistic3A_248 : vector<32x2048xf32>
    %mul3A_257 = arith.mulf %sub3A_256, %tanh3A_253 : vector<32x2048xf32>
    %mul3A_258 = arith.mulf %logistic3A_248, %add3A_213 : vector<32x2048xf32>
    %add3A_259 = arith.addf %mul3A_257, %mul3A_258 : vector<32x2048xf32>
    %slice3A_260 = vector.extract_strided_slice %mul3A_16 {offsets = [5, 0], sizes = [1, 2048], strides = [1, 1]} : vector<12x2048xf32> to vector<1x2048xf32>
    %mul3A_261 = vector.broadcast %get3A_19 : vector<16x1xf32> to vector<16x2048xf32>
    %mul3A_262 = vector.broadcast %slice3A_260 : vector<1x2048xf32> to vector<16x2048xf32>
    %mul3A_263 = arith.mulf %mul3A_261, %mul3A_262 : vector<16x2048xf32>
    %add3A_264 = vector.broadcast %get3A_22 : vector<16x1xf32> to vector<16x2048xf32>
    %add3A_265 = arith.addf %mul3A_263, %add3A_264 : vector<16x2048xf32>
    %max3A_266 = arith.constant 0.000000e+00 : f32
    %max3A_267 = vector.broadcast %max3A_266 : f32 to vector<16x2048xf32>
    %max3A_268 = arith.maximumf %add3A_265, %max3A_267 : vector<16x2048xf32>
    %dot_general3A_269 = arith.constant dense<0.000000e+00> : vector<96x2048xf32>
    %dot_general3A_270 = tpu.matmul %get3A_25, %max3A_268, %dot_general3A_269 {dimension_numbers = #tpu.dot_dimension_numbers<[1], [0], [0], [1], [0, 0, 1, 1], [], []>, transpose_lhs_hint = false} : vector<96x16xf32>, vector<16x2048xf32>, vector<96x2048xf32> -> vector<96x2048xf32>
    %add3A_271 = vector.broadcast %get3A_31 : vector<96x1xf32> to vector<96x2048xf32>
    %add3A_272 = arith.addf %dot_general3A_270, %add3A_271 : vector<96x2048xf32>
    %dot_general3A_273 = arith.constant dense<0.000000e+00> : vector<96x2048xf32>
    %dot_general3A_274 = tpu.matmul %get3A_28, %add3A_259, %dot_general3A_273 {dimension_numbers = #tpu.dot_dimension_numbers<[1], [0], [0], [1], [0, 0, 1, 1], [], []>, transpose_lhs_hint = false} : vector<96x32xf32>, vector<32x2048xf32>, vector<96x2048xf32> -> vector<96x2048xf32>
    %add3A_275 = vector.broadcast %get3A_34 : vector<96x1xf32> to vector<96x2048xf32>
    %add3A_276 = arith.addf %dot_general3A_274, %add3A_275 : vector<96x2048xf32>
    %slice3A_277 = vector.extract_strided_slice %add3A_272 {offsets = [0, 0], sizes = [32, 2048], strides = [1, 1]} : vector<96x2048xf32> to vector<32x2048xf32>
    %slice3A_278 = vector.extract_strided_slice %add3A_276 {offsets = [0, 0], sizes = [32, 2048], strides = [1, 1]} : vector<96x2048xf32> to vector<32x2048xf32>
    %add3A_279 = arith.addf %slice3A_277, %slice3A_278 : vector<32x2048xf32>
    %logistic3A_280 = arith.negf %add3A_279 : vector<32x2048xf32>
    %logistic3A_281 = math.exp %logistic3A_280 : vector<32x2048xf32>
    %logistic3A_282 = arith.constant 1.000000e+00 : f32
    %logistic3A_283 = vector.broadcast %logistic3A_282 : f32 to vector<32x2048xf32>
    %logistic3A_284 = arith.addf %logistic3A_283, %logistic3A_281 : vector<32x2048xf32>
    %logistic3A_285 = arith.divf %logistic3A_283, %logistic3A_284 : vector<32x2048xf32>
    %slice3A_286 = vector.extract_strided_slice %add3A_272 {offsets = [32, 0], sizes = [32, 2048], strides = [1, 1]} : vector<96x2048xf32> to vector<32x2048xf32>
    %slice3A_287 = vector.extract_strided_slice %add3A_276 {offsets = [32, 0], sizes = [32, 2048], strides = [1, 1]} : vector<96x2048xf32> to vector<32x2048xf32>
    %add3A_288 = arith.addf %slice3A_286, %slice3A_287 : vector<32x2048xf32>
    %logistic3A_289 = arith.negf %add3A_288 : vector<32x2048xf32>
    %logistic3A_290 = math.exp %logistic3A_289 : vector<32x2048xf32>
    %logistic3A_291 = arith.constant 1.000000e+00 : f32
    %logistic3A_292 = vector.broadcast %logistic3A_291 : f32 to vector<32x2048xf32>
    %logistic3A_293 = arith.addf %logistic3A_292, %logistic3A_290 : vector<32x2048xf32>
    %logistic3A_294 = arith.divf %logistic3A_292, %logistic3A_293 : vector<32x2048xf32>
    %slice3A_295 = vector.extract_strided_slice %add3A_272 {offsets = [64, 0], sizes = [32, 2048], strides = [1, 1]} : vector<96x2048xf32> to vector<32x2048xf32>
    %slice3A_296 = vector.extract_strided_slice %add3A_276 {offsets = [64, 0], sizes = [32, 2048], strides = [1, 1]} : vector<96x2048xf32> to vector<32x2048xf32>
    %mul3A_297 = arith.mulf %logistic3A_285, %slice3A_296 : vector<32x2048xf32>
    %add3A_298 = arith.addf %slice3A_295, %mul3A_297 : vector<32x2048xf32>
    %tanh3A_299 = math.tanh %add3A_298 : vector<32x2048xf32>
    %sub3A_300 = arith.constant 1.000000e+00 : f32
    %sub3A_301 = vector.broadcast %sub3A_300 : f32 to vector<32x2048xf32>
    %sub3A_302 = arith.subf %sub3A_301, %logistic3A_294 : vector<32x2048xf32>
    %mul3A_303 = arith.mulf %sub3A_302, %tanh3A_299 : vector<32x2048xf32>
    %mul3A_304 = arith.mulf %logistic3A_294, %add3A_259 : vector<32x2048xf32>
    %add3A_305 = arith.addf %mul3A_303, %mul3A_304 : vector<32x2048xf32>
    %slice3A_306 = vector.extract_strided_slice %mul3A_16 {offsets = [6, 0], sizes = [1, 2048], strides = [1, 1]} : vector<12x2048xf32> to vector<1x2048xf32>
    %mul3A_307 = vector.broadcast %get3A_19 : vector<16x1xf32> to vector<16x2048xf32>
    %mul3A_308 = vector.broadcast %slice3A_306 : vector<1x2048xf32> to vector<16x2048xf32>
    %mul3A_309 = arith.mulf %mul3A_307, %mul3A_308 : vector<16x2048xf32>
    %add3A_310 = vector.broadcast %get3A_22 : vector<16x1xf32> to vector<16x2048xf32>
    %add3A_311 = arith.addf %mul3A_309, %add3A_310 : vector<16x2048xf32>
    %max3A_312 = arith.constant 0.000000e+00 : f32
    %max3A_313 = vector.broadcast %max3A_312 : f32 to vector<16x2048xf32>
    %max3A_314 = arith.maximumf %add3A_311, %max3A_313 : vector<16x2048xf32>
    %dot_general3A_315 = arith.constant dense<0.000000e+00> : vector<96x2048xf32>
    %dot_general3A_316 = tpu.matmul %get3A_25, %max3A_314, %dot_general3A_315 {dimension_numbers = #tpu.dot_dimension_numbers<[1], [0], [0], [1], [0, 0, 1, 1], [], []>, transpose_lhs_hint = false} : vector<96x16xf32>, vector<16x2048xf32>, vector<96x2048xf32> -> vector<96x2048xf32>
    %add3A_317 = vector.broadcast %get3A_31 : vector<96x1xf32> to vector<96x2048xf32>
    %add3A_318 = arith.addf %dot_general3A_316, %add3A_317 : vector<96x2048xf32>
    %dot_general3A_319 = arith.constant dense<0.000000e+00> : vector<96x2048xf32>
    %dot_general3A_320 = tpu.matmul %get3A_28, %add3A_305, %dot_general3A_319 {dimension_numbers = #tpu.dot_dimension_numbers<[1], [0], [0], [1], [0, 0, 1, 1], [], []>, transpose_lhs_hint = false} : vector<96x32xf32>, vector<32x2048xf32>, vector<96x2048xf32> -> vector<96x2048xf32>
    %add3A_321 = vector.broadcast %get3A_34 : vector<96x1xf32> to vector<96x2048xf32>
    %add3A_322 = arith.addf %dot_general3A_320, %add3A_321 : vector<96x2048xf32>
    %slice3A_323 = vector.extract_strided_slice %add3A_318 {offsets = [0, 0], sizes = [32, 2048], strides = [1, 1]} : vector<96x2048xf32> to vector<32x2048xf32>
    %slice3A_324 = vector.extract_strided_slice %add3A_322 {offsets = [0, 0], sizes = [32, 2048], strides = [1, 1]} : vector<96x2048xf32> to vector<32x2048xf32>
    %add3A_325 = arith.addf %slice3A_323, %slice3A_324 : vector<32x2048xf32>
    %logistic3A_326 = arith.negf %add3A_325 : vector<32x2048xf32>
    %logistic3A_327 = math.exp %logistic3A_326 : vector<32x2048xf32>
    %logistic3A_328 = arith.constant 1.000000e+00 : f32
    %logistic3A_329 = vector.broadcast %logistic3A_328 : f32 to vector<32x2048xf32>
    %logistic3A_330 = arith.addf %logistic3A_329, %logistic3A_327 : vector<32x2048xf32>
    %logistic3A_331 = arith.divf %logistic3A_329, %logistic3A_330 : vector<32x2048xf32>
    %slice3A_332 = vector.extract_strided_slice %add3A_318 {offsets = [32, 0], sizes = [32, 2048], strides = [1, 1]} : vector<96x2048xf32> to vector<32x2048xf32>
    %slice3A_333 = vector.extract_strided_slice %add3A_322 {offsets = [32, 0], sizes = [32, 2048], strides = [1, 1]} : vector<96x2048xf32> to vector<32x2048xf32>
    %add3A_334 = arith.addf %slice3A_332, %slice3A_333 : vector<32x2048xf32>
    %logistic3A_335 = arith.negf %add3A_334 : vector<32x2048xf32>
    %logistic3A_336 = math.exp %logistic3A_335 : vector<32x2048xf32>
    %logistic3A_337 = arith.constant 1.000000e+00 : f32
    %logistic3A_338 = vector.broadcast %logistic3A_337 : f32 to vector<32x2048xf32>
    %logistic3A_339 = arith.addf %logistic3A_338, %logistic3A_336 : vector<32x2048xf32>
    %logistic3A_340 = arith.divf %logistic3A_338, %logistic3A_339 : vector<32x2048xf32>
    %slice3A_341 = vector.extract_strided_slice %add3A_318 {offsets = [64, 0], sizes = [32, 2048], strides = [1, 1]} : vector<96x2048xf32> to vector<32x2048xf32>
    %slice3A_342 = vector.extract_strided_slice %add3A_322 {offsets = [64, 0], sizes = [32, 2048], strides = [1, 1]} : vector<96x2048xf32> to vector<32x2048xf32>
    %mul3A_343 = arith.mulf %logistic3A_331, %slice3A_342 : vector<32x2048xf32>
    %add3A_344 = arith.addf %slice3A_341, %mul3A_343 : vector<32x2048xf32>
    %tanh3A_345 = math.tanh %add3A_344 : vector<32x2048xf32>
    %sub3A_346 = arith.constant 1.000000e+00 : f32
    %sub3A_347 = vector.broadcast %sub3A_346 : f32 to vector<32x2048xf32>
    %sub3A_348 = arith.subf %sub3A_347, %logistic3A_340 : vector<32x2048xf32>
    %mul3A_349 = arith.mulf %sub3A_348, %tanh3A_345 : vector<32x2048xf32>
    %mul3A_350 = arith.mulf %logistic3A_340, %add3A_305 : vector<32x2048xf32>
    %add3A_351 = arith.addf %mul3A_349, %mul3A_350 : vector<32x2048xf32>
    %slice3A_352 = vector.extract_strided_slice %mul3A_16 {offsets = [7, 0], sizes = [1, 2048], strides = [1, 1]} : vector<12x2048xf32> to vector<1x2048xf32>
    %mul3A_353 = vector.broadcast %get3A_19 : vector<16x1xf32> to vector<16x2048xf32>
    %mul3A_354 = vector.broadcast %slice3A_352 : vector<1x2048xf32> to vector<16x2048xf32>
    %mul3A_355 = arith.mulf %mul3A_353, %mul3A_354 : vector<16x2048xf32>
    %add3A_356 = vector.broadcast %get3A_22 : vector<16x1xf32> to vector<16x2048xf32>
    %add3A_357 = arith.addf %mul3A_355, %add3A_356 : vector<16x2048xf32>
    %max3A_358 = arith.constant 0.000000e+00 : f32
    %max3A_359 = vector.broadcast %max3A_358 : f32 to vector<16x2048xf32>
    %max3A_360 = arith.maximumf %add3A_357, %max3A_359 : vector<16x2048xf32>
    %dot_general3A_361 = arith.constant dense<0.000000e+00> : vector<96x2048xf32>
    %dot_general3A_362 = tpu.matmul %get3A_25, %max3A_360, %dot_general3A_361 {dimension_numbers = #tpu.dot_dimension_numbers<[1], [0], [0], [1], [0, 0, 1, 1], [], []>, transpose_lhs_hint = false} : vector<96x16xf32>, vector<16x2048xf32>, vector<96x2048xf32> -> vector<96x2048xf32>
    %add3A_363 = vector.broadcast %get3A_31 : vector<96x1xf32> to vector<96x2048xf32>
    %add3A_364 = arith.addf %dot_general3A_362, %add3A_363 : vector<96x2048xf32>
    %dot_general3A_365 = arith.constant dense<0.000000e+00> : vector<96x2048xf32>
    %dot_general3A_366 = tpu.matmul %get3A_28, %add3A_351, %dot_general3A_365 {dimension_numbers = #tpu.dot_dimension_numbers<[1], [0], [0], [1], [0, 0, 1, 1], [], []>, transpose_lhs_hint = false} : vector<96x32xf32>, vector<32x2048xf32>, vector<96x2048xf32> -> vector<96x2048xf32>
    %add3A_367 = vector.broadcast %get3A_34 : vector<96x1xf32> to vector<96x2048xf32>
    %add3A_368 = arith.addf %dot_general3A_366, %add3A_367 : vector<96x2048xf32>
    %slice3A_369 = vector.extract_strided_slice %add3A_364 {offsets = [0, 0], sizes = [32, 2048], strides = [1, 1]} : vector<96x2048xf32> to vector<32x2048xf32>
    %slice3A_370 = vector.extract_strided_slice %add3A_368 {offsets = [0, 0], sizes = [32, 2048], strides = [1, 1]} : vector<96x2048xf32> to vector<32x2048xf32>
    %add3A_371 = arith.addf %slice3A_369, %slice3A_370 : vector<32x2048xf32>
    %logistic3A_372 = arith.negf %add3A_371 : vector<32x2048xf32>
    %logistic3A_373 = math.exp %logistic3A_372 : vector<32x2048xf32>
    %logistic3A_374 = arith.constant 1.000000e+00 : f32
    %logistic3A_375 = vector.broadcast %logistic3A_374 : f32 to vector<32x2048xf32>
    %logistic3A_376 = arith.addf %logistic3A_375, %logistic3A_373 : vector<32x2048xf32>
    %logistic3A_377 = arith.divf %logistic3A_375, %logistic3A_376 : vector<32x2048xf32>
    %slice3A_378 = vector.extract_strided_slice %add3A_364 {offsets = [32, 0], sizes = [32, 2048], strides = [1, 1]} : vector<96x2048xf32> to vector<32x2048xf32>
    %slice3A_379 = vector.extract_strided_slice %add3A_368 {offsets = [32, 0], sizes = [32, 2048], strides = [1, 1]} : vector<96x2048xf32> to vector<32x2048xf32>
    %add3A_380 = arith.addf %slice3A_378, %slice3A_379 : vector<32x2048xf32>
    %logistic3A_381 = arith.negf %add3A_380 : vector<32x2048xf32>
    %logistic3A_382 = math.exp %logistic3A_381 : vector<32x2048xf32>
    %logistic3A_383 = arith.constant 1.000000e+00 : f32
    %logistic3A_384 = vector.broadcast %logistic3A_383 : f32 to vector<32x2048xf32>
    %logistic3A_385 = arith.addf %logistic3A_384, %logistic3A_382 : vector<32x2048xf32>
    %logistic3A_386 = arith.divf %logistic3A_384, %logistic3A_385 : vector<32x2048xf32>
    %slice3A_387 = vector.extract_strided_slice %add3A_364 {offsets = [64, 0], sizes = [32, 2048], strides = [1, 1]} : vector<96x2048xf32> to vector<32x2048xf32>
    %slice3A_388 = vector.extract_strided_slice %add3A_368 {offsets = [64, 0], sizes = [32, 2048], strides = [1, 1]} : vector<96x2048xf32> to vector<32x2048xf32>
    %mul3A_389 = arith.mulf %logistic3A_377, %slice3A_388 : vector<32x2048xf32>
    %add3A_390 = arith.addf %slice3A_387, %mul3A_389 : vector<32x2048xf32>
    %tanh3A_391 = math.tanh %add3A_390 : vector<32x2048xf32>
    %sub3A_392 = arith.constant 1.000000e+00 : f32
    %sub3A_393 = vector.broadcast %sub3A_392 : f32 to vector<32x2048xf32>
    %sub3A_394 = arith.subf %sub3A_393, %logistic3A_386 : vector<32x2048xf32>
    %mul3A_395 = arith.mulf %sub3A_394, %tanh3A_391 : vector<32x2048xf32>
    %mul3A_396 = arith.mulf %logistic3A_386, %add3A_351 : vector<32x2048xf32>
    %add3A_397 = arith.addf %mul3A_395, %mul3A_396 : vector<32x2048xf32>
    %slice3A_398 = vector.extract_strided_slice %mul3A_16 {offsets = [8, 0], sizes = [1, 2048], strides = [1, 1]} : vector<12x2048xf32> to vector<1x2048xf32>
    %mul3A_399 = vector.broadcast %get3A_19 : vector<16x1xf32> to vector<16x2048xf32>
    %mul3A_400 = vector.broadcast %slice3A_398 : vector<1x2048xf32> to vector<16x2048xf32>
    %mul3A_401 = arith.mulf %mul3A_399, %mul3A_400 : vector<16x2048xf32>
    %add3A_402 = vector.broadcast %get3A_22 : vector<16x1xf32> to vector<16x2048xf32>
    %add3A_403 = arith.addf %mul3A_401, %add3A_402 : vector<16x2048xf32>
    %max3A_404 = arith.constant 0.000000e+00 : f32
    %max3A_405 = vector.broadcast %max3A_404 : f32 to vector<16x2048xf32>
    %max3A_406 = arith.maximumf %add3A_403, %max3A_405 : vector<16x2048xf32>
    %dot_general3A_407 = arith.constant dense<0.000000e+00> : vector<96x2048xf32>
    %dot_general3A_408 = tpu.matmul %get3A_25, %max3A_406, %dot_general3A_407 {dimension_numbers = #tpu.dot_dimension_numbers<[1], [0], [0], [1], [0, 0, 1, 1], [], []>, transpose_lhs_hint = false} : vector<96x16xf32>, vector<16x2048xf32>, vector<96x2048xf32> -> vector<96x2048xf32>
    %add3A_409 = vector.broadcast %get3A_31 : vector<96x1xf32> to vector<96x2048xf32>
    %add3A_410 = arith.addf %dot_general3A_408, %add3A_409 : vector<96x2048xf32>
    %dot_general3A_411 = arith.constant dense<0.000000e+00> : vector<96x2048xf32>
    %dot_general3A_412 = tpu.matmul %get3A_28, %add3A_397, %dot_general3A_411 {dimension_numbers = #tpu.dot_dimension_numbers<[1], [0], [0], [1], [0, 0, 1, 1], [], []>, transpose_lhs_hint = false} : vector<96x32xf32>, vector<32x2048xf32>, vector<96x2048xf32> -> vector<96x2048xf32>
    %add3A_413 = vector.broadcast %get3A_34 : vector<96x1xf32> to vector<96x2048xf32>
    %add3A_414 = arith.addf %dot_general3A_412, %add3A_413 : vector<96x2048xf32>
    %slice3A_415 = vector.extract_strided_slice %add3A_410 {offsets = [0, 0], sizes = [32, 2048], strides = [1, 1]} : vector<96x2048xf32> to vector<32x2048xf32>
    %slice3A_416 = vector.extract_strided_slice %add3A_414 {offsets = [0, 0], sizes = [32, 2048], strides = [1, 1]} : vector<96x2048xf32> to vector<32x2048xf32>
    %add3A_417 = arith.addf %slice3A_415, %slice3A_416 : vector<32x2048xf32>
    %logistic3A_418 = arith.negf %add3A_417 : vector<32x2048xf32>
    %logistic3A_419 = math.exp %logistic3A_418 : vector<32x2048xf32>
    %logistic3A_420 = arith.constant 1.000000e+00 : f32
    %logistic3A_421 = vector.broadcast %logistic3A_420 : f32 to vector<32x2048xf32>
    %logistic3A_422 = arith.addf %logistic3A_421, %logistic3A_419 : vector<32x2048xf32>
    %logistic3A_423 = arith.divf %logistic3A_421, %logistic3A_422 : vector<32x2048xf32>
    %slice3A_424 = vector.extract_strided_slice %add3A_410 {offsets = [32, 0], sizes = [32, 2048], strides = [1, 1]} : vector<96x2048xf32> to vector<32x2048xf32>
    %slice3A_425 = vector.extract_strided_slice %add3A_414 {offsets = [32, 0], sizes = [32, 2048], strides = [1, 1]} : vector<96x2048xf32> to vector<32x2048xf32>
    %add3A_426 = arith.addf %slice3A_424, %slice3A_425 : vector<32x2048xf32>
    %logistic3A_427 = arith.negf %add3A_426 : vector<32x2048xf32>
    %logistic3A_428 = math.exp %logistic3A_427 : vector<32x2048xf32>
    %logistic3A_429 = arith.constant 1.000000e+00 : f32
    %logistic3A_430 = vector.broadcast %logistic3A_429 : f32 to vector<32x2048xf32>
    %logistic3A_431 = arith.addf %logistic3A_430, %logistic3A_428 : vector<32x2048xf32>
    %logistic3A_432 = arith.divf %logistic3A_430, %logistic3A_431 : vector<32x2048xf32>
    %slice3A_433 = vector.extract_strided_slice %add3A_410 {offsets = [64, 0], sizes = [32, 2048], strides = [1, 1]} : vector<96x2048xf32> to vector<32x2048xf32>
    %slice3A_434 = vector.extract_strided_slice %add3A_414 {offsets = [64, 0], sizes = [32, 2048], strides = [1, 1]} : vector<96x2048xf32> to vector<32x2048xf32>
    %mul3A_435 = arith.mulf %logistic3A_423, %slice3A_434 : vector<32x2048xf32>
    %add3A_436 = arith.addf %slice3A_433, %mul3A_435 : vector<32x2048xf32>
    %tanh3A_437 = math.tanh %add3A_436 : vector<32x2048xf32>
    %sub3A_438 = arith.constant 1.000000e+00 : f32
    %sub3A_439 = vector.broadcast %sub3A_438 : f32 to vector<32x2048xf32>
    %sub3A_440 = arith.subf %sub3A_439, %logistic3A_432 : vector<32x2048xf32>
    %mul3A_441 = arith.mulf %sub3A_440, %tanh3A_437 : vector<32x2048xf32>
    %mul3A_442 = arith.mulf %logistic3A_432, %add3A_397 : vector<32x2048xf32>
    %add3A_443 = arith.addf %mul3A_441, %mul3A_442 : vector<32x2048xf32>
    %slice3A_444 = vector.extract_strided_slice %mul3A_16 {offsets = [9, 0], sizes = [1, 2048], strides = [1, 1]} : vector<12x2048xf32> to vector<1x2048xf32>
    %mul3A_445 = vector.broadcast %get3A_19 : vector<16x1xf32> to vector<16x2048xf32>
    %mul3A_446 = vector.broadcast %slice3A_444 : vector<1x2048xf32> to vector<16x2048xf32>
    %mul3A_447 = arith.mulf %mul3A_445, %mul3A_446 : vector<16x2048xf32>
    %add3A_448 = vector.broadcast %get3A_22 : vector<16x1xf32> to vector<16x2048xf32>
    %add3A_449 = arith.addf %mul3A_447, %add3A_448 : vector<16x2048xf32>
    %max3A_450 = arith.constant 0.000000e+00 : f32
    %max3A_451 = vector.broadcast %max3A_450 : f32 to vector<16x2048xf32>
    %max3A_452 = arith.maximumf %add3A_449, %max3A_451 : vector<16x2048xf32>
    %dot_general3A_453 = arith.constant dense<0.000000e+00> : vector<96x2048xf32>
    %dot_general3A_454 = tpu.matmul %get3A_25, %max3A_452, %dot_general3A_453 {dimension_numbers = #tpu.dot_dimension_numbers<[1], [0], [0], [1], [0, 0, 1, 1], [], []>, transpose_lhs_hint = false} : vector<96x16xf32>, vector<16x2048xf32>, vector<96x2048xf32> -> vector<96x2048xf32>
    %add3A_455 = vector.broadcast %get3A_31 : vector<96x1xf32> to vector<96x2048xf32>
    %add3A_456 = arith.addf %dot_general3A_454, %add3A_455 : vector<96x2048xf32>
    %dot_general3A_457 = arith.constant dense<0.000000e+00> : vector<96x2048xf32>
    %dot_general3A_458 = tpu.matmul %get3A_28, %add3A_443, %dot_general3A_457 {dimension_numbers = #tpu.dot_dimension_numbers<[1], [0], [0], [1], [0, 0, 1, 1], [], []>, transpose_lhs_hint = false} : vector<96x32xf32>, vector<32x2048xf32>, vector<96x2048xf32> -> vector<96x2048xf32>
    %add3A_459 = vector.broadcast %get3A_34 : vector<96x1xf32> to vector<96x2048xf32>
    %add3A_460 = arith.addf %dot_general3A_458, %add3A_459 : vector<96x2048xf32>
    %slice3A_461 = vector.extract_strided_slice %add3A_456 {offsets = [0, 0], sizes = [32, 2048], strides = [1, 1]} : vector<96x2048xf32> to vector<32x2048xf32>
    %slice3A_462 = vector.extract_strided_slice %add3A_460 {offsets = [0, 0], sizes = [32, 2048], strides = [1, 1]} : vector<96x2048xf32> to vector<32x2048xf32>
    %add3A_463 = arith.addf %slice3A_461, %slice3A_462 : vector<32x2048xf32>
    %logistic3A_464 = arith.negf %add3A_463 : vector<32x2048xf32>
    %logistic3A_465 = math.exp %logistic3A_464 : vector<32x2048xf32>
    %logistic3A_466 = arith.constant 1.000000e+00 : f32
    %logistic3A_467 = vector.broadcast %logistic3A_466 : f32 to vector<32x2048xf32>
    %logistic3A_468 = arith.addf %logistic3A_467, %logistic3A_465 : vector<32x2048xf32>
    %logistic3A_469 = arith.divf %logistic3A_467, %logistic3A_468 : vector<32x2048xf32>
    %slice3A_470 = vector.extract_strided_slice %add3A_456 {offsets = [32, 0], sizes = [32, 2048], strides = [1, 1]} : vector<96x2048xf32> to vector<32x2048xf32>
    %slice3A_471 = vector.extract_strided_slice %add3A_460 {offsets = [32, 0], sizes = [32, 2048], strides = [1, 1]} : vector<96x2048xf32> to vector<32x2048xf32>
    %add3A_472 = arith.addf %slice3A_470, %slice3A_471 : vector<32x2048xf32>
    %logistic3A_473 = arith.negf %add3A_472 : vector<32x2048xf32>
    %logistic3A_474 = math.exp %logistic3A_473 : vector<32x2048xf32>
    %logistic3A_475 = arith.constant 1.000000e+00 : f32
    %logistic3A_476 = vector.broadcast %logistic3A_475 : f32 to vector<32x2048xf32>
    %logistic3A_477 = arith.addf %logistic3A_476, %logistic3A_474 : vector<32x2048xf32>
    %logistic3A_478 = arith.divf %logistic3A_476, %logistic3A_477 : vector<32x2048xf32>
    %slice3A_479 = vector.extract_strided_slice %add3A_456 {offsets = [64, 0], sizes = [32, 2048], strides = [1, 1]} : vector<96x2048xf32> to vector<32x2048xf32>
    %slice3A_480 = vector.extract_strided_slice %add3A_460 {offsets = [64, 0], sizes = [32, 2048], strides = [1, 1]} : vector<96x2048xf32> to vector<32x2048xf32>
    %mul3A_481 = arith.mulf %logistic3A_469, %slice3A_480 : vector<32x2048xf32>
    %add3A_482 = arith.addf %slice3A_479, %mul3A_481 : vector<32x2048xf32>
    %tanh3A_483 = math.tanh %add3A_482 : vector<32x2048xf32>
    %sub3A_484 = arith.constant 1.000000e+00 : f32
    %sub3A_485 = vector.broadcast %sub3A_484 : f32 to vector<32x2048xf32>
    %sub3A_486 = arith.subf %sub3A_485, %logistic3A_478 : vector<32x2048xf32>
    %mul3A_487 = arith.mulf %sub3A_486, %tanh3A_483 : vector<32x2048xf32>
    %mul3A_488 = arith.mulf %logistic3A_478, %add3A_443 : vector<32x2048xf32>
    %add3A_489 = arith.addf %mul3A_487, %mul3A_488 : vector<32x2048xf32>
    %slice3A_490 = vector.extract_strided_slice %mul3A_16 {offsets = [10, 0], sizes = [1, 2048], strides = [1, 1]} : vector<12x2048xf32> to vector<1x2048xf32>
    %mul3A_491 = vector.broadcast %get3A_19 : vector<16x1xf32> to vector<16x2048xf32>
    %mul3A_492 = vector.broadcast %slice3A_490 : vector<1x2048xf32> to vector<16x2048xf32>
    %mul3A_493 = arith.mulf %mul3A_491, %mul3A_492 : vector<16x2048xf32>
    %add3A_494 = vector.broadcast %get3A_22 : vector<16x1xf32> to vector<16x2048xf32>
    %add3A_495 = arith.addf %mul3A_493, %add3A_494 : vector<16x2048xf32>
    %max3A_496 = arith.constant 0.000000e+00 : f32
    %max3A_497 = vector.broadcast %max3A_496 : f32 to vector<16x2048xf32>
    %max3A_498 = arith.maximumf %add3A_495, %max3A_497 : vector<16x2048xf32>
    %dot_general3A_499 = arith.constant dense<0.000000e+00> : vector<96x2048xf32>
    %dot_general3A_500 = tpu.matmul %get3A_25, %max3A_498, %dot_general3A_499 {dimension_numbers = #tpu.dot_dimension_numbers<[1], [0], [0], [1], [0, 0, 1, 1], [], []>, transpose_lhs_hint = false} : vector<96x16xf32>, vector<16x2048xf32>, vector<96x2048xf32> -> vector<96x2048xf32>
    %add3A_501 = vector.broadcast %get3A_31 : vector<96x1xf32> to vector<96x2048xf32>
    %add3A_502 = arith.addf %dot_general3A_500, %add3A_501 : vector<96x2048xf32>
    %dot_general3A_503 = arith.constant dense<0.000000e+00> : vector<96x2048xf32>
    %dot_general3A_504 = tpu.matmul %get3A_28, %add3A_489, %dot_general3A_503 {dimension_numbers = #tpu.dot_dimension_numbers<[1], [0], [0], [1], [0, 0, 1, 1], [], []>, transpose_lhs_hint = false} : vector<96x32xf32>, vector<32x2048xf32>, vector<96x2048xf32> -> vector<96x2048xf32>
    %add3A_505 = vector.broadcast %get3A_34 : vector<96x1xf32> to vector<96x2048xf32>
    %add3A_506 = arith.addf %dot_general3A_504, %add3A_505 : vector<96x2048xf32>
    %slice3A_507 = vector.extract_strided_slice %add3A_502 {offsets = [0, 0], sizes = [32, 2048], strides = [1, 1]} : vector<96x2048xf32> to vector<32x2048xf32>
    %slice3A_508 = vector.extract_strided_slice %add3A_506 {offsets = [0, 0], sizes = [32, 2048], strides = [1, 1]} : vector<96x2048xf32> to vector<32x2048xf32>
    %add3A_509 = arith.addf %slice3A_507, %slice3A_508 : vector<32x2048xf32>
    %logistic3A_510 = arith.negf %add3A_509 : vector<32x2048xf32>
    %logistic3A_511 = math.exp %logistic3A_510 : vector<32x2048xf32>
    %logistic3A_512 = arith.constant 1.000000e+00 : f32
    %logistic3A_513 = vector.broadcast %logistic3A_512 : f32 to vector<32x2048xf32>
    %logistic3A_514 = arith.addf %logistic3A_513, %logistic3A_511 : vector<32x2048xf32>
    %logistic3A_515 = arith.divf %logistic3A_513, %logistic3A_514 : vector<32x2048xf32>
    %slice3A_516 = vector.extract_strided_slice %add3A_502 {offsets = [32, 0], sizes = [32, 2048], strides = [1, 1]} : vector<96x2048xf32> to vector<32x2048xf32>
    %slice3A_517 = vector.extract_strided_slice %add3A_506 {offsets = [32, 0], sizes = [32, 2048], strides = [1, 1]} : vector<96x2048xf32> to vector<32x2048xf32>
    %add3A_518 = arith.addf %slice3A_516, %slice3A_517 : vector<32x2048xf32>
    %logistic3A_519 = arith.negf %add3A_518 : vector<32x2048xf32>
    %logistic3A_520 = math.exp %logistic3A_519 : vector<32x2048xf32>
    %logistic3A_521 = arith.constant 1.000000e+00 : f32
    %logistic3A_522 = vector.broadcast %logistic3A_521 : f32 to vector<32x2048xf32>
    %logistic3A_523 = arith.addf %logistic3A_522, %logistic3A_520 : vector<32x2048xf32>
    %logistic3A_524 = arith.divf %logistic3A_522, %logistic3A_523 : vector<32x2048xf32>
    %slice3A_525 = vector.extract_strided_slice %add3A_502 {offsets = [64, 0], sizes = [32, 2048], strides = [1, 1]} : vector<96x2048xf32> to vector<32x2048xf32>
    %slice3A_526 = vector.extract_strided_slice %add3A_506 {offsets = [64, 0], sizes = [32, 2048], strides = [1, 1]} : vector<96x2048xf32> to vector<32x2048xf32>
    %mul3A_527 = arith.mulf %logistic3A_515, %slice3A_526 : vector<32x2048xf32>
    %add3A_528 = arith.addf %slice3A_525, %mul3A_527 : vector<32x2048xf32>
    %tanh3A_529 = math.tanh %add3A_528 : vector<32x2048xf32>
    %sub3A_530 = arith.constant 1.000000e+00 : f32
    %sub3A_531 = vector.broadcast %sub3A_530 : f32 to vector<32x2048xf32>
    %sub3A_532 = arith.subf %sub3A_531, %logistic3A_524 : vector<32x2048xf32>
    %mul3A_533 = arith.mulf %sub3A_532, %tanh3A_529 : vector<32x2048xf32>
    %mul3A_534 = arith.mulf %logistic3A_524, %add3A_489 : vector<32x2048xf32>
    %add3A_535 = arith.addf %mul3A_533, %mul3A_534 : vector<32x2048xf32>
    %slice3A_536 = vector.extract_strided_slice %mul3A_16 {offsets = [11, 0], sizes = [1, 2048], strides = [1, 1]} : vector<12x2048xf32> to vector<1x2048xf32>
    %mul3A_537 = vector.broadcast %get3A_19 : vector<16x1xf32> to vector<16x2048xf32>
    %mul3A_538 = vector.broadcast %slice3A_536 : vector<1x2048xf32> to vector<16x2048xf32>
    %mul3A_539 = arith.mulf %mul3A_537, %mul3A_538 : vector<16x2048xf32>
    %add3A_540 = vector.broadcast %get3A_22 : vector<16x1xf32> to vector<16x2048xf32>
    %add3A_541 = arith.addf %mul3A_539, %add3A_540 : vector<16x2048xf32>
    %max3A_542 = arith.constant 0.000000e+00 : f32
    %max3A_543 = vector.broadcast %max3A_542 : f32 to vector<16x2048xf32>
    %max3A_544 = arith.maximumf %add3A_541, %max3A_543 : vector<16x2048xf32>
    %dot_general3A_545 = arith.constant dense<0.000000e+00> : vector<96x2048xf32>
    %dot_general3A_546 = tpu.matmul %get3A_25, %max3A_544, %dot_general3A_545 {dimension_numbers = #tpu.dot_dimension_numbers<[1], [0], [0], [1], [0, 0, 1, 1], [], []>, transpose_lhs_hint = false} : vector<96x16xf32>, vector<16x2048xf32>, vector<96x2048xf32> -> vector<96x2048xf32>
    %add3A_547 = vector.broadcast %get3A_31 : vector<96x1xf32> to vector<96x2048xf32>
    %add3A_548 = arith.addf %dot_general3A_546, %add3A_547 : vector<96x2048xf32>
    %dot_general3A_549 = arith.constant dense<0.000000e+00> : vector<96x2048xf32>
    %dot_general3A_550 = tpu.matmul %get3A_28, %add3A_535, %dot_general3A_549 {dimension_numbers = #tpu.dot_dimension_numbers<[1], [0], [0], [1], [0, 0, 1, 1], [], []>, transpose_lhs_hint = false} : vector<96x32xf32>, vector<32x2048xf32>, vector<96x2048xf32> -> vector<96x2048xf32>
    %add3A_551 = vector.broadcast %get3A_34 : vector<96x1xf32> to vector<96x2048xf32>
    %add3A_552 = arith.addf %dot_general3A_550, %add3A_551 : vector<96x2048xf32>
    %slice3A_553 = vector.extract_strided_slice %add3A_548 {offsets = [0, 0], sizes = [32, 2048], strides = [1, 1]} : vector<96x2048xf32> to vector<32x2048xf32>
    %slice3A_554 = vector.extract_strided_slice %add3A_552 {offsets = [0, 0], sizes = [32, 2048], strides = [1, 1]} : vector<96x2048xf32> to vector<32x2048xf32>
    %add3A_555 = arith.addf %slice3A_553, %slice3A_554 : vector<32x2048xf32>
    %logistic3A_556 = arith.negf %add3A_555 : vector<32x2048xf32>
    %logistic3A_557 = math.exp %logistic3A_556 : vector<32x2048xf32>
    %logistic3A_558 = arith.constant 1.000000e+00 : f32
    %logistic3A_559 = vector.broadcast %logistic3A_558 : f32 to vector<32x2048xf32>
    %logistic3A_560 = arith.addf %logistic3A_559, %logistic3A_557 : vector<32x2048xf32>
    %logistic3A_561 = arith.divf %logistic3A_559, %logistic3A_560 : vector<32x2048xf32>
    %slice3A_562 = vector.extract_strided_slice %add3A_548 {offsets = [32, 0], sizes = [32, 2048], strides = [1, 1]} : vector<96x2048xf32> to vector<32x2048xf32>
    %slice3A_563 = vector.extract_strided_slice %add3A_552 {offsets = [32, 0], sizes = [32, 2048], strides = [1, 1]} : vector<96x2048xf32> to vector<32x2048xf32>
    %add3A_564 = arith.addf %slice3A_562, %slice3A_563 : vector<32x2048xf32>
    %logistic3A_565 = arith.negf %add3A_564 : vector<32x2048xf32>
    %logistic3A_566 = math.exp %logistic3A_565 : vector<32x2048xf32>
    %logistic3A_567 = arith.constant 1.000000e+00 : f32
    %logistic3A_568 = vector.broadcast %logistic3A_567 : f32 to vector<32x2048xf32>
    %logistic3A_569 = arith.addf %logistic3A_568, %logistic3A_566 : vector<32x2048xf32>
    %logistic3A_570 = arith.divf %logistic3A_568, %logistic3A_569 : vector<32x2048xf32>
    %slice3A_571 = vector.extract_strided_slice %add3A_548 {offsets = [64, 0], sizes = [32, 2048], strides = [1, 1]} : vector<96x2048xf32> to vector<32x2048xf32>
    %slice3A_572 = vector.extract_strided_slice %add3A_552 {offsets = [64, 0], sizes = [32, 2048], strides = [1, 1]} : vector<96x2048xf32> to vector<32x2048xf32>
    %mul3A_573 = arith.mulf %logistic3A_561, %slice3A_572 : vector<32x2048xf32>
    %add3A_574 = arith.addf %slice3A_571, %mul3A_573 : vector<32x2048xf32>
    %tanh3A_575 = math.tanh %add3A_574 : vector<32x2048xf32>
    %sub3A_576 = arith.constant 1.000000e+00 : f32
    %sub3A_577 = vector.broadcast %sub3A_576 : f32 to vector<32x2048xf32>
    %sub3A_578 = arith.subf %sub3A_577, %logistic3A_570 : vector<32x2048xf32>
    %mul3A_579 = arith.mulf %sub3A_578, %tanh3A_575 : vector<32x2048xf32>
    %mul3A_580 = arith.mulf %logistic3A_570, %add3A_535 : vector<32x2048xf32>
    %add3A_581 = arith.addf %mul3A_579, %mul3A_580 : vector<32x2048xf32>
    %get3A_582 = arith.constant 0 : index
    %get3A_583 = arith.constant 0 : index
    %get3A_584 = vector.load %arg10[%get3A_582, %get3A_583] : memref<1x32xf32, #tpu.memory_space<vmem>>, vector<1x32xf32>
    %dot_general3A_585 = arith.constant dense<0.000000e+00> : vector<1x2048xf32>
    %dot_general3A_586 = tpu.matmul %get3A_584, %add3A_581, %dot_general3A_585 {dimension_numbers = #tpu.dot_dimension_numbers<[1], [0], [0], [1], [0, 0, 1, 1], [], []>, transpose_lhs_hint = false} : vector<1x32xf32>, vector<32x2048xf32>, vector<1x2048xf32> -> vector<1x2048xf32>
    %mul3A_587 = arith.mulf %get3A_1, %dot_general3A_586 : vector<1x2048xf32>
    %swap3A = arith.constant 0 : index
    %swap3A_588 = arith.constant 0 : index
    %swap3A_589 = vector.load %arg11[%swap3A, %swap3A_588] : memref<1x2048xf32, #tpu.memory_space<vmem>>, vector<1x2048xf32>
    tpu.vector_store %arg11[%swap3A, %swap3A_588], %mul3A_587 {strides = array<i32>} : memref<1x2048xf32, #tpu.memory_space<vmem>>, vector<1x2048xf32>,
    return
  }
  func.func @transform_0(%arg0: i32) -> (i32, i32, i32) {
    %c0_i32 = arith.constant 0 : i32
    %c0_i32_0 = arith.constant 0 : i32
    %c0_i32_1 = arith.constant 0 : i32
    return %c0_i32, %c0_i32_0, %arg0 : i32, i32, i32
  }
  func.func @transform_1(%arg0: i32) -> (i32, i32) {
    %c0_i32 = arith.constant 0 : i32
    %c0_i32_0 = arith.constant 0 : i32
    return %c0_i32, %arg0 : i32, i32
  }
  func.func @transform_2(%arg0: i32) -> (i32, i32) {
    %c0_i32 = arith.constant 0 : i32
    %c0_i32_0 = arith.constant 0 : i32
    return %c0_i32, %arg0 : i32, i32
  }
  func.func @transform_3(%arg0: i32) -> (i32, i32) {
    %c0_i32 = arith.constant 0 : i32
    %c0_i32_0 = arith.constant 0 : i32
    %c0_i32_1 = arith.constant 0 : i32
    return %c0_i32, %c0_i32_0 : i32, i32
  }
  func.func @transform_4(%arg0: i32) -> (i32, i32) {
    %c0_i32 = arith.constant 0 : i32
    %c0_i32_0 = arith.constant 0 : i32
    %c0_i32_1 = arith.constant 0 : i32
    return %c0_i32, %c0_i32_0 : i32, i32
  }
  func.func @transform_5(%arg0: i32) -> (i32, i32) {
    %c0_i32 = arith.constant 0 : i32
    %c0_i32_0 = arith.constant 0 : i32
    %c0_i32_1 = arith.constant 0 : i32
    return %c0_i32, %c0_i32_0 : i32, i32
  }
  func.func @transform_6(%arg0: i32) -> (i32, i32) {
    %c0_i32 = arith.constant 0 : i32
    %c0_i32_0 = arith.constant 0 : i32
    %c0_i32_1 = arith.constant 0 : i32
    return %c0_i32, %c0_i32_0 : i32, i32
  }
  func.func @transform_7(%arg0: i32) -> (i32, i32) {
    %c0_i32 = arith.constant 0 : i32
    %c0_i32_0 = arith.constant 0 : i32
    %c0_i32_1 = arith.constant 0 : i32
    return %c0_i32, %c0_i32_0 : i32, i32
  }
  func.func @transform_8(%arg0: i32) -> (i32, i32) {
    %c0_i32 = arith.constant 0 : i32
    %c0_i32_0 = arith.constant 0 : i32
    %c0_i32_1 = arith.constant 0 : i32
    return %c0_i32, %c0_i32_0 : i32, i32
  }
  func.func @transform_9(%arg0: i32) -> (i32, i32) {
    %c0_i32 = arith.constant 0 : i32
    %c0_i32_0 = arith.constant 0 : i32
    %c0_i32_1 = arith.constant 0 : i32
    return %c0_i32, %c0_i32_0 : i32, i32
  }
  func.func @transform_10(%arg0: i32) -> (i32, i32) {
    %c0_i32 = arith.constant 0 : i32
    %c0_i32_0 = arith.constant 0 : i32
    return %c0_i32, %arg0 : i32, i32
  }
}

module attributes {stable_mosaic.version = 14 : i64} {
  func.func @_final_body(%arg0: i32, %arg1: memref<2x2048xf32, #tpu.memory_space<vmem>>, %arg2: memref<1x2048xf32, #tpu.memory_space<vmem>>, %arg3: memref<1x2048xf32, #tpu.memory_space<vmem>>, %arg4: memref<1x1xf32, #tpu.memory_space<vmem>>, %arg5: memref<1x2048xf32, #tpu.memory_space<vmem>>) attributes {dimension_semantics = [#tpu.dimension_semantics<arbitrary>], iteration_bounds = array<i64: 49>, scalar_prefetch = 0 : i64, scratch_operands = 0 : i64, tpu.core_type = #tpu.core_type<tc>, window_params = [{transform_indices = @transform_0, window_bounds = array<i64: 2, 2048>}, {transform_indices = @transform_1, window_bounds = array<i64: 1, 2048>}, {transform_indices = @transform_2, window_bounds = array<i64: 1, 2048>}, {pipeline_mode = #tpu.pipeline_mode<synchronous>, transform_indices = @transform_3, window_bounds = array<i64: 1, 1>}, {transform_indices = @transform_4, window_bounds = array<i64: 1, 2048>}]} {
    %get3A = arith.constant 0 : index
    %get3A_0 = arith.constant 0 : index
    %get3A_1 = vector.load %arg3[%get3A, %get3A_0] : memref<1x2048xf32, #tpu.memory_space<vmem>>, vector<1x2048xf32>
    %get3A_2 = arith.constant 0 : index
    %get3A_3 = arith.constant 0 : index
    %get3A_4 = vector.load %arg1[%get3A_2, %get3A_3] : memref<2x2048xf32, #tpu.memory_space<vmem>>, vector<1x2048xf32>
    %get3A_5 = arith.constant 1 : index
    %get3A_6 = arith.constant 0 : index
    %get3A_7 = vector.load %arg1[%get3A_5, %get3A_6] : memref<2x2048xf32, #tpu.memory_space<vmem>>, vector<1x2048xf32>
    %add3A = arith.addf %get3A_4, %get3A_7 : vector<1x2048xf32>
    %get3A_8 = arith.constant 0 : index
    %get3A_9 = arith.constant 0 : index
    %get3A_10 = vector.load %arg2[%get3A_8, %get3A_9] : memref<1x2048xf32, #tpu.memory_space<vmem>>, vector<1x2048xf32>
    %add3A_11 = arith.addf %add3A, %get3A_10 : vector<1x2048xf32>
    %mul3A = arith.mulf %get3A_1, %add3A_11 : vector<1x2048xf32>
    %get3A_12 = arith.constant 0 : index
    %get3A_13 = arith.constant 0 : index
    %get3A_14 = vector.load %arg4[%get3A_12, %get3A_13] : memref<1x1xf32, #tpu.memory_space<vmem>>, vector<1x1xf32>
    %add3A_15 = vector.broadcast %get3A_14 : vector<1x1xf32> to vector<1x2048xf32>
    %add3A_16 = arith.addf %mul3A, %add3A_15 : vector<1x2048xf32>
    %swap3A = arith.constant 0 : index
    %swap3A_17 = arith.constant 0 : index
    %swap3A_18 = vector.load %arg5[%swap3A, %swap3A_17] : memref<1x2048xf32, #tpu.memory_space<vmem>>, vector<1x2048xf32>
    tpu.vector_store %arg5[%swap3A, %swap3A_17], %add3A_16 {strides = array<i32>} : memref<1x2048xf32, #tpu.memory_space<vmem>>, vector<1x2048xf32>,
    return
  }
  func.func @transform_0(%arg0: i32) -> (i32, i32) {
    %c0_i32 = arith.constant 0 : i32
    %c0_i32_0 = arith.constant 0 : i32
    return %c0_i32, %arg0 : i32, i32
  }
  func.func @transform_1(%arg0: i32) -> (i32, i32) {
    %c0_i32 = arith.constant 0 : i32
    %c0_i32_0 = arith.constant 0 : i32
    return %c0_i32, %arg0 : i32, i32
  }
  func.func @transform_2(%arg0: i32) -> (i32, i32) {
    %c0_i32 = arith.constant 0 : i32
    %c0_i32_0 = arith.constant 0 : i32
    return %c0_i32, %arg0 : i32, i32
  }
  func.func @transform_3(%arg0: i32) -> (i32, i32) {
    %c0_i32 = arith.constant 0 : i32
    %c0_i32_0 = arith.constant 0 : i32
    %c0_i32_1 = arith.constant 0 : i32
    return %c0_i32, %c0_i32_0 : i32, i32
  }
  func.func @transform_4(%arg0: i32) -> (i32, i32) {
    %c0_i32 = arith.constant 0 : i32
    %c0_i32_0 = arith.constant 0 : i32
    return %c0_i32, %arg0 : i32, i32
  }
}

</mosaic_0001>

<sc_bundles>
// kernel: kernel.11.cloned.1.call-start
scs
__scs_entry_jumppad:
0x0: {  	(pc) =	sbr.rel $0x88, $3  }
0x1: {  	(tag) =	ssettag $0x0;
	lr =	simm.s32 $0x1  }
0x2: {  	[smem:$0x3F97] =	sst lr;
	_ =	strace $0xD0000000  }
0x3: {  	_ = 	snop  }
0x4: {  	_ = 	snop  }
0x5: {  	_ = 	snop  }
0x6: {  	_ = 	snop  }
0x7: {  	_ = 	snop  }
__scs_overlays_trampoline_lowered:
0x8: {  	[smem:$0x3FA6] =	sst s0  }
0x9: {  	[smem:$0x3FA7] =	sst s1  }
0xa: {  	[smem:$0x3FA8] =	sst s2  }
0xb: {  	[smem:$0x3FA9] =	sst s3  }
0xc: {  	[smem:$0x3FAA] =	sst s4  }
0xd: {  	[smem:$0x3FAB] =	sst s5  }
0xe: {  	[smem:$0x3FAC] =	sst s6  }
0xf: {  	[smem:$0x3FAD] =	sst s7  }
0x10: {  	[smem:$0x3FAE] =	sst s8  }
0x11: {  	[smem:$0x3FAF] =	sst s9;
	s0 =	simm.s32 @!p0 $0x0  }
0x12: {  	s1 =	sld [smem:$0x3F95];
	s0 =	simm.s32 @p0 $0x1  }
0x13: {  	[smem:$0x3FB0] =	sst s0;
	s0 =	simm.s32 @!p1 $0x0  }
0x14: {  	s2 =	sld [smem:$0x3F94];
	s0 =	simm.s32 @p1 $0x1  }
0x15: {  	[smem:$0x3FB1] =	sst s0;
	s0 =	simm.s32 @!p2 $0x0  }
0x16: {  	s3 =	sld [smem:$0x3FDB];
	s0 =	simm.s32 @p2 $0x1  }
0x17: {  	s4 =	simm.s32 $0x1BF5;
	[smem:$0x3FB3] =	sst s0  }
0x18: {  	s0 =	sld [smem:$0x3F96];
	_ =	swait.ge [sflag:s4], $0x0  }
0x19: {  	s7 =	sld [smem:$0x3F97]  }
0x1a: {  	s8 =	sadd.s32 $0xFFFFE003, lr  }
0x1b: {  	s9 =	sadd.s32 $0xFFFFFEF7, lr;
	s5 =	simm.s32 $0xFFFFFFFF;
	p2 =	slt.u32 s8, $0xFFFFF086  }
0x1c: {  	p1 =	slt.u32 s9, $0xF7A;
	s5 =	simm.s32 @!p2 $0x0  }
0x1d: {  	s5 =	simm.s32 @p1 $0x1;
	p0 =	seq.s32 s7, s2  }
0x1e: {  	s7 =	smul.u32 @!p0 $0xF7A, s2;
	p2 =	seq.s32 @!p0 s5, $0x0  }
0x1f: {  	s9 =	smul.u32 $0xF7A, s1;
	s8 =	simm.s32 @!p0 $0x1BF5;
	p2 =	por !p2, p0  }
0x20: {  	[sflag:s8] =	ssyncset.s32 @!p0 $0xFFFFF086;
	s6 =	sadd.s32 @!p0 s3, s7;
	s7 =	simm.s32 @!p0 $0x108  }
0x21: {  	s3 =	sadd.s32 s3, s9;
	s6 =	sadd.s32 @!p0 $0x88, s6;
	s7 =	simm.s32 @p2 $0x1082  }
0x22: {  	[simem:s7], [sflag:s8] =	dma.local @!p0 [hbm:s6], $0xF7A  }
0x23: {  	s9 =	sor.u32 $0xD0000000, s2;
	s6 =	simm.s32 $0x108;
	_ =	swait.ge @!p0 [sflag:s8], $0x0  }
0x24: {  	s3 =	sadd.s32 $0x88, s3;
	s6 =	simm.s32 @!p1 $0x1082;
	[sflag:s4] =	ssyncset.s32 $0xFFFFF086  }
0x25: {  	[simem:s6], [sflag:s4] =	dma.local [hbm:s3], $0xF7A  }
0x26: {  	[smem:$0x3F97] =	sst s1;
	(tag) =	ssettag s2;
	_ =	strace s9  }
0x27: {  	s1 =	sld [smem:$0x3FA7]  }
0x28: {  	s2 =	sld [smem:$0x3FA8]  }
0x29: {  	s4 =	sld [smem:$0x3FAA]  }
0x2a: {  	p0 =	seq.s32 s5, $0x0;
	s5 =	sld [smem:$0x3FAB]  }
0x2b: {  	s6 =	sld [smem:$0x3FAC]  }
0x2c: {  	s7 =	sld [smem:$0x3FAD]  }
0x2d: {  	s3 =	simm.s32 $0x108;
	s8 =	sld [smem:$0x3FAE]  }
0x2e: {  	s3 =	simm.s32 @!p0 $0x1082;
	s9 =	sld [smem:$0x3FAF]  }
0x2f: {  	lr =	sadd.s32 s0, s3;
	s0 =	sld [smem:$0x3FA6]  }
0x30: {  	s3 =	sld [smem:$0x3FA9]  }
0x31: {  	[smem:$0x3FB2] =	sst s10  }
0x32: {  	s10 =	sld [smem:$0x3FB0];
	_ =	sdelay $0x3  }
0x33: {  	p0 =	seq.s32 s10, $0x1;
	s10 =	sld [smem:$0x3FB2];
	_ =	sdelay $0x3  }
0x34: {  	[smem:$0x3FB2] =	sst s10  }
0x35: {  	s10 =	sld [smem:$0x3FB1];
	_ =	sdelay $0x3  }
0x36: {  	p1 =	seq.s32 s10, $0x1;
	s10 =	sld [smem:$0x3FB2];
	_ =	sdelay $0x3  }
0x37: {  	[smem:$0x3FB2] =	sst s10  }
0x38: {  	s10 =	sld [smem:$0x3FB3]  }
0x39: {  	_ = 	snop;
	(pc) =	sbr.ind lr, $3  }
0x3a: {  	_ = 	snop  }
0x3b: {  	_ = 	snop  }
0x3c: {  	p2 =	seq.s32 s10, $0x1;
	s10 =	sld [smem:$0x3FB2]  }
0x3d: {  	_ =	shalt  }
0x3e: {  	_ =	shalt  }
0x3f: {  	_ =	shalt  }
0x40: {  	_ =	shalt  }
0x41: {  	_ =	shalt  }
0x42: {  	_ =	shalt  }
0x43: {  	_ =	shalt  }
0x44: {  	_ =	shalt  }
0x45: {  	_ =	shalt  }
0x46: {  	_ =	shalt  }
0x47: {  	_ =	shalt  }
0x48: {  	_ =	shalt  }
0x49: {  	_ =	shalt  }
0x4a: {  	_ =	shalt  }
0x4b: {  	_ =	shalt  }
0x4c: {  	_ =	shalt  }
0x4d: {  	_ =	shalt  }
0x4e: {  	_ =	shalt  }
0x4f: {  	_ =	shalt  }
0x50: {  	_ =	shalt  }
0x51: {  	_ =	shalt  }
0x52: {  	_ =	shalt  }
0x53: {  	_ =	shalt  }
0x54: {  	_ =	shalt  }
0x55: {  	_ =	shalt  }
0x56: {  	_ =	shalt  }
0x57: {  	_ =	shalt  }
0x58: {  	_ =	shalt  }
0x59: {  	_ =	shalt  }
0x5a: {  	_ =	shalt  }
0x5b: {  	_ =	shalt  }
0x5c: {  	_ =	shalt  }
0x5d: {  	_ =	shalt  }
0x5e: {  	_ =	shalt  }
0x5f: {  	_ =	shalt  }
0x60: {  	_ =	shalt  }
0x61: {  	_ =	shalt  }
0x62: {  	_ =	shalt  }
0x63: {  	_ =	shalt  }
0x64: {  	_ =	shalt  }
0x65: {  	_ =	shalt  }
0x66: {  	_ =	shalt  }
0x67: {  	_ =	shalt  }
0x68: {  	_ =	shalt  }
0x69: {  	_ =	shalt  }
0x6a: {  	_ =	shalt  }
0x6b: {  	_ =	shalt  }
0x6c: {  	_ =	shalt  }
0x6d: {  	_ =	shalt  }
0x6e: {  	_ =	shalt  }
0x6f: {  	_ =	shalt  }
0x70: {  	_ =	shalt  }
0x71: {  	_ =	shalt  }
0x72: {  	_ =	shalt  }
0x73: {  	_ =	shalt  }
0x74: {  	_ =	shalt  }
0x75: {  	_ =	shalt  }
0x76: {  	_ =	shalt  }
0x77: {  	_ =	shalt  }
0x78: {  	_ =	shalt  }
0x79: {  	_ =	shalt  }
0x7a: {  	_ =	shalt  }
0x7b: {  	_ =	shalt  }
0x7c: {  	_ =	shalt  }
0x7d: {  	_ =	shalt  }
0x7e: {  	_ =	shalt  }
0x7f: {  	_ =	shalt  }
0x80: {  	_ =	shalt  }
0x81: {  	_ =	shalt  }
0x82: {  	_ =	shalt  }
0x83: {  	_ =	shalt  }
0x84: {  	_ =	shalt  }
0x85: {  	_ =	shalt  }
0x86: {  	_ =	shalt  }
0x87: {  	_ =	shalt  }
.Lfunc_end0:
.L_simem_size_0:
called_computation.1_lowered:
.L_overlay_start_0:
0x88: {  	s2 =	sld [smem:$0x3FD9]  }
0x89: {  	s3 =	sld [smem:$0x3FFE];
	_ =	sdelay $0x1  }
0x8a: {  	s1 =	srdreg.scid  }
0x8b: {  	s0 =	sand.u32 $0x1, s1  }
0x8c: {  	s17 =	sshll.u32 s0, $0xA;
	s2 =	sadd.s32 s3, s2  }
0x8d: {  	s2 =	sadd.s32 s2, s17  }
0x8e: {  	[smem:$0x3FBE] =	sst s2  }
0x8f: {  	_ = 	snop  }
0x90: {  	s2 =	sld [smem:$0x3FD0];
	(tm) =	ssettm $0x1  }
0x91: {  	s18 =	sld [smem:$0x3FFB];
	_ =	sdelay $0x3  }
0x92: {  	_ =	strace s18  }
0x93: {  	s3 =	sld [smem:$0x3FFC];
	_ =	sdelay $0x3  }
0x94: {  	_ =	strace s3  }
0x95: {  	s3 =	sld [smem:$0x3FFD];
	_ =	sdelay $0x3  }
0x96: {  	_ =	strace s3  }
0x97: {  	_ =	strace $0x8FFFFFFF  }
0x98: {  	s19 =	sld [smem:$0x3FDB];
	_ =	sdelay $0x1  }
0x99: {  	s4 =	simm.s32 $_scs_section_size  }
0x9a: {  	s5 =	simm.s32 $_size__tile_overlayer_lowered;
	s6 =	simm.s32 $_tile_overlayer_lowered  }
0x9b: {  	s22 =	simm.s32 $0x1BFF;
	s21 =	sshll.u32 s6, $0x1;
	s3 =	sadd.s32 s4, s19  }
0x9c: {  	s7 =	simm.s32 $0x0;
	s20 =	sshll.u32 s5, $0x1;
	s5 =	sadd.s32 s21, s3  }
0x9d: {  	[timem:s7], [sflag:s22] =	dma.local [hbm:s5], s20  }
0x9e: {  	_ =	swait.ge [sflag:s22], s20  }
0x9f: {  	s4 =	ssub.s32 $0x0, s20;
	[sflag:s22] =	ssyncset.done $0x0  }
0xa0: {  	[sflag:s22] =	ssyncadd.s32 s4;
	_ =	sdelay $0x1  }
0xa1: {  	s23 =	simm.s32 $0x1B8B  }
0xa2: {  	_ =	swait.ge [sflag:s23], $0x1  }
0xa3: {  	[sflag:s23] =	ssyncset.done $0x0  }
0xa4: {  	s25 =	simm.s32 $0x1B8E;
	s24 =	sld [smem:$0x3FFE];
	[sflag:s23] =	ssyncadd.s32 $0xFFFFFFFF  }
0xa5: {  	s26 =	simm.s32 $execute0_lowered;
	[smem:$0x3FD2] =	sst s25  }
0xa6: {  	s5 =	sshll.u32 s26, $0x1;
	_ =	strace $0x80000049;
	[dreg:$0x1] =	wrdreg $0xFFFFFFFF  }
0xa7: {  	s28 =	simm.s32 $_size_execute0_lowered;
	s3 =	sadd.s32 s3, s5;
	[dreg:$0x0] =	wrdreg $0x0  }
0xa8: {  	s5 =	sshll.u32 s28, $0x1;
	[dreg:$0x2] =	wrdreg s3  }
0xa9: {  	[dreg:$0x3] =	wrdreg s5  }
0xaa: {  	[dreg:$0x4] =	wrdreg $0xC0  }
0xab: {  	_ =	task [dreg:s7], $0x5FFFF  }
0xac: {  	[dreg:$0x1] =	wrdreg $0xFFFFFFFF  }
0xad: {  	[dreg:$0x0] =	wrdreg $0x60  }
0xae: {  	[dreg:$0x2] =	wrdreg s24  }
0xaf: {  	[dreg:$0x3] =	wrdreg s2  }
0xb0: {  	[dreg:$0x4] =	wrdreg $0x1A0000  }
0xb1: {  	[dreg:$0x5] =	wrdreg $0x9  }
0xb2: {  	_ =	task.clear_ibuf [dreg:s7], $0x6FFFF;
	_ =	strace $0x90000049  }
0xb3: {  	s29 =	simm.s32 $0x9;
	_ =	strace $0x8000004B  }
0xb4: {  	_ =	swait.ge [sflag:s29], $0x1  }
0xb5: {  	[sflag:s29] =	ssyncadd.s32 $0xFFFFFFFF  }
0xb6: {  	_ =	strace $0x9000004B  }
0xb7: {  	_ =	sfence  }
0xb8: {  	s30 =	sld [smem:$0x0];
	_ =	sdelay $0x2  }
0xb9: {  	s31 =	sshll.u32 s1, $0xD;
	s1 =	sshrl.u32 s1, $0x2  }
0xba: {  	s3 =	sand.u32 $0x4000, s31;
	s1 =	sadd.s32 s1, s30  }
0xbb: {  	s0 =	sor.u32 s3, s0;
	s1 =	sshll.u32 s1, $0x11  }
0xbc: {  	s0 =	sor.u32 s1, s0  }
0xbd: {  	s0 =	sadd.s32 $0x8F2B, s0  }
0xbe: {  	[sflag:s0] =	ssyncadd.remote.s32 $0x1  }
0xbf: {  	_ =	sfence.sel $0xFFFF  }
0xc0: {  	[dreg:$0x0] =	wrdreg $0xFFFFFFFF;
	(pc) =	sbr.abs _section_cstart, $3  }
0xc1: {  	[dreg:$0x1] =	wrdreg $0xFFFFFFFF  }
0xc2: {  	_ =	task.clear_ibuf [dreg:s7], $0x2FFFF;
	_ =	strace $0x9FFFFFFF  }
0xc3: {  	(tm) =	ssettm $0x7FFFFFFF  }
tec
execute0_lowered:
.L_overlay_start_1:
0x0: {  	(tag) =	ssettag $0x1  }
0x1: {  	s0 =	rddreg [dreg:$0x0]  }
0x2: {  	s3 =	rddreg [dreg:$0x1]  }
0x3: {  	s1 =	rddreg [dreg:$0x2];
	s2 =	simm.s32 $0x0  }
0x4: {  	s5 =	srdreg.scid;
	s10 =	stileid.u32;
	s15 =	simm.s32 $0x80  }
0x5: {  	s17 =	simm.s32 $0x19C80;
	s18 =	simm.s32 $0x19500;
	s28 =	simm.s32 $0x19680  }
0x6: {  	s29 =	simm.s32 $0x19E80;
	s30 =	simm.s32 $0x19700;
	s31 =	simm.s32 $0x19F00  }
0x7: {  	s16 =	simm.s32 $0x4;
	[smem:$0x7FF] =	sst s2;
	s4 =	sadd.s32 $0x2600, s0  }
0x8: {  	s6 =	sadd.s32 $0x66600, s0;
	s5 =	sand.u32 $0x1, s5;
	s20 =	sshll.u32 s10, $0x1  }
0x9: {  	s8 =	smul.u32 $0x1880, s10;
	s0 =	sadd.s32 $0x97600, s0;
	s24 =	sshll.u32 s10, $0x6  }
0xa: {  	s25 =	smul.u32 $0xC400, s10;
	s10 =	simm.s32 $0x2;
	_ =	strace $0x8000004A  }
0xb: {  	[dreg:$0x4] =	wrdreg s6;
	s7 =	ssub.s32 $0x2, s5;
	s6 =	sor.u32 s5, s20  }
0xc: {  	[dreg:$0x5] =	wrdreg s0;
	s23 =	smul.u32 $0x188000, s5;
	s19 =	sor.u32 $0x1C06, s24  }
0xd: {  	s20 =	simm.s32 $0x19D00;
	s24 =	simm.s32 $0x19D80;
	s9 =	smul.u32 $0x3200, s6  }
0xe: {  	s21 =	sshrl.u32 s7, $0x1;
	s22 =	sshrl.u32 s8, $0x3;
	s6 =	smul.u32 $0x19000, s6  }
0xf: {  	s8 =	sadd.s32 s8, s1;
	[dreg:$0x8] =	wrdreg s19;
	s0 =	ssub.s32 s7, s21  }
0x10: {  	s3 =	sadd.s32 s3, s22;
	s7 =	sshrl.u32 s8, $0x3;
	s22 =	simm.s32 $0x1  }
0x11: {  	s8 =	simm.s32 $0x3;
	[dreg:$0x6] =	wrdreg s3;
	s9 =	sadd.s32 s4, s9  }
0x12: {  	s11 =	sadd.s32 $0x1000, s6;
	s12 =	sadd.s32 $0x1800, s6;
	s3 =	sadd.s32 s23, s25  }
.Ltmp0:
0x13: {  	s0 =	smax.u32 s0, $0x1;
	[dreg:$0xc] =	wrdreg s7;
	(pc) =	sbr.rel .LBB2_1-.Ltmp0, $4  }
0x14: {  	s23 =	simm.s32 $0x19580;
	s25 =	simm.s32 $0x19600;
	[dreg:$0x7] =	wrdreg s9  }
0x15: {  	s6 =	simm.s32 $0x0;
	s26 =	sadd.s32 $0x100, s9;
	[dreg:$0xa] =	wrdreg s3  }
0x16: {  	[dreg:$0xb] =	wrdreg s0;
	s9 =	simm.s32 $0x19480;
	s0 =	simm.s32 $0x19780  }
0x17: {  	s3 =	simm.s32 $0x19F80;
	[dreg:$0x9] =	wrdreg s26;
	s26 =	simm.s32 $0x19E00  }
.LBB2_10:
0x18: {  	s6 =	rddreg [dreg:$0xd]  }
0x19: {  	s5 =	rddreg [dreg:$0xb];
	s6 =	sadd.s32 $0x1, s6  }
0x1a: {  	p0 =	sne.s32 s6, s5  }
.Ltmp1:
0x1b: {  	_ = 	snop;
	(pc) =	sbr.rel @!p0 .LBB2_11-.Ltmp1, $1  }
0x1c: {  	_ =	sdelay $0x3  }
.LBB2_1:
.Ltmp2:
0x1d: {  	(pc) =	sbr.rel .LBB2_2-.Ltmp2, $4  }
0x1e: {  	[dreg:$0xd] =	wrdreg s6  }
0x1f: {  	s5 =	rddreg [dreg:$0x4]  }
0x20: {  	s21 =	simm.s32 $0x400;
	s6 =	simm.s32 $0x6;
	s14 =	simm.s32 $0x0  }
0x21: {  	[tilespmem:s2], [sflag:$0x5] =	stream.strided.gather [hbm4b:s5+s15], $0x18800, s21, s15, $0x38;
	[tilespmem:$0x1B880] =	vst v63  }
.LBB2_9:
0x22: {  	p0 =	seq.s32 s14, $0xB  }
0x23: {  	s5 =	sshrl.u32 s14, $0x3;
	s6 =	sshll.u32 s14, $0x7;
	s14 =	sadd.s32 @!p0 $0x1, s14  }
0x24: {  	s7 =	sshrl.u32 @!p0 s14, $0x3  }
0x25: {  	s19 =	sshll.u32 @!p0 s14, $0x7;
	s7 =	smul.u32 @!p0 $0xC4000, s7  }
0x26: {  	s19 =	sand.u32 @!p0 $0x380, s19  }
0x27: {  	[bflag:$0x0] =	sbarrier.arrive $0xFFFF;
	s5 =	smul.u32 $0xC4000, s5;
	s7 =	sor.u32 @!p0 s19, s7  }
0x28: {  	s13 =	simm.s32 @!p0 $0x80;
	s19 =	rddreg [dreg:$0x4];
	s7 =	sshrl.u32 @!p0 s7, $0x3  }
0x29: {  	s21 =	simm.s32 @!p0 $0x400;
	s7 =	sadd.s32 @!p0 s19, s7;
	s19 =	simm.s32 @!p0 $0x0  }
0x2a: {  	[tilespmem:s19], [sflag:$0x5] =	stream.strided.gather @!p0 [hbm4b:s7+s13], $0x18800, s21, s13, $0x38;
	[tilespmem:$0x1B880] =	vst v63  }
0x2b: {  	s6 =	sand.u32 $0x380, s6;
	s13 =	rddreg [dreg:$0xa]  }
0x2c: {  	s14 =	simm.s32 @p0 $0xC;
	s19 =	rddreg [dreg:$0x5];
	s5 =	sadd.s32 s5, s13  }
0x2d: {  	s7 =	rddreg [dreg:$0xc];
	s21 =	simm.s32 $0x10;
	s5 =	sor.u32 s6, s5  }
0x2e: {  	p0 =	sne.s32 s14, $0xC;
	s6 =	simm.s32 $0x6;
	s5 =	sshrl.u32 s5, $0x3  }
.Ltmp3:
0x2f: {  	s5 =	sadd.s32 s19, s5;
	s19 =	rddreg [dreg:$0x8];
	(pc) =	sbr.rel @!p0 .LBB2_10-.Ltmp3, $4  }
0x30: {  	[hbm:s5@s15], [sflag:s19] =	dma.strided [spmem:s7@s21], $0x310, s22, $0x10   }
0x31: {  	_ =	swait.ge [sflag:s6], $0x310  }
0x32: {  	[sflag:s6] =	ssyncset.done $0x0  }
0x33: {  	[sflag:s6] =	ssyncadd.s32 $0xFFFFFCF0  }
.LBB2_2:
0x34: {  	s5 =	rddreg [dreg:$0x6]  }
0x35: {  	[spmem:s7], [sflag:s19] =	dma.local [hbm:s5], $0x310  }
0x36: {  	_ =	swait.ge [sflag:s6], $0x310  }
0x37: {  	s21 =	simm.s32 $0x18800;
	[sflag:s6] =	ssyncset.done $0x0  }
0x38: {  	s19 =	simm.s32 $0x0;
	s13 =	rddreg [dreg:$0x7];
	[sflag:s6] =	ssyncadd.s32 $0xFFFFFCF0  }
0x39: {  	[tilespmem:s21], [sflag:$0x1] =	stream.linear.gather [hbm4b:s13+s19], $0x800, $0x38;
	[tilespmem:$0x1B880] =	vst v63  }
0x3a: {  	s7 =	rddreg [dreg:$0x9];
	s13 =	simm.s32 $0x19000;
	s21 =	simm.s32 $0x5  }
0x3b: {  	[tilespmem:s13], [sflag:$0x2] =	stream.linear.gather [hbm4b:s7+s19], $0x800, $0x38;
	[tilespmem:$0x1B880] =	vst v63  }
0x3c: {  	_ =	swait.ge [sflag:s21], $0x18800  }
0x3d: {  	[sflag:s21] =	ssyncset.done $0x0  }
0x3e: {  	[sflag:s21] =	ssyncadd.s32 $0xFFFE7800  }
0x3f: {  	s13 =	simm.s32 $0x19400;
	s21 =	simm.s32 $0x19C00;
	[bflag:$0x0] =	sbarrier.arrive $0xFFFF  }
.LBB2_3:
0x40: {  	_ =	swait.ge [sflag:s22], $0x800  }
0x41: {  	[sflag:s22] =	ssyncset.done $0x0  }
0x42: {  	s5 =	simm.s32 $0x18880;
	[sflag:s22] =	ssyncadd.s32 $0xFFFFF800  }
0x43: {  	v0 =	vld [tilespmem:s5+$0x70]  }
0x44: {  	v1 =	vld [tilespmem:s5+$0xFFFFFF90]  }
0x45: {  	v2 =	vld [tilespmem:s5+$0xFFFFFFA0]  }
0x46: {  	v3 =	vld [tilespmem:s5+$0xFFFFFFB0]  }
0x47: {  	v4 =	vld [tilespmem:s5+$0xFFFFFFC0]  }
0x48: {  	v5 =	vld [tilespmem:s5+$0xFFFFFFD0]  }
0x49: {  	v6 =	vld [tilespmem:s5+$0xFFFFFFE0]  }
0x4a: {  	v7 =	vld [tilespmem:s5+$0xFFFFFFF0]  }
0x4b: {  	v8 =	vld [tilespmem:s5+$0x0]  }
0x4c: {  	v9 =	vld [tilespmem:s5+$0x10]  }
0x4d: {  	v10 =	vld [tilespmem:s5+$0x20]  }
0x4e: {  	v11 =	vld [tilespmem:s5+$0x30]  }
0x4f: {  	v12 =	vld [tilespmem:s5+$0x40]  }
0x50: {  	v13 =	vld [tilespmem:s5+$0x50]  }
0x51: {  	v14 =	vld [tilespmem:s5+$0x60]  }
0x52: {  	v15 =	vld [tilespmem:s5+$0xFFFFFF80]  }
0x53: {  	v0 =	vld.idx.msk [tilespmem:v0+s2+$0x0], $0xffff  }
0x54: {  	v1 =	vld.idx.msk [tilespmem:v1+s2+$0x0], $0xffff  }
0x55: {  	v2 =	vld.idx.msk [tilespmem:v2+s2+$0x0], $0xffff  }
0x56: {  	v3 =	vld.idx.msk [tilespmem:v3+s2+$0x0], $0xffff  }
0x57: {  	v4 =	vld.idx.msk [tilespmem:v4+s2+$0x0], $0xffff  }
0x58: {  	s6 =	simm.s32 $0x19880;
	v5 =	vld.idx.msk [tilespmem:v5+s2+$0x0], $0xffff  }
0x59: {  	v6 =	vld.idx.msk [tilespmem:v6+s2+$0x0], $0xffff;
	[tilespmem:s6+$0x70] =	vst v0  }
0x5a: {  	v7 =	vld.idx.msk [tilespmem:v7+s2+$0x0], $0xffff;
	[tilespmem:s6+$0xFFFFFF90] =	vst v1  }
0x5b: {  	v15 =	vld.idx.msk [tilespmem:v15+s2+$0x0], $0xffff;
	[tilespmem:s6+$0xFFFFFFA0] =	vst v2  }
0x5c: {  	v8 =	vld.idx.msk [tilespmem:v8+s2+$0x0], $0xffff;
	[tilespmem:s6+$0xFFFFFFB0] =	vst v3  }
0x5d: {  	[tilespmem:s6+$0xFFFFFFC0] =	vst v4;
	v0 =	vld.idx.msk [tilespmem:v9+s2+$0x0], $0xffff  }
0x5e: {  	[tilespmem:s6+$0xFFFFFFD0] =	vst v5;
	v1 =	vld.idx.msk [tilespmem:v10+s2+$0x0], $0xffff  }
0x5f: {  	[tilespmem:s6+$0xFFFFFFE0] =	vst v6;
	v2 =	vld.idx.msk [tilespmem:v11+s2+$0x0], $0xffff  }
0x60: {  	[tilespmem:s6+$0xFFFFFFF0] =	vst v7;
	v3 =	vld.idx.msk [tilespmem:v12+s2+$0x0], $0xffff  }
0x61: {  	[tilespmem:s6+$0xFFFFFF80] =	vst v15;
	v4 =	vld.idx.msk [tilespmem:v13+s2+$0x0], $0xffff  }
0x62: {  	s7 =	simm.s32 $0x0;
	s5 =	simm.s32 $0x18980;
	[tilespmem:s6+$0x0] =	vst v8;
	v5 =	vld.idx.msk [tilespmem:v14+s2+$0x0], $0xffff  }
.LBB2_4:
0x63: {  	v6 =	vld [tilespmem:s5+$0x70];
	s7 =	sadd.s32 $0x100, s7;
	[tilespmem:s6+$0x10] =	vst v0  }
0x64: {  	v0 =	vld [tilespmem:s5+$0xFFFFFF90];
	p0 =	slt.u32 s7, $0x300;
	[tilespmem:s6+$0x20] =	vst v1  }
0x65: {  	v1 =	vld [tilespmem:s5+$0xFFFFFFA0];
	[tilespmem:s6+$0x30] =	vst v2  }
0x66: {  	v2 =	vld [tilespmem:s5+$0xFFFFFFB0];
	[tilespmem:s6+$0x40] =	vst v3  }
0x67: {  	v3 =	vld [tilespmem:s5+$0xFFFFFFC0];
	[tilespmem:s6+$0x50] =	vst v4  }
0x68: {  	v4 =	vld [tilespmem:s5+$0xFFFFFFD0];
	[tilespmem:s6+$0x60] =	vst v5  }
0x69: {  	v5 =	vld [tilespmem:s5+$0xFFFFFFE0]  }
0x6a: {  	v7 =	vld [tilespmem:s5+$0xFFFFFFF0]  }
0x6b: {  	v6 =	vld.idx.msk [tilespmem:v6+s2+$0x0], $0xffff  }
0x6c: {  	v8 =	vld [tilespmem:s5+$0x0]  }
0x6d: {  	v9 =	vld [tilespmem:s5+$0x10]  }
0x6e: {  	v10 =	vld [tilespmem:s5+$0x20]  }
0x6f: {  	v11 =	vld [tilespmem:s5+$0x30]  }
0x70: {  	s6 =	sadd.s32 $0x100, s6;
	v12 =	vld [tilespmem:s5+$0x40]  }
0x71: {  	v13 =	vld [tilespmem:s5+$0x50];
	[tilespmem:s6+$0x70] =	vst v6  }
0x72: {  	v6 =	vld [tilespmem:s5+$0x60]  }
0x73: {  	v14 =	vld [tilespmem:s5+$0xFFFFFF80]  }
0x74: {  	v0 =	vld.idx.msk [tilespmem:v0+s2+$0x0], $0xffff  }
0x75: {  	v1 =	vld.idx.msk [tilespmem:v1+s2+$0x0], $0xffff  }
0x76: {  	v2 =	vld.idx.msk [tilespmem:v2+s2+$0x0], $0xffff  }
0x77: {  	v3 =	vld.idx.msk [tilespmem:v3+s2+$0x0], $0xffff  }
0x78: {  	v4 =	vld.idx.msk [tilespmem:v4+s2+$0x0], $0xffff  }
0x79: {  	v5 =	vld.idx.msk [tilespmem:v5+s2+$0x0], $0xffff  }
0x7a: {  	[tilespmem:s6+$0xFFFFFF90] =	vst v0;
	v7 =	vld.idx.msk [tilespmem:v7+s2+$0x0], $0xffff  }
0x7b: {  	v14 =	vld.idx.msk [tilespmem:v14+s2+$0x0], $0xffff;
	[tilespmem:s6+$0xFFFFFFA0] =	vst v1  }
0x7c: {  	[tilespmem:s6+$0xFFFFFFB0] =	vst v2;
	v8 =	vld.idx.msk [tilespmem:v8+s2+$0x0], $0xffff  }
0x7d: {  	[tilespmem:s6+$0xFFFFFFC0] =	vst v3;
	v0 =	vld.idx.msk [tilespmem:v9+s2+$0x0], $0xffff  }
.Ltmp4:
0x7e: {  	[tilespmem:s6+$0xFFFFFFD0] =	vst v4;
	v1 =	vld.idx.msk [tilespmem:v10+s2+$0x0], $0xffff;
	(pc) =	sbr.rel @p0 .LBB2_4-.Ltmp4, $4  }
0x7f: {  	[tilespmem:s6+$0xFFFFFFE0] =	vst v5;
	v2 =	vld.idx.msk [tilespmem:v11+s2+$0x0], $0xffff  }
0x80: {  	[tilespmem:s6+$0xFFFFFFF0] =	vst v7;
	v3 =	vld.idx.msk [tilespmem:v12+s2+$0x0], $0xffff  }
0x81: {  	[tilespmem:s6+$0xFFFFFF80] =	vst v14;
	v4 =	vld.idx.msk [tilespmem:v13+s2+$0x0], $0xffff  }
0x82: {  	s5 =	sadd.s32 $0x100, s5;
	[tilespmem:s6+$0x0] =	vst v8;
	v5 =	vld.idx.msk [tilespmem:v6+s2+$0x0], $0xffff  }
0x83: {  	[tilespmem:s6+$0x10] =	vst v0  }
0x84: {  	[tilespmem:s6+$0x20] =	vst v1  }
0x85: {  	[tilespmem:s6+$0x30] =	vst v2  }
0x86: {  	[tilespmem:s6+$0x40] =	vst v3  }
0x87: {  	[tilespmem:s6+$0x50] =	vst v4  }
0x88: {  	s5 =	simm.s32 $0x18C00;
	s7 =	simm.s32 $0x19800;
	[tilespmem:s6+$0x60] =	vst v5  }
0x89: {  	[spmem:s1] =	stream.indirect.scatter.add.f32 [tilespmem:s7], [sflag:$0x3], $0x1, s5, s15, $0xb8;
	[tilespmem:$0x1B880] =	vst v63  }
0x8a: {  	s6 =	simm.s32 $0x18C80;
	s7 =	simm.s32 $0x19880  }
0x8b: {  	[spmem:s1] =	stream.indirect.scatter.add.f32 [tilespmem:s7], [sflag:$0x3], $0x1, s6, s15, $0xb8;
	[tilespmem:$0x1B880] =	vst v63  }
0x8c: {  	s6 =	simm.s32 $0x18D00;
	s7 =	simm.s32 $0x19900  }
0x8d: {  	[spmem:s1] =	stream.indirect.scatter.add.f32 [tilespmem:s7], [sflag:$0x3], $0x1, s6, s15, $0xb8;
	[tilespmem:$0x1B880] =	vst v63  }
0x8e: {  	s6 =	simm.s32 $0x18D80;
	s7 =	simm.s32 $0x19980  }
0x8f: {  	[spmem:s1] =	stream.indirect.scatter.add.f32 [tilespmem:s7], [sflag:$0x3], $0x1, s6, s15, $0xb8;
	[tilespmem:$0x1B880] =	vst v63  }
0x90: {  	s6 =	simm.s32 $0x18E00;
	s7 =	simm.s32 $0x19A00  }
0x91: {  	[spmem:s1] =	stream.indirect.scatter.add.f32 [tilespmem:s7], [sflag:$0x3], $0x1, s6, s15, $0xb8;
	[tilespmem:$0x1B880] =	vst v63  }
0x92: {  	p0 =	seq.s32 s19, $0x18;
	s6 =	simm.s32 $0x18E80;
	s7 =	simm.s32 $0x19A80  }
0x93: {  	[spmem:s1] =	stream.indirect.scatter.add.f32 [tilespmem:s7], [sflag:$0x3], $0x1, s6, s15, $0xb8;
	[tilespmem:$0x1B880] =	vst v63  }
0x94: {  	s5 =	sshll.u32 @!p0 s19, $0xC;
	s6 =	simm.s32 $0x18F00;
	s7 =	simm.s32 $0x19B00  }
0x95: {  	[spmem:s1] =	stream.indirect.scatter.add.f32 [tilespmem:s7], [sflag:$0x3], $0x1, s6, s15, $0xb8;
	[tilespmem:$0x1B880] =	vst v63  }
0x96: {  	s5 =	sadd.s32 @!p0 s5, s11;
	s6 =	simm.s32 $0x18F80;
	s7 =	simm.s32 $0x19B80  }
0x97: {  	[spmem:s1] =	stream.indirect.scatter.add.f32 [tilespmem:s7], [sflag:$0x3], $0x1, s6, s15, $0xb8;
	[tilespmem:$0x1B880] =	vst v63  }
0x98: {  	s5 =	sshrl.u32 @!p0 s5, $0x3;
	_ =	swait.ge [sflag:s8], $0x400  }
0x99: {  	s5 =	sadd.s32 @!p0 s4, s5;
	[sflag:s8] =	ssyncset.done $0x0  }
0x9a: {  	s6 =	simm.s32 @!p0 $0x0;
	s7 =	simm.s32 @!p0 $0x18800;
	[sflag:s8] =	ssyncadd.s32 $0xFFFFFC00  }
0x9b: {  	[tilespmem:s7], [sflag:$0x1] =	stream.linear.gather @!p0 [hbm4b:s5+s6], $0x800, $0x38;
	[tilespmem:$0x1B880] =	vst v63  }
0x9c: {  	_ =	swait.ge [sflag:s10], $0x800  }
0x9d: {  	[sflag:s10] =	ssyncset.done $0x0  }
0x9e: {  	s7 =	simm.s32 $0x19080;
	[sflag:s10] =	ssyncadd.s32 $0xFFFFF800  }
0x9f: {  	v0 =	vld [tilespmem:s7+$0x70]  }
0xa0: {  	v1 =	vld [tilespmem:s7+$0xFFFFFF90]  }
0xa1: {  	v2 =	vld [tilespmem:s7+$0xFFFFFFA0]  }
0xa2: {  	v3 =	vld [tilespmem:s7+$0xFFFFFFB0]  }
0xa3: {  	v4 =	vld [tilespmem:s7+$0xFFFFFFC0]  }
0xa4: {  	v5 =	vld [tilespmem:s7+$0xFFFFFFD0]  }
0xa5: {  	v6 =	vld [tilespmem:s7+$0xFFFFFFE0]  }
0xa6: {  	v7 =	vld [tilespmem:s7+$0xFFFFFFF0]  }
0xa7: {  	v8 =	vld [tilespmem:s7+$0x0]  }
0xa8: {  	v9 =	vld [tilespmem:s7+$0x10]  }
0xa9: {  	v10 =	vld [tilespmem:s7+$0x20]  }
0xaa: {  	v11 =	vld [tilespmem:s7+$0x30]  }
0xab: {  	v12 =	vld [tilespmem:s7+$0x40]  }
0xac: {  	v13 =	vld [tilespmem:s7+$0x50]  }
0xad: {  	v14 =	vld [tilespmem:s7+$0x60]  }
0xae: {  	v15 =	vld [tilespmem:s7+$0xFFFFFF80]  }
0xaf: {  	v0 =	vld.idx.msk [tilespmem:v0+s2+$0x0], $0xffff  }
0xb0: {  	v1 =	vld.idx.msk [tilespmem:v1+s2+$0x0], $0xffff  }
0xb1: {  	v2 =	vld.idx.msk [tilespmem:v2+s2+$0x0], $0xffff  }
0xb2: {  	v3 =	vld.idx.msk [tilespmem:v3+s2+$0x0], $0xffff  }
0xb3: {  	v4 =	vld.idx.msk [tilespmem:v4+s2+$0x0], $0xffff  }
0xb4: {  	s6 =	simm.s32 $0x19C80;
	v5 =	vld.idx.msk [tilespmem:v5+s2+$0x0], $0xffff  }
0xb5: {  	v6 =	vld.idx.msk [tilespmem:v6+s2+$0x0], $0xffff;
	[tilespmem:s6+$0x70] =	vst v0  }
0xb6: {  	v7 =	vld.idx.msk [tilespmem:v7+s2+$0x0], $0xffff;
	[tilespmem:s6+$0xFFFFFF90] =	vst v1  }
0xb7: {  	v15 =	vld.idx.msk [tilespmem:v15+s2+$0x0], $0xffff;
	[tilespmem:s6+$0xFFFFFFA0] =	vst v2  }
0xb8: {  	v8 =	vld.idx.msk [tilespmem:v8+s2+$0x0], $0xffff;
	[tilespmem:s6+$0xFFFFFFB0] =	vst v3  }
0xb9: {  	[tilespmem:s6+$0xFFFFFFC0] =	vst v4;
	v0 =	vld.idx.msk [tilespmem:v9+s2+$0x0], $0xffff  }
0xba: {  	[tilespmem:s6+$0xFFFFFFD0] =	vst v5;
	v1 =	vld.idx.msk [tilespmem:v10+s2+$0x0], $0xffff  }
0xbb: {  	[tilespmem:s6+$0xFFFFFFE0] =	vst v6;
	v2 =	vld.idx.msk [tilespmem:v11+s2+$0x0], $0xffff  }
0xbc: {  	[tilespmem:s6+$0xFFFFFFF0] =	vst v7;
	v3 =	vld.idx.msk [tilespmem:v12+s2+$0x0], $0xffff  }
0xbd: {  	[tilespmem:s6+$0xFFFFFF80] =	vst v15;
	v4 =	vld.idx.msk [tilespmem:v13+s2+$0x0], $0xffff  }
0xbe: {  	s5 =	simm.s32 $0x19180;
	s7 =	simm.s32 $0x0;
	[tilespmem:s6+$0x0] =	vst v8;
	v5 =	vld.idx.msk [tilespmem:v14+s2+$0x0], $0xffff  }
.LBB2_6:
0xbf: {  	v6 =	vld [tilespmem:s5+$0x70];
	s7 =	sadd.s32 $0x100, s7;
	[tilespmem:s6+$0x10] =	vst v0  }
0xc0: {  	v0 =	vld [tilespmem:s5+$0xFFFFFF90];
	p1 =	slt.u32 s7, $0x300;
	[tilespmem:s6+$0x20] =	vst v1  }
0xc1: {  	v1 =	vld [tilespmem:s5+$0xFFFFFFA0];
	[tilespmem:s6+$0x30] =	vst v2  }
0xc2: {  	v2 =	vld [tilespmem:s5+$0xFFFFFFB0];
	[tilespmem:s6+$0x40] =	vst v3  }
0xc3: {  	v3 =	vld [tilespmem:s5+$0xFFFFFFC0];
	[tilespmem:s6+$0x50] =	vst v4  }
0xc4: {  	v4 =	vld [tilespmem:s5+$0xFFFFFFD0];
	[tilespmem:s6+$0x60] =	vst v5  }
0xc5: {  	v5 =	vld [tilespmem:s5+$0xFFFFFFE0]  }
0xc6: {  	v7 =	vld [tilespmem:s5+$0xFFFFFFF0]  }
0xc7: {  	v6 =	vld.idx.msk [tilespmem:v6+s2+$0x0], $0xffff  }
0xc8: {  	v8 =	vld [tilespmem:s5+$0x0]  }
0xc9: {  	v9 =	vld [tilespmem:s5+$0x10]  }
0xca: {  	v10 =	vld [tilespmem:s5+$0x20]  }
0xcb: {  	v11 =	vld [tilespmem:s5+$0x30]  }
0xcc: {  	s6 =	sadd.s32 $0x100, s6;
	v12 =	vld [tilespmem:s5+$0x40]  }
0xcd: {  	v13 =	vld [tilespmem:s5+$0x50];
	[tilespmem:s6+$0x70] =	vst v6  }
0xce: {  	v6 =	vld [tilespmem:s5+$0x60]  }
0xcf: {  	v14 =	vld [tilespmem:s5+$0xFFFFFF80]  }
0xd0: {  	v0 =	vld.idx.msk [tilespmem:v0+s2+$0x0], $0xffff  }
0xd1: {  	v1 =	vld.idx.msk [tilespmem:v1+s2+$0x0], $0xffff  }
0xd2: {  	v2 =	vld.idx.msk [tilespmem:v2+s2+$0x0], $0xffff  }
0xd3: {  	v3 =	vld.idx.msk [tilespmem:v3+s2+$0x0], $0xffff  }
0xd4: {  	v4 =	vld.idx.msk [tilespmem:v4+s2+$0x0], $0xffff  }
0xd5: {  	v5 =	vld.idx.msk [tilespmem:v5+s2+$0x0], $0xffff  }
0xd6: {  	[tilespmem:s6+$0xFFFFFF90] =	vst v0;
	v7 =	vld.idx.msk [tilespmem:v7+s2+$0x0], $0xffff  }
0xd7: {  	v14 =	vld.idx.msk [tilespmem:v14+s2+$0x0], $0xffff;
	[tilespmem:s6+$0xFFFFFFA0] =	vst v1  }
0xd8: {  	[tilespmem:s6+$0xFFFFFFB0] =	vst v2;
	v8 =	vld.idx.msk [tilespmem:v8+s2+$0x0], $0xffff  }
0xd9: {  	[tilespmem:s6+$0xFFFFFFC0] =	vst v3;
	v0 =	vld.idx.msk [tilespmem:v9+s2+$0x0], $0xffff  }
.Ltmp5:
0xda: {  	[tilespmem:s6+$0xFFFFFFD0] =	vst v4;
	v1 =	vld.idx.msk [tilespmem:v10+s2+$0x0], $0xffff;
	(pc) =	sbr.rel @p1 .LBB2_6-.Ltmp5, $4  }
0xdb: {  	[tilespmem:s6+$0xFFFFFFE0] =	vst v5;
	v2 =	vld.idx.msk [tilespmem:v11+s2+$0x0], $0xffff  }
0xdc: {  	[tilespmem:s6+$0xFFFFFFF0] =	vst v7;
	v3 =	vld.idx.msk [tilespmem:v12+s2+$0x0], $0xffff  }
0xdd: {  	[tilespmem:s6+$0xFFFFFF80] =	vst v14;
	v4 =	vld.idx.msk [tilespmem:v13+s2+$0x0], $0xffff  }
0xde: {  	s5 =	sadd.s32 $0x100, s5;
	[tilespmem:s6+$0x0] =	vst v8;
	v5 =	vld.idx.msk [tilespmem:v6+s2+$0x0], $0xffff  }
0xdf: {  	[tilespmem:s6+$0x10] =	vst v0  }
0xe0: {  	[tilespmem:s6+$0x20] =	vst v1  }
0xe1: {  	[tilespmem:s6+$0x30] =	vst v2  }
0xe2: {  	[tilespmem:s6+$0x40] =	vst v3  }
0xe3: {  	[tilespmem:s6+$0x50] =	vst v4  }
0xe4: {  	[tilespmem:s6+$0x60] =	vst v5  }
0xe5: {  	[spmem:s1] =	stream.indirect.scatter.add.f32 [tilespmem:s21], [sflag:$0x4], $0x1, s13, s15, $0xb8;
	[tilespmem:$0x1B880] =	vst v63  }
0xe6: {  	_ = 	snop  }
0xe7: {  	[spmem:s1] =	stream.indirect.scatter.add.f32 [tilespmem:s17], [sflag:$0x4], $0x1, s9, s15, $0xb8;
	[tilespmem:$0x1B880] =	vst v63  }
0xe8: {  	_ = 	snop  }
0xe9: {  	[spmem:s1] =	stream.indirect.scatter.add.f32 [tilespmem:s20], [sflag:$0x4], $0x1, s18, s15, $0xb8;
	[tilespmem:$0x1B880] =	vst v63  }
0xea: {  	_ = 	snop  }
0xeb: {  	[spmem:s1] =	stream.indirect.scatter.add.f32 [tilespmem:s24], [sflag:$0x4], $0x1, s23, s15, $0xb8;
	[tilespmem:$0x1B880] =	vst v63  }
0xec: {  	_ = 	snop  }
0xed: {  	[spmem:s1] =	stream.indirect.scatter.add.f32 [tilespmem:s26], [sflag:$0x4], $0x1, s25, s15, $0xb8;
	[tilespmem:$0x1B880] =	vst v63  }
0xee: {  	_ = 	snop  }
0xef: {  	[spmem:s1] =	stream.indirect.scatter.add.f32 [tilespmem:s29], [sflag:$0x4], $0x1, s28, s15, $0xb8;
	[tilespmem:$0x1B880] =	vst v63  }
0xf0: {  	_ = 	snop  }
0xf1: {  	[spmem:s1] =	stream.indirect.scatter.add.f32 [tilespmem:s31], [sflag:$0x4], $0x1, s30, s15, $0xb8;
	[tilespmem:$0x1B880] =	vst v63  }
.Ltmp6:
0xf2: {  	_ = 	snop;
	(pc) =	sbr.rel @p0 .LBB2_9-.Ltmp6, $4  }
0xf3: {  	[spmem:s1] =	stream.indirect.scatter.add.f32 [tilespmem:s3], [sflag:$0x4], $0x1, s0, s15, $0xb8;
	[tilespmem:$0x1B880] =	vst v63  }
0xf4: {  	_ =	swait.ge [sflag:s16], $0x400  }
0xf5: {  	[sflag:s16] =	ssyncset.done $0x0  }
0xf6: {  	[sflag:s16] =	ssyncadd.s32 $0xFFFFFC00  }
.Ltmp7:
0xf7: {  	s5 =	sshll.u32 s19, $0xC;
	(pc) =	sbr.rel .LBB2_3-.Ltmp7, $4  }
0xf8: {  	s5 =	sadd.s32 s5, s12  }
0xf9: {  	s5 =	sshrl.u32 s5, $0x3  }
0xfa: {  	s6 =	simm.s32 $0x19000;
	s19 =	sadd.s32 $0x1, s19;
	s5 =	sadd.s32 s4, s5  }
0xfb: {  	[tilespmem:s6], [sflag:$0x2] =	stream.linear.gather [hbm4b:s5+s2], $0x800, $0x38;
	[tilespmem:$0x1B880] =	vst v63  }
.LBB2_11:
0xfc: {  	_ =	sfence.sel $0x180000  }
0xfd: {  	[bflag:$0x0] =	sbarrier.arrive $0xFFFF  }
0xfe: {  	_ =	strace $0x9000004A  }
0xff: {  	s0 =	stileid.u32;
	[bflag:$0x2] =	sbarrier.arrive $0xFFFF  }
0x100: {  	p0 =	sne.s32 s0, $0x0;
	s0 =	rddreg [dreg:$0x3]  }
0x101: {  	s0 =	sadd.s32 @!p0 $0x100000, s0  }
0x102: {  	[sflag:s0] =	ssyncadd.tile.s32 @!p0 $0x1;
	_ =	shalt  }
.Lfunc_end2:
_tile_overlayer_lowered:
.L_overlay_start_2:
0x103: {  	(tag) =	ssettag $0x2  }
0x104: {  	s0 =	rddreg [dreg:$0x0];
	s2 =	stileid.u32  }
0x105: {  	s1 =	rddreg [dreg:$0x1];
	p0 =	sne.s32 s2, $0x0  }
0x106: {  	s3 =	rddreg [dreg:$0x2];
	[bflag:$0x3] =	sbarrier.arrive $0xFFFF;
	s2 =	simm.s32 @!p0 $0x1C06  }
0x107: {  	[timem:s3], [sflag:s2] =	dma.local @!p0 [hbm:s0], s1  }
0x108: {  	s0 =	simm.s32 @!p0 $0x6  }
0x109: {  	_ =	swait.ge @!p0 [sflag:s0], s1  }
0x10a: {  	s1 =	ssub.s32 @!p0 $0x0, s1;
	[sflag:s0] =	ssyncset.done @!p0 $0x0  }
0x10b: {  	[sflag:s0] =	ssyncadd.s32 @!p0 s1  }
0x10c: {  	[bflag:$0x3] =	sbarrier.arrive $0xFFFF  }
0x10d: {  	_ =	shalt  }

// kernel: kernel.14.cloned.1.call-start
scs
__scs_entry_jumppad:
0x0: {  	(pc) =	sbr.rel $0x88, $3  }
0x1: {  	(tag) =	ssettag $0x0;
	lr =	simm.s32 $0x1  }
0x2: {  	[smem:$0x3F97] =	sst lr;
	_ =	strace $0xD0000000  }
0x3: {  	_ = 	snop  }
0x4: {  	_ = 	snop  }
0x5: {  	_ = 	snop  }
0x6: {  	_ = 	snop  }
0x7: {  	_ = 	snop  }
__scs_overlays_trampoline_lowered:
0x8: {  	[smem:$0x3FA6] =	sst s0  }
0x9: {  	[smem:$0x3FA7] =	sst s1  }
0xa: {  	[smem:$0x3FA8] =	sst s2  }
0xb: {  	[smem:$0x3FA9] =	sst s3  }
0xc: {  	[smem:$0x3FAA] =	sst s4  }
0xd: {  	[smem:$0x3FAB] =	sst s5  }
0xe: {  	[smem:$0x3FAC] =	sst s6  }
0xf: {  	[smem:$0x3FAD] =	sst s7  }
0x10: {  	[smem:$0x3FAE] =	sst s8  }
0x11: {  	[smem:$0x3FAF] =	sst s9;
	s0 =	simm.s32 @!p0 $0x0  }
0x12: {  	s1 =	sld [smem:$0x3F95];
	s0 =	simm.s32 @p0 $0x1  }
0x13: {  	[smem:$0x3FB0] =	sst s0;
	s0 =	simm.s32 @!p1 $0x0  }
0x14: {  	s2 =	sld [smem:$0x3F94];
	s0 =	simm.s32 @p1 $0x1  }
0x15: {  	[smem:$0x3FB1] =	sst s0;
	s0 =	simm.s32 @!p2 $0x0  }
0x16: {  	s3 =	sld [smem:$0x3FDB];
	s0 =	simm.s32 @p2 $0x1  }
0x17: {  	s4 =	simm.s32 $0x1BF5;
	[smem:$0x3FB3] =	sst s0  }
0x18: {  	s0 =	sld [smem:$0x3F96];
	_ =	swait.ge [sflag:s4], $0x0  }
0x19: {  	s7 =	sld [smem:$0x3F97]  }
0x1a: {  	s8 =	sadd.s32 $0xFFFFE003, lr  }
0x1b: {  	s9 =	sadd.s32 $0xFFFFFEF7, lr;
	s5 =	simm.s32 $0xFFFFFFFF;
	p2 =	slt.u32 s8, $0xFFFFF086  }
0x1c: {  	p1 =	slt.u32 s9, $0xF7A;
	s5 =	simm.s32 @!p2 $0x0  }
0x1d: {  	s5 =	simm.s32 @p1 $0x1;
	p0 =	seq.s32 s7, s2  }
0x1e: {  	s7 =	smul.u32 @!p0 $0xF7A, s2;
	p2 =	seq.s32 @!p0 s5, $0x0  }
0x1f: {  	s9 =	smul.u32 $0xF7A, s1;
	s8 =	simm.s32 @!p0 $0x1BF5;
	p2 =	por !p2, p0  }
0x20: {  	[sflag:s8] =	ssyncset.s32 @!p0 $0xFFFFF086;
	s6 =	sadd.s32 @!p0 s3, s7;
	s7 =	simm.s32 @!p0 $0x108  }
0x21: {  	s3 =	sadd.s32 s3, s9;
	s6 =	sadd.s32 @!p0 $0x88, s6;
	s7 =	simm.s32 @p2 $0x1082  }
0x22: {  	[simem:s7], [sflag:s8] =	dma.local @!p0 [hbm:s6], $0xF7A  }
0x23: {  	s9 =	sor.u32 $0xD0000000, s2;
	s6 =	simm.s32 $0x108;
	_ =	swait.ge @!p0 [sflag:s8], $0x0  }
0x24: {  	s3 =	sadd.s32 $0x88, s3;
	s6 =	simm.s32 @!p1 $0x1082;
	[sflag:s4] =	ssyncset.s32 $0xFFFFF086  }
0x25: {  	[simem:s6], [sflag:s4] =	dma.local [hbm:s3], $0xF7A  }
0x26: {  	[smem:$0x3F97] =	sst s1;
	(tag) =	ssettag s2;
	_ =	strace s9  }
0x27: {  	s1 =	sld [smem:$0x3FA7]  }
0x28: {  	s2 =	sld [smem:$0x3FA8]  }
0x29: {  	s4 =	sld [smem:$0x3FAA]  }
0x2a: {  	p0 =	seq.s32 s5, $0x0;
	s5 =	sld [smem:$0x3FAB]  }
0x2b: {  	s6 =	sld [smem:$0x3FAC]  }
0x2c: {  	s7 =	sld [smem:$0x3FAD]  }
0x2d: {  	s3 =	simm.s32 $0x108;
	s8 =	sld [smem:$0x3FAE]  }
0x2e: {  	s3 =	simm.s32 @!p0 $0x1082;
	s9 =	sld [smem:$0x3FAF]  }
0x2f: {  	lr =	sadd.s32 s0, s3;
	s0 =	sld [smem:$0x3FA6]  }
0x30: {  	s3 =	sld [smem:$0x3FA9]  }
0x31: {  	[smem:$0x3FB2] =	sst s10  }
0x32: {  	s10 =	sld [smem:$0x3FB0];
	_ =	sdelay $0x3  }
0x33: {  	p0 =	seq.s32 s10, $0x1;
	s10 =	sld [smem:$0x3FB2];
	_ =	sdelay $0x3  }
0x34: {  	[smem:$0x3FB2] =	sst s10  }
0x35: {  	s10 =	sld [smem:$0x3FB1];
	_ =	sdelay $0x3  }
0x36: {  	p1 =	seq.s32 s10, $0x1;
	s10 =	sld [smem:$0x3FB2];
	_ =	sdelay $0x3  }
0x37: {  	[smem:$0x3FB2] =	sst s10  }
0x38: {  	s10 =	sld [smem:$0x3FB3]  }
0x39: {  	_ = 	snop;
	(pc) =	sbr.ind lr, $3  }
0x3a: {  	_ = 	snop  }
0x3b: {  	_ = 	snop  }
0x3c: {  	p2 =	seq.s32 s10, $0x1;
	s10 =	sld [smem:$0x3FB2]  }
0x3d: {  	_ =	shalt  }
0x3e: {  	_ =	shalt  }
0x3f: {  	_ =	shalt  }
0x40: {  	_ =	shalt  }
0x41: {  	_ =	shalt  }
0x42: {  	_ =	shalt  }
0x43: {  	_ =	shalt  }
0x44: {  	_ =	shalt  }
0x45: {  	_ =	shalt  }
0x46: {  	_ =	shalt  }
0x47: {  	_ =	shalt  }
0x48: {  	_ =	shalt  }
0x49: {  	_ =	shalt  }
0x4a: {  	_ =	shalt  }
0x4b: {  	_ =	shalt  }
0x4c: {  	_ =	shalt  }
0x4d: {  	_ =	shalt  }
0x4e: {  	_ =	shalt  }
0x4f: {  	_ =	shalt  }
0x50: {  	_ =	shalt  }
0x51: {  	_ =	shalt  }
0x52: {  	_ =	shalt  }
0x53: {  	_ =	shalt  }
0x54: {  	_ =	shalt  }
0x55: {  	_ =	shalt  }
0x56: {  	_ =	shalt  }
0x57: {  	_ =	shalt  }
0x58: {  	_ =	shalt  }
0x59: {  	_ =	shalt  }
0x5a: {  	_ =	shalt  }
0x5b: {  	_ =	shalt  }
0x5c: {  	_ =	shalt  }
0x5d: {  	_ =	shalt  }
0x5e: {  	_ =	shalt  }
0x5f: {  	_ =	shalt  }
0x60: {  	_ =	shalt  }
0x61: {  	_ =	shalt  }
0x62: {  	_ =	shalt  }
0x63: {  	_ =	shalt  }
0x64: {  	_ =	shalt  }
0x65: {  	_ =	shalt  }
0x66: {  	_ =	shalt  }
0x67: {  	_ =	shalt  }
0x68: {  	_ =	shalt  }
0x69: {  	_ =	shalt  }
0x6a: {  	_ =	shalt  }
0x6b: {  	_ =	shalt  }
0x6c: {  	_ =	shalt  }
0x6d: {  	_ =	shalt  }
0x6e: {  	_ =	shalt  }
0x6f: {  	_ =	shalt  }
0x70: {  	_ =	shalt  }
0x71: {  	_ =	shalt  }
0x72: {  	_ =	shalt  }
0x73: {  	_ =	shalt  }
0x74: {  	_ =	shalt  }
0x75: {  	_ =	shalt  }
0x76: {  	_ =	shalt  }
0x77: {  	_ =	shalt  }
0x78: {  	_ =	shalt  }
0x79: {  	_ =	shalt  }
0x7a: {  	_ =	shalt  }
0x7b: {  	_ =	shalt  }
0x7c: {  	_ =	shalt  }
0x7d: {  	_ =	shalt  }
0x7e: {  	_ =	shalt  }
0x7f: {  	_ =	shalt  }
0x80: {  	_ =	shalt  }
0x81: {  	_ =	shalt  }
0x82: {  	_ =	shalt  }
0x83: {  	_ =	shalt  }
0x84: {  	_ =	shalt  }
0x85: {  	_ =	shalt  }
0x86: {  	_ =	shalt  }
0x87: {  	_ =	shalt  }
.Lfunc_end0:
.L_simem_size_0:
called_computation.2_lowered:
.L_overlay_start_0:
0x88: {  	s2 =	sld [smem:$0x3FD9]  }
0x89: {  	s3 =	sld [smem:$0x3FFE];
	_ =	sdelay $0x1  }
0x8a: {  	s1 =	srdreg.scid  }
0x8b: {  	s0 =	sand.u32 $0x1, s1  }
0x8c: {  	s17 =	sshll.u32 s0, $0xA;
	s2 =	sadd.s32 s3, s2  }
0x8d: {  	s2 =	sadd.s32 s2, s17  }
0x8e: {  	[smem:$0x3FBE] =	sst s2  }
0x8f: {  	_ = 	snop  }
0x90: {  	s2 =	sld [smem:$0x3FD0];
	(tm) =	ssettm $0x1  }
0x91: {  	s18 =	sld [smem:$0x3FFB];
	_ =	sdelay $0x3  }
0x92: {  	_ =	strace s18  }
0x93: {  	s3 =	sld [smem:$0x3FFC];
	_ =	sdelay $0x3  }
0x94: {  	_ =	strace s3  }
0x95: {  	s3 =	sld [smem:$0x3FFD];
	_ =	sdelay $0x3  }
0x96: {  	_ =	strace s3  }
0x97: {  	_ =	strace $0x8FFFFFFF  }
0x98: {  	s19 =	sld [smem:$0x3FDB];
	_ =	sdelay $0x1  }
0x99: {  	s4 =	simm.s32 $_scs_section_size  }
0x9a: {  	s5 =	simm.s32 $_size__tile_overlayer_lowered;
	s6 =	simm.s32 $_tile_overlayer_lowered  }
0x9b: {  	s22 =	simm.s32 $0x1BFF;
	s21 =	sshll.u32 s6, $0x1;
	s3 =	sadd.s32 s4, s19  }
0x9c: {  	s7 =	simm.s32 $0x0;
	s20 =	sshll.u32 s5, $0x1;
	s5 =	sadd.s32 s21, s3  }
0x9d: {  	[timem:s7], [sflag:s22] =	dma.local [hbm:s5], s20  }
0x9e: {  	_ =	swait.ge [sflag:s22], s20  }
0x9f: {  	s4 =	ssub.s32 $0x0, s20;
	[sflag:s22] =	ssyncset.done $0x0  }
0xa0: {  	[sflag:s22] =	ssyncadd.s32 s4;
	_ =	sdelay $0x1  }
0xa1: {  	s23 =	simm.s32 $0x1B8B  }
0xa2: {  	_ =	swait.ge [sflag:s23], $0x1  }
0xa3: {  	[sflag:s23] =	ssyncset.done $0x0  }
0xa4: {  	s25 =	simm.s32 $0x1B8E;
	s24 =	sld [smem:$0x3FFE];
	[sflag:s23] =	ssyncadd.s32 $0xFFFFFFFF  }
0xa5: {  	s26 =	simm.s32 $execute0_lowered;
	[smem:$0x3FD2] =	sst s25  }
0xa6: {  	s5 =	sshll.u32 s26, $0x1;
	_ =	strace $0x8000004C;
	[dreg:$0x1] =	wrdreg $0xFFFFFFFF  }
0xa7: {  	s28 =	simm.s32 $_size_execute0_lowered;
	s3 =	sadd.s32 s3, s5;
	[dreg:$0x0] =	wrdreg $0x0  }
0xa8: {  	s5 =	sshll.u32 s28, $0x1;
	[dreg:$0x2] =	wrdreg s3  }
0xa9: {  	[dreg:$0x3] =	wrdreg s5  }
0xaa: {  	[dreg:$0x4] =	wrdreg $0xC0  }
0xab: {  	_ =	task [dreg:s7], $0x5FFFF  }
0xac: {  	[dreg:$0x1] =	wrdreg $0xFFFFFFFF  }
0xad: {  	[dreg:$0x0] =	wrdreg $0x60  }
0xae: {  	[dreg:$0x2] =	wrdreg s24  }
0xaf: {  	[dreg:$0x3] =	wrdreg s2  }
0xb0: {  	[dreg:$0x4] =	wrdreg $0x1A0000  }
0xb1: {  	[dreg:$0x5] =	wrdreg $0x9  }
0xb2: {  	_ =	task.clear_ibuf [dreg:s7], $0x6FFFF;
	_ =	strace $0x9000004C  }
0xb3: {  	s29 =	simm.s32 $0x9;
	_ =	strace $0x8000004E  }
0xb4: {  	_ =	swait.ge [sflag:s29], $0x1  }
0xb5: {  	[sflag:s29] =	ssyncadd.s32 $0xFFFFFFFF  }
0xb6: {  	_ =	strace $0x9000004E  }
0xb7: {  	_ =	sfence  }
0xb8: {  	s30 =	sld [smem:$0x0];
	_ =	sdelay $0x2  }
0xb9: {  	s31 =	sshll.u32 s1, $0xD;
	s1 =	sshrl.u32 s1, $0x2  }
0xba: {  	s3 =	sand.u32 $0x4000, s31;
	s1 =	sadd.s32 s1, s30  }
0xbb: {  	s0 =	sor.u32 s3, s0;
	s1 =	sshll.u32 s1, $0x11  }
0xbc: {  	s0 =	sor.u32 s1, s0  }
0xbd: {  	s0 =	sadd.s32 $0x8F2B, s0  }
0xbe: {  	[sflag:s0] =	ssyncadd.remote.s32 $0x1  }
0xbf: {  	_ =	sfence.sel $0xFFFF  }
0xc0: {  	[dreg:$0x0] =	wrdreg $0xFFFFFFFF;
	(pc) =	sbr.abs _section_cstart, $3  }
0xc1: {  	[dreg:$0x1] =	wrdreg $0xFFFFFFFF  }
0xc2: {  	_ =	task.clear_ibuf [dreg:s7], $0x2FFFF;
	_ =	strace $0x9FFFFFFF  }
0xc3: {  	(tm) =	ssettm $0x7FFFFFFF  }
tec
execute0_lowered:
.L_overlay_start_1:
0x0: {  	(tag) =	ssettag $0x1  }
0x1: {  	s0 =	rddreg [dreg:$0x0]  }
0x2: {  	s1 =	rddreg [dreg:$0x1]  }
0x3: {  	s2 =	rddreg [dreg:$0x2];
	s3 =	simm.s32 $0x0  }
0x4: {  	s4 =	srdreg.scid;
	s10 =	stileid.u32;
	s12 =	simm.s32 $0x3  }
0x5: {  	s13 =	simm.s32 $0x2;
	s14 =	simm.s32 $0x19C80;
	s15 =	simm.s32 $0x19500  }
0x6: {  	s17 =	simm.s32 $0x19D00;
	s28 =	simm.s32 $0x19700;
	s29 =	simm.s32 $0x19F00  }
0x7: {  	s30 =	simm.s32 $0x19780;
	s31 =	simm.s32 $0x19F80;
	[smem:$0x7FF] =	sst s3  }
0x8: {  	s5 =	sand.u32 $0x1, s4;
	s6 =	smul.u32 $0x3100, s10;
	s4 =	sadd.s32 $0x2600, s0  }
0x9: {  	s8 =	sadd.s32 $0x66600, s0;
	s19 =	sshll.u32 s10, $0x1;
	s20 =	smul.u32 $0x1880, s10  }
0xa: {  	s24 =	sshll.u32 s10, $0x6;
	_ =	strace $0x8000004D;
	s7 =	sshll.u32 s5, $0x7  }
0xb: {  	[dreg:$0x4] =	wrdreg s8;
	s18 =	ssub.s32 $0x2, s5;
	s5 =	sor.u32 s5, s19  }
0xc: {  	s16 =	sor.u32 $0x1C06, s24;
	s19 =	simm.s32 $0x1;
	s24 =	simm.s32 $0x19E00  }
0xd: {  	s6 =	sor.u32 s7, s6;
	s9 =	sshrl.u32 s18, $0x1;
	s22 =	smul.u32 $0x3200, s5  }
0xe: {  	s23 =	sadd.s32 s20, s2;
	s8 =	sshrl.u32 s20, $0x3;
	s5 =	smul.u32 $0x19000, s5  }
0xf: {  	s20 =	simm.s32 $0x80;
	[dreg:$0x7] =	wrdreg s16;
	s6 =	sshrl.u32 s6, $0x3  }
0x10: {  	s21 =	ssub.s32 s18, s9;
	s1 =	sadd.s32 s1, s8;
	s9 =	simm.s32 $0x19B80  }
0x11: {  	s18 =	simm.s32 $0x19C00;
	s8 =	simm.s32 $0x19480;
	s0 =	sadd.s32 s6, s0  }
0x12: {  	[dreg:$0x5] =	wrdreg s1;
	s7 =	sadd.s32 s4, s22;
	s10 =	sadd.s32 $0x1000, s5  }
0x13: {  	s11 =	sadd.s32 $0x1800, s5;
	s26 =	smax.u32 s21, $0x1;
	s5 =	sshrl.u32 s23, $0x3  }
0x14: {  	s6 =	simm.s32 $0x6;
	s21 =	simm.s32 $0x19580;
	[dreg:$0x6] =	wrdreg s7  }
.Ltmp0:
0x15: {  	s1 =	simm.s32 $0x0;
	[dreg:$0xa] =	wrdreg s26;
	(pc) =	sbr.rel .LBB2_1-.Ltmp0, $4  }
0x16: {  	s22 =	simm.s32 $0x19D80;
	s23 =	simm.s32 $0x19600;
	[dreg:$0xc] =	wrdreg s1  }
0x17: {  	s25 =	sadd.s32 $0x100, s7;
	s0 =	sadd.s32 $0x69800, s0;
	[dreg:$0xb] =	wrdreg s5  }
0x18: {  	s7 =	simm.s32 $0x19400;
	s26 =	simm.s32 $0x19E80;
	[dreg:$0x8] =	wrdreg s25  }
0x19: {  	[dreg:$0x9] =	wrdreg s0;
	s25 =	simm.s32 $0x19680;
	s0 =	simm.s32 $0x4  }
.LBB2_8:
0x1a: {  	[bflag:$0x0] =	sbarrier.arrive $0xFFFF  }
0x1b: {  	s16 =	rddreg [dreg:$0x7]  }
0x1c: {  	s1 =	rddreg [dreg:$0x9]  }
0x1d: {  	s6 =	simm.s32 $0x20;
	s9 =	simm.s32 $0x10;
	s5 =	rddreg [dreg:$0xb]  }
0x1e: {  	[hbm:s1@s6], [sflag:s16] =	dma.strided [spmem:s5@s9], $0x310, s19, $0x10   }
0x1f: {  	s6 =	simm.s32 $0x6  }
0x20: {  	_ =	swait.ge [sflag:s6], $0x310  }
0x21: {  	s7 =	rddreg [dreg:$0xc]  }
0x22: {  	s1 =	rddreg [dreg:$0xa];
	s7 =	sadd.s32 $0x1, s7  }
0x23: {  	p0 =	sne.s32 s7, s1  }
.Ltmp1:
0x24: {  	_ = 	snop;
	(pc) =	sbr.rel @!p0 .LBB2_9-.Ltmp1, $3  }
0x25: {  	_ =	sdelay $0x1  }
0x26: {  	s9 =	simm.s32 $0x19B80;
	[sflag:s6] =	ssyncset.done $0x0  }
0x27: {  	[sflag:s6] =	ssyncadd.s32 $0xFFFFFCF0;
	[dreg:$0xc] =	wrdreg s7;
	s7 =	simm.s32 $0x19400  }
.LBB2_1:
0x28: {  	s1 =	rddreg [dreg:$0x4]  }
0x29: {  	[tilespmem:s3], [sflag:$0x5] =	stream.linear.gather [hbm4b:s1+s3], $0x18800, $0x38;
	[tilespmem:$0x1B880] =	vst v63  }
0x2a: {  	s1 =	rddreg [dreg:$0x5]  }
0x2b: {  	[spmem:s5], [sflag:s16] =	dma.local [hbm:s1], $0x310  }
0x2c: {  	_ =	swait.ge [sflag:s6], $0x310  }
0x2d: {  	[sflag:s6] =	ssyncset.done $0x0  }
0x2e: {  	s16 =	simm.s32 $0x18800;
	[sflag:s6] =	ssyncadd.s32 $0xFFFFFCF0;
	s6 =	rddreg [dreg:$0x6]  }
0x2f: {  	[tilespmem:s16], [sflag:$0x1] =	stream.linear.gather [hbm4b:s6+s3], $0x800, $0x38;
	[tilespmem:$0x1B880] =	vst v63  }
0x30: {  	s5 =	rddreg [dreg:$0x8];
	s6 =	simm.s32 $0x19000;
	s16 =	simm.s32 $0x5  }
0x31: {  	[tilespmem:s6], [sflag:$0x2] =	stream.linear.gather [hbm4b:s5+s3], $0x800, $0x38;
	[tilespmem:$0x1B880] =	vst v63  }
0x32: {  	_ =	swait.ge [sflag:s16], $0x18800  }
0x33: {  	[sflag:s16] =	ssyncset.done $0x0  }
0x34: {  	[sflag:s16] =	ssyncadd.s32 $0xFFFE7800  }
0x35: {  	s1 =	simm.s32 $0x0;
	[bflag:$0x0] =	sbarrier.arrive $0xFFFF  }
.LBB2_2:
0x36: {  	_ =	swait.ge [sflag:s19], $0x800  }
0x37: {  	[sflag:s19] =	ssyncset.done $0x0  }
0x38: {  	s5 =	simm.s32 $0x18880;
	[sflag:s19] =	ssyncadd.s32 $0xFFFFF800  }
0x39: {  	v0 =	vld [tilespmem:s5+$0x70]  }
0x3a: {  	v1 =	vld [tilespmem:s5+$0xFFFFFF90]  }
0x3b: {  	v2 =	vld [tilespmem:s5+$0xFFFFFFA0]  }
0x3c: {  	v3 =	vld [tilespmem:s5+$0xFFFFFFB0]  }
0x3d: {  	v4 =	vld [tilespmem:s5+$0xFFFFFFC0]  }
0x3e: {  	v5 =	vld [tilespmem:s5+$0xFFFFFFD0]  }
0x3f: {  	v6 =	vld [tilespmem:s5+$0xFFFFFFE0]  }
0x40: {  	v7 =	vld [tilespmem:s5+$0xFFFFFFF0]  }
0x41: {  	v8 =	vld [tilespmem:s5+$0x0]  }
0x42: {  	v9 =	vld [tilespmem:s5+$0x10]  }
0x43: {  	v10 =	vld [tilespmem:s5+$0x20]  }
0x44: {  	v11 =	vld [tilespmem:s5+$0x30]  }
0x45: {  	v12 =	vld [tilespmem:s5+$0x40]  }
0x46: {  	v13 =	vld [tilespmem:s5+$0x50]  }
0x47: {  	v14 =	vld [tilespmem:s5+$0x60]  }
0x48: {  	v15 =	vld [tilespmem:s5+$0xFFFFFF80]  }
0x49: {  	v0 =	vld.idx.msk [tilespmem:v0+s3+$0x0], $0xffff  }
0x4a: {  	v1 =	vld.idx.msk [tilespmem:v1+s3+$0x0], $0xffff  }
0x4b: {  	v2 =	vld.idx.msk [tilespmem:v2+s3+$0x0], $0xffff  }
0x4c: {  	v3 =	vld.idx.msk [tilespmem:v3+s3+$0x0], $0xffff  }
0x4d: {  	v4 =	vld.idx.msk [tilespmem:v4+s3+$0x0], $0xffff  }
0x4e: {  	s16 =	simm.s32 $0x19880;
	v5 =	vld.idx.msk [tilespmem:v5+s3+$0x0], $0xffff  }
0x4f: {  	v6 =	vld.idx.msk [tilespmem:v6+s3+$0x0], $0xffff;
	[tilespmem:s16+$0x70] =	vst v0  }
0x50: {  	v7 =	vld.idx.msk [tilespmem:v7+s3+$0x0], $0xffff;
	[tilespmem:s16+$0xFFFFFF90] =	vst v1  }
0x51: {  	v15 =	vld.idx.msk [tilespmem:v15+s3+$0x0], $0xffff;
	[tilespmem:s16+$0xFFFFFFA0] =	vst v2  }
0x52: {  	v8 =	vld.idx.msk [tilespmem:v8+s3+$0x0], $0xffff;
	[tilespmem:s16+$0xFFFFFFB0] =	vst v3  }
0x53: {  	[tilespmem:s16+$0xFFFFFFC0] =	vst v4;
	v0 =	vld.idx.msk [tilespmem:v9+s3+$0x0], $0xffff  }
0x54: {  	[tilespmem:s16+$0xFFFFFFD0] =	vst v5;
	v1 =	vld.idx.msk [tilespmem:v10+s3+$0x0], $0xffff  }
0x55: {  	[tilespmem:s16+$0xFFFFFFE0] =	vst v6;
	v2 =	vld.idx.msk [tilespmem:v11+s3+$0x0], $0xffff  }
0x56: {  	[tilespmem:s16+$0xFFFFFFF0] =	vst v7;
	v3 =	vld.idx.msk [tilespmem:v12+s3+$0x0], $0xffff  }
0x57: {  	[tilespmem:s16+$0xFFFFFF80] =	vst v15;
	v4 =	vld.idx.msk [tilespmem:v13+s3+$0x0], $0xffff  }
0x58: {  	s6 =	simm.s32 $0x18980;
	s5 =	simm.s32 $0x0;
	[tilespmem:s16+$0x0] =	vst v8;
	v5 =	vld.idx.msk [tilespmem:v14+s3+$0x0], $0xffff  }
.LBB2_3:
0x59: {  	v6 =	vld [tilespmem:s6+$0x70];
	s5 =	sadd.s32 $0x100, s5;
	[tilespmem:s16+$0x10] =	vst v0  }
0x5a: {  	v0 =	vld [tilespmem:s6+$0xFFFFFF90];
	p0 =	slt.u32 s5, $0x300;
	[tilespmem:s16+$0x20] =	vst v1  }
0x5b: {  	v1 =	vld [tilespmem:s6+$0xFFFFFFA0];
	[tilespmem:s16+$0x30] =	vst v2  }
0x5c: {  	v2 =	vld [tilespmem:s6+$0xFFFFFFB0];
	[tilespmem:s16+$0x40] =	vst v3  }
0x5d: {  	v3 =	vld [tilespmem:s6+$0xFFFFFFC0];
	[tilespmem:s16+$0x50] =	vst v4  }
0x5e: {  	v4 =	vld [tilespmem:s6+$0xFFFFFFD0];
	[tilespmem:s16+$0x60] =	vst v5  }
0x5f: {  	v5 =	vld [tilespmem:s6+$0xFFFFFFE0]  }
0x60: {  	v7 =	vld [tilespmem:s6+$0xFFFFFFF0]  }
0x61: {  	v6 =	vld.idx.msk [tilespmem:v6+s3+$0x0], $0xffff  }
0x62: {  	v8 =	vld [tilespmem:s6+$0x0]  }
0x63: {  	v9 =	vld [tilespmem:s6+$0x10]  }
0x64: {  	v10 =	vld [tilespmem:s6+$0x20]  }
0x65: {  	v11 =	vld [tilespmem:s6+$0x30]  }
0x66: {  	s16 =	sadd.s32 $0x100, s16;
	v12 =	vld [tilespmem:s6+$0x40]  }
0x67: {  	v13 =	vld [tilespmem:s6+$0x50];
	[tilespmem:s16+$0x70] =	vst v6  }
0x68: {  	v6 =	vld [tilespmem:s6+$0x60]  }
0x69: {  	v14 =	vld [tilespmem:s6+$0xFFFFFF80]  }
0x6a: {  	v0 =	vld.idx.msk [tilespmem:v0+s3+$0x0], $0xffff  }
0x6b: {  	v1 =	vld.idx.msk [tilespmem:v1+s3+$0x0], $0xffff  }
0x6c: {  	v2 =	vld.idx.msk [tilespmem:v2+s3+$0x0], $0xffff  }
0x6d: {  	v3 =	vld.idx.msk [tilespmem:v3+s3+$0x0], $0xffff  }
0x6e: {  	v4 =	vld.idx.msk [tilespmem:v4+s3+$0x0], $0xffff  }
0x6f: {  	v5 =	vld.idx.msk [tilespmem:v5+s3+$0x0], $0xffff  }
0x70: {  	[tilespmem:s16+$0xFFFFFF90] =	vst v0;
	v7 =	vld.idx.msk [tilespmem:v7+s3+$0x0], $0xffff  }
0x71: {  	v14 =	vld.idx.msk [tilespmem:v14+s3+$0x0], $0xffff;
	[tilespmem:s16+$0xFFFFFFA0] =	vst v1  }
0x72: {  	[tilespmem:s16+$0xFFFFFFB0] =	vst v2;
	v8 =	vld.idx.msk [tilespmem:v8+s3+$0x0], $0xffff  }
0x73: {  	[tilespmem:s16+$0xFFFFFFC0] =	vst v3;
	v0 =	vld.idx.msk [tilespmem:v9+s3+$0x0], $0xffff  }
.Ltmp2:
0x74: {  	[tilespmem:s16+$0xFFFFFFD0] =	vst v4;
	v1 =	vld.idx.msk [tilespmem:v10+s3+$0x0], $0xffff;
	(pc) =	sbr.rel @p0 .LBB2_3-.Ltmp2, $4  }
0x75: {  	[tilespmem:s16+$0xFFFFFFE0] =	vst v5;
	v2 =	vld.idx.msk [tilespmem:v11+s3+$0x0], $0xffff  }
0x76: {  	[tilespmem:s16+$0xFFFFFFF0] =	vst v7;
	v3 =	vld.idx.msk [tilespmem:v12+s3+$0x0], $0xffff  }
0x77: {  	[tilespmem:s16+$0xFFFFFF80] =	vst v14;
	v4 =	vld.idx.msk [tilespmem:v13+s3+$0x0], $0xffff  }
0x78: {  	s6 =	sadd.s32 $0x100, s6;
	[tilespmem:s16+$0x0] =	vst v8;
	v5 =	vld.idx.msk [tilespmem:v6+s3+$0x0], $0xffff  }
0x79: {  	[tilespmem:s16+$0x10] =	vst v0  }
0x7a: {  	[tilespmem:s16+$0x20] =	vst v1  }
0x7b: {  	[tilespmem:s16+$0x30] =	vst v2  }
0x7c: {  	[tilespmem:s16+$0x40] =	vst v3  }
0x7d: {  	[tilespmem:s16+$0x50] =	vst v4  }
0x7e: {  	s5 =	simm.s32 $0x18C00;
	s6 =	simm.s32 $0x19800;
	[tilespmem:s16+$0x60] =	vst v5  }
0x7f: {  	[spmem:s2] =	stream.indirect.scatter.add.f32 [tilespmem:s6], [sflag:$0x3], $0x1, s5, s20, $0xb8;
	[tilespmem:$0x1B880] =	vst v63  }
0x80: {  	s16 =	simm.s32 $0x19880;
	s6 =	simm.s32 $0x18C80  }
0x81: {  	[spmem:s2] =	stream.indirect.scatter.add.f32 [tilespmem:s16], [sflag:$0x3], $0x1, s6, s20, $0xb8;
	[tilespmem:$0x1B880] =	vst v63  }
0x82: {  	s6 =	simm.s32 $0x18D00;
	s16 =	simm.s32 $0x19900  }
0x83: {  	[spmem:s2] =	stream.indirect.scatter.add.f32 [tilespmem:s16], [sflag:$0x3], $0x1, s6, s20, $0xb8;
	[tilespmem:$0x1B880] =	vst v63  }
0x84: {  	s6 =	simm.s32 $0x18D80;
	s16 =	simm.s32 $0x19980  }
0x85: {  	[spmem:s2] =	stream.indirect.scatter.add.f32 [tilespmem:s16], [sflag:$0x3], $0x1, s6, s20, $0xb8;
	[tilespmem:$0x1B880] =	vst v63  }
0x86: {  	s6 =	simm.s32 $0x18E00;
	s16 =	simm.s32 $0x19A00  }
0x87: {  	[spmem:s2] =	stream.indirect.scatter.add.f32 [tilespmem:s16], [sflag:$0x3], $0x1, s6, s20, $0xb8;
	[tilespmem:$0x1B880] =	vst v63  }
0x88: {  	p0 =	seq.s32 s1, $0x18;
	s6 =	simm.s32 $0x18E80;
	s16 =	simm.s32 $0x19A80  }
0x89: {  	[spmem:s2] =	stream.indirect.scatter.add.f32 [tilespmem:s16], [sflag:$0x3], $0x1, s6, s20, $0xb8;
	[tilespmem:$0x1B880] =	vst v63  }
0x8a: {  	s5 =	sshll.u32 @!p0 s1, $0xC;
	s6 =	simm.s32 $0x18F00;
	s16 =	simm.s32 $0x19B00  }
0x8b: {  	[spmem:s2] =	stream.indirect.scatter.add.f32 [tilespmem:s16], [sflag:$0x3], $0x1, s6, s20, $0xb8;
	[tilespmem:$0x1B880] =	vst v63  }
0x8c: {  	s5 =	sadd.s32 @!p0 s5, s10;
	s6 =	simm.s32 $0x18F80  }
0x8d: {  	[spmem:s2] =	stream.indirect.scatter.add.f32 [tilespmem:s9], [sflag:$0x3], $0x1, s6, s20, $0xb8;
	[tilespmem:$0x1B880] =	vst v63  }
0x8e: {  	s5 =	sshrl.u32 @!p0 s5, $0x3;
	_ =	swait.ge [sflag:s12], $0x400  }
0x8f: {  	s5 =	sadd.s32 @!p0 s4, s5;
	[sflag:s12] =	ssyncset.done $0x0  }
0x90: {  	s16 =	simm.s32 @!p0 $0x18800;
	s6 =	simm.s32 @!p0 $0x0;
	[sflag:s12] =	ssyncadd.s32 $0xFFFFFC00  }
0x91: {  	[tilespmem:s16], [sflag:$0x1] =	stream.linear.gather @!p0 [hbm4b:s5+s6], $0x800, $0x38;
	[tilespmem:$0x1B880] =	vst v63  }
0x92: {  	_ =	swait.ge [sflag:s13], $0x800  }
0x93: {  	[sflag:s13] =	ssyncset.done $0x0  }
0x94: {  	s16 =	simm.s32 $0x19080;
	[sflag:s13] =	ssyncadd.s32 $0xFFFFF800  }
0x95: {  	v0 =	vld [tilespmem:s16+$0x70]  }
0x96: {  	v1 =	vld [tilespmem:s16+$0xFFFFFF90]  }
0x97: {  	v2 =	vld [tilespmem:s16+$0xFFFFFFA0]  }
0x98: {  	v3 =	vld [tilespmem:s16+$0xFFFFFFB0]  }
0x99: {  	v4 =	vld [tilespmem:s16+$0xFFFFFFC0]  }
0x9a: {  	v5 =	vld [tilespmem:s16+$0xFFFFFFD0]  }
0x9b: {  	v6 =	vld [tilespmem:s16+$0xFFFFFFE0]  }
0x9c: {  	v7 =	vld [tilespmem:s16+$0xFFFFFFF0]  }
0x9d: {  	v8 =	vld [tilespmem:s16+$0x0]  }
0x9e: {  	v9 =	vld [tilespmem:s16+$0x10]  }
0x9f: {  	v10 =	vld [tilespmem:s16+$0x20]  }
0xa0: {  	v11 =	vld [tilespmem:s16+$0x30]  }
0xa1: {  	v12 =	vld [tilespmem:s16+$0x40]  }
0xa2: {  	v13 =	vld [tilespmem:s16+$0x50]  }
0xa3: {  	v14 =	vld [tilespmem:s16+$0x60]  }
0xa4: {  	v15 =	vld [tilespmem:s16+$0xFFFFFF80]  }
0xa5: {  	v0 =	vld.idx.msk [tilespmem:v0+s3+$0x0], $0xffff  }
0xa6: {  	v1 =	vld.idx.msk [tilespmem:v1+s3+$0x0], $0xffff  }
0xa7: {  	v2 =	vld.idx.msk [tilespmem:v2+s3+$0x0], $0xffff  }
0xa8: {  	v3 =	vld.idx.msk [tilespmem:v3+s3+$0x0], $0xffff  }
0xa9: {  	v4 =	vld.idx.msk [tilespmem:v4+s3+$0x0], $0xffff  }
0xaa: {  	s16 =	simm.s32 $0x19C80;
	v5 =	vld.idx.msk [tilespmem:v5+s3+$0x0], $0xffff  }
0xab: {  	v6 =	vld.idx.msk [tilespmem:v6+s3+$0x0], $0xffff;
	[tilespmem:s16+$0x70] =	vst v0  }
0xac: {  	v7 =	vld.idx.msk [tilespmem:v7+s3+$0x0], $0xffff;
	[tilespmem:s16+$0xFFFFFF90] =	vst v1  }
0xad: {  	v15 =	vld.idx.msk [tilespmem:v15+s3+$0x0], $0xffff;
	[tilespmem:s16+$0xFFFFFFA0] =	vst v2  }
0xae: {  	v8 =	vld.idx.msk [tilespmem:v8+s3+$0x0], $0xffff;
	[tilespmem:s16+$0xFFFFFFB0] =	vst v3  }
0xaf: {  	[tilespmem:s16+$0xFFFFFFC0] =	vst v4;
	v0 =	vld.idx.msk [tilespmem:v9+s3+$0x0], $0xffff  }
0xb0: {  	[tilespmem:s16+$0xFFFFFFD0] =	vst v5;
	v1 =	vld.idx.msk [tilespmem:v10+s3+$0x0], $0xffff  }
0xb1: {  	[tilespmem:s16+$0xFFFFFFE0] =	vst v6;
	v2 =	vld.idx.msk [tilespmem:v11+s3+$0x0], $0xffff  }
0xb2: {  	[tilespmem:s16+$0xFFFFFFF0] =	vst v7;
	v3 =	vld.idx.msk [tilespmem:v12+s3+$0x0], $0xffff  }
0xb3: {  	[tilespmem:s16+$0xFFFFFF80] =	vst v15;
	v4 =	vld.idx.msk [tilespmem:v13+s3+$0x0], $0xffff  }
0xb4: {  	s5 =	simm.s32 $0x0;
	s6 =	simm.s32 $0x19180;
	[tilespmem:s16+$0x0] =	vst v8;
	v5 =	vld.idx.msk [tilespmem:v14+s3+$0x0], $0xffff  }
.LBB2_5:
0xb5: {  	v6 =	vld [tilespmem:s6+$0x70];
	s5 =	sadd.s32 $0x100, s5;
	[tilespmem:s16+$0x10] =	vst v0  }
0xb6: {  	v0 =	vld [tilespmem:s6+$0xFFFFFF90];
	p1 =	slt.u32 s5, $0x300;
	[tilespmem:s16+$0x20] =	vst v1  }
0xb7: {  	v1 =	vld [tilespmem:s6+$0xFFFFFFA0];
	[tilespmem:s16+$0x30] =	vst v2  }
0xb8: {  	v2 =	vld [tilespmem:s6+$0xFFFFFFB0];
	[tilespmem:s16+$0x40] =	vst v3  }
0xb9: {  	v3 =	vld [tilespmem:s6+$0xFFFFFFC0];
	[tilespmem:s16+$0x50] =	vst v4  }
0xba: {  	v4 =	vld [tilespmem:s6+$0xFFFFFFD0];
	[tilespmem:s16+$0x60] =	vst v5  }
0xbb: {  	v5 =	vld [tilespmem:s6+$0xFFFFFFE0]  }
0xbc: {  	v7 =	vld [tilespmem:s6+$0xFFFFFFF0]  }
0xbd: {  	v6 =	vld.idx.msk [tilespmem:v6+s3+$0x0], $0xffff  }
0xbe: {  	v8 =	vld [tilespmem:s6+$0x0]  }
0xbf: {  	v9 =	vld [tilespmem:s6+$0x10]  }
0xc0: {  	v10 =	vld [tilespmem:s6+$0x20]  }
0xc1: {  	v11 =	vld [tilespmem:s6+$0x30]  }
0xc2: {  	s16 =	sadd.s32 $0x100, s16;
	v12 =	vld [tilespmem:s6+$0x40]  }
0xc3: {  	v13 =	vld [tilespmem:s6+$0x50];
	[tilespmem:s16+$0x70] =	vst v6  }
0xc4: {  	v6 =	vld [tilespmem:s6+$0x60]  }
0xc5: {  	v14 =	vld [tilespmem:s6+$0xFFFFFF80]  }
0xc6: {  	v0 =	vld.idx.msk [tilespmem:v0+s3+$0x0], $0xffff  }
0xc7: {  	v1 =	vld.idx.msk [tilespmem:v1+s3+$0x0], $0xffff  }
0xc8: {  	v2 =	vld.idx.msk [tilespmem:v2+s3+$0x0], $0xffff  }
0xc9: {  	v3 =	vld.idx.msk [tilespmem:v3+s3+$0x0], $0xffff  }
0xca: {  	v4 =	vld.idx.msk [tilespmem:v4+s3+$0x0], $0xffff  }
0xcb: {  	v5 =	vld.idx.msk [tilespmem:v5+s3+$0x0], $0xffff  }
0xcc: {  	[tilespmem:s16+$0xFFFFFF90] =	vst v0;
	v7 =	vld.idx.msk [tilespmem:v7+s3+$0x0], $0xffff  }
0xcd: {  	v14 =	vld.idx.msk [tilespmem:v14+s3+$0x0], $0xffff;
	[tilespmem:s16+$0xFFFFFFA0] =	vst v1  }
0xce: {  	[tilespmem:s16+$0xFFFFFFB0] =	vst v2;
	v8 =	vld.idx.msk [tilespmem:v8+s3+$0x0], $0xffff  }
0xcf: {  	[tilespmem:s16+$0xFFFFFFC0] =	vst v3;
	v0 =	vld.idx.msk [tilespmem:v9+s3+$0x0], $0xffff  }
.Ltmp3:
0xd0: {  	[tilespmem:s16+$0xFFFFFFD0] =	vst v4;
	v1 =	vld.idx.msk [tilespmem:v10+s3+$0x0], $0xffff;
	(pc) =	sbr.rel @p1 .LBB2_5-.Ltmp3, $4  }
0xd1: {  	[tilespmem:s16+$0xFFFFFFE0] =	vst v5;
	v2 =	vld.idx.msk [tilespmem:v11+s3+$0x0], $0xffff  }
0xd2: {  	[tilespmem:s16+$0xFFFFFFF0] =	vst v7;
	v3 =	vld.idx.msk [tilespmem:v12+s3+$0x0], $0xffff  }
0xd3: {  	[tilespmem:s16+$0xFFFFFF80] =	vst v14;
	v4 =	vld.idx.msk [tilespmem:v13+s3+$0x0], $0xffff  }
0xd4: {  	s6 =	sadd.s32 $0x100, s6;
	[tilespmem:s16+$0x0] =	vst v8;
	v5 =	vld.idx.msk [tilespmem:v6+s3+$0x0], $0xffff  }
0xd5: {  	[tilespmem:s16+$0x10] =	vst v0  }
0xd6: {  	[tilespmem:s16+$0x20] =	vst v1  }
0xd7: {  	[tilespmem:s16+$0x30] =	vst v2  }
0xd8: {  	[tilespmem:s16+$0x40] =	vst v3  }
0xd9: {  	[tilespmem:s16+$0x50] =	vst v4  }
0xda: {  	[tilespmem:s16+$0x60] =	vst v5  }
0xdb: {  	[spmem:s2] =	stream.indirect.scatter.add.f32 [tilespmem:s18], [sflag:$0x4], $0x1, s7, s20, $0xb8;
	[tilespmem:$0x1B880] =	vst v63  }
0xdc: {  	_ = 	snop  }
0xdd: {  	[spmem:s2] =	stream.indirect.scatter.add.f32 [tilespmem:s14], [sflag:$0x4], $0x1, s8, s20, $0xb8;
	[tilespmem:$0x1B880] =	vst v63  }
0xde: {  	_ = 	snop  }
0xdf: {  	[spmem:s2] =	stream.indirect.scatter.add.f32 [tilespmem:s17], [sflag:$0x4], $0x1, s15, s20, $0xb8;
	[tilespmem:$0x1B880] =	vst v63  }
0xe0: {  	_ = 	snop  }
0xe1: {  	[spmem:s2] =	stream.indirect.scatter.add.f32 [tilespmem:s22], [sflag:$0x4], $0x1, s21, s20, $0xb8;
	[tilespmem:$0x1B880] =	vst v63  }
0xe2: {  	_ = 	snop  }
0xe3: {  	[spmem:s2] =	stream.indirect.scatter.add.f32 [tilespmem:s24], [sflag:$0x4], $0x1, s23, s20, $0xb8;
	[tilespmem:$0x1B880] =	vst v63  }
0xe4: {  	_ = 	snop  }
0xe5: {  	[spmem:s2] =	stream.indirect.scatter.add.f32 [tilespmem:s26], [sflag:$0x4], $0x1, s25, s20, $0xb8;
	[tilespmem:$0x1B880] =	vst v63  }
0xe6: {  	_ = 	snop  }
0xe7: {  	[spmem:s2] =	stream.indirect.scatter.add.f32 [tilespmem:s29], [sflag:$0x4], $0x1, s28, s20, $0xb8;
	[tilespmem:$0x1B880] =	vst v63  }
.Ltmp4:
0xe8: {  	_ = 	snop;
	(pc) =	sbr.rel @p0 .LBB2_8-.Ltmp4, $4  }
0xe9: {  	[spmem:s2] =	stream.indirect.scatter.add.f32 [tilespmem:s31], [sflag:$0x4], $0x1, s30, s20, $0xb8;
	[tilespmem:$0x1B880] =	vst v63  }
0xea: {  	_ =	swait.ge [sflag:s0], $0x400  }
0xeb: {  	[sflag:s0] =	ssyncset.done $0x0  }
0xec: {  	[sflag:s0] =	ssyncadd.s32 $0xFFFFFC00  }
.Ltmp5:
0xed: {  	s5 =	sshll.u32 s1, $0xC;
	(pc) =	sbr.rel .LBB2_2-.Ltmp5, $4  }
0xee: {  	s5 =	sadd.s32 s5, s11  }
0xef: {  	s5 =	sshrl.u32 s5, $0x3  }
0xf0: {  	s6 =	simm.s32 $0x19000;
	s1 =	sadd.s32 $0x1, s1;
	s5 =	sadd.s32 s4, s5  }
0xf1: {  	[tilespmem:s6], [sflag:$0x2] =	stream.linear.gather [hbm4b:s5+s3], $0x800, $0x38;
	[tilespmem:$0x1B880] =	vst v63  }
.LBB2_9:
0xf2: {  	_ =	sfence.sel $0x180000  }
0xf3: {  	[bflag:$0x0] =	sbarrier.arrive $0xFFFF  }
0xf4: {  	_ =	strace $0x9000004D  }
0xf5: {  	s0 =	stileid.u32;
	[bflag:$0x2] =	sbarrier.arrive $0xFFFF  }
0xf6: {  	p0 =	sne.s32 s0, $0x0;
	s0 =	rddreg [dreg:$0x3]  }
0xf7: {  	s0 =	sadd.s32 @!p0 $0x100000, s0  }
0xf8: {  	[sflag:s0] =	ssyncadd.tile.s32 @!p0 $0x1;
	_ =	shalt  }
.Lfunc_end2:
_tile_overlayer_lowered:
.L_overlay_start_2:
0xf9: {  	(tag) =	ssettag $0x2  }
0xfa: {  	s0 =	rddreg [dreg:$0x0];
	s2 =	stileid.u32  }
0xfb: {  	s1 =	rddreg [dreg:$0x1];
	p0 =	sne.s32 s2, $0x0  }
0xfc: {  	s3 =	rddreg [dreg:$0x2];
	[bflag:$0x3] =	sbarrier.arrive $0xFFFF;
	s2 =	simm.s32 @!p0 $0x1C06  }
0xfd: {  	[timem:s3], [sflag:s2] =	dma.local @!p0 [hbm:s0], s1  }
0xfe: {  	s0 =	simm.s32 @!p0 $0x6  }
0xff: {  	_ =	swait.ge @!p0 [sflag:s0], s1  }
0x100: {  	s1 =	ssub.s32 @!p0 $0x0, s1;
	[sflag:s0] =	ssyncset.done @!p0 $0x0  }
0x101: {  	[sflag:s0] =	ssyncadd.s32 @!p0 s1  }
0x102: {  	[bflag:$0x3] =	sbarrier.arrive $0xFFFF  }
0x103: {  	_ =	shalt  }

// kernel: kernel.8.cloned.1.call-start
scs
__scs_entry_jumppad:
0x0: {  	(pc) =	sbr.rel $0x88, $3  }
0x1: {  	(tag) =	ssettag $0x0;
	lr =	simm.s32 $0x1  }
0x2: {  	[smem:$0x3F97] =	sst lr;
	_ =	strace $0xD0000000  }
0x3: {  	_ = 	snop  }
0x4: {  	_ = 	snop  }
0x5: {  	_ = 	snop  }
0x6: {  	_ = 	snop  }
0x7: {  	_ = 	snop  }
__scs_overlays_trampoline_lowered:
0x8: {  	[smem:$0x3FA6] =	sst s0  }
0x9: {  	[smem:$0x3FA7] =	sst s1  }
0xa: {  	[smem:$0x3FA8] =	sst s2  }
0xb: {  	[smem:$0x3FA9] =	sst s3  }
0xc: {  	[smem:$0x3FAA] =	sst s4  }
0xd: {  	[smem:$0x3FAB] =	sst s5  }
0xe: {  	[smem:$0x3FAC] =	sst s6  }
0xf: {  	[smem:$0x3FAD] =	sst s7  }
0x10: {  	[smem:$0x3FAE] =	sst s8  }
0x11: {  	[smem:$0x3FAF] =	sst s9;
	s0 =	simm.s32 @!p0 $0x0  }
0x12: {  	s1 =	sld [smem:$0x3F95];
	s0 =	simm.s32 @p0 $0x1  }
0x13: {  	[smem:$0x3FB0] =	sst s0;
	s0 =	simm.s32 @!p1 $0x0  }
0x14: {  	s2 =	sld [smem:$0x3F94];
	s0 =	simm.s32 @p1 $0x1  }
0x15: {  	[smem:$0x3FB1] =	sst s0;
	s0 =	simm.s32 @!p2 $0x0  }
0x16: {  	s3 =	sld [smem:$0x3FDB];
	s0 =	simm.s32 @p2 $0x1  }
0x17: {  	s4 =	simm.s32 $0x1BF5;
	[smem:$0x3FB3] =	sst s0  }
0x18: {  	s0 =	sld [smem:$0x3F96];
	_ =	swait.ge [sflag:s4], $0x0  }
0x19: {  	s7 =	sld [smem:$0x3F97]  }
0x1a: {  	s8 =	sadd.s32 $0xFFFFE003, lr  }
0x1b: {  	s9 =	sadd.s32 $0xFFFFFEF7, lr;
	s5 =	simm.s32 $0xFFFFFFFF;
	p2 =	slt.u32 s8, $0xFFFFF086  }
0x1c: {  	p1 =	slt.u32 s9, $0xF7A;
	s5 =	simm.s32 @!p2 $0x0  }
0x1d: {  	s5 =	simm.s32 @p1 $0x1;
	p0 =	seq.s32 s7, s2  }
0x1e: {  	s7 =	smul.u32 @!p0 $0xF7A, s2;
	p2 =	seq.s32 @!p0 s5, $0x0  }
0x1f: {  	s9 =	smul.u32 $0xF7A, s1;
	s8 =	simm.s32 @!p0 $0x1BF5;
	p2 =	por !p2, p0  }
0x20: {  	[sflag:s8] =	ssyncset.s32 @!p0 $0xFFFFF086;
	s6 =	sadd.s32 @!p0 s3, s7;
	s7 =	simm.s32 @!p0 $0x108  }
0x21: {  	s3 =	sadd.s32 s3, s9;
	s6 =	sadd.s32 @!p0 $0x88, s6;
	s7 =	simm.s32 @p2 $0x1082  }
0x22: {  	[simem:s7], [sflag:s8] =	dma.local @!p0 [hbm:s6], $0xF7A  }
0x23: {  	s9 =	sor.u32 $0xD0000000, s2;
	s6 =	simm.s32 $0x108;
	_ =	swait.ge @!p0 [sflag:s8], $0x0  }
0x24: {  	s3 =	sadd.s32 $0x88, s3;
	s6 =	simm.s32 @!p1 $0x1082;
	[sflag:s4] =	ssyncset.s32 $0xFFFFF086  }
0x25: {  	[simem:s6], [sflag:s4] =	dma.local [hbm:s3], $0xF7A  }
0x26: {  	[smem:$0x3F97] =	sst s1;
	(tag) =	ssettag s2;
	_ =	strace s9  }
0x27: {  	s1 =	sld [smem:$0x3FA7]  }
0x28: {  	s2 =	sld [smem:$0x3FA8]  }
0x29: {  	s4 =	sld [smem:$0x3FAA]  }
0x2a: {  	p0 =	seq.s32 s5, $0x0;
	s5 =	sld [smem:$0x3FAB]  }
0x2b: {  	s6 =	sld [smem:$0x3FAC]  }
0x2c: {  	s7 =	sld [smem:$0x3FAD]  }
0x2d: {  	s3 =	simm.s32 $0x108;
	s8 =	sld [smem:$0x3FAE]  }
0x2e: {  	s3 =	simm.s32 @!p0 $0x1082;
	s9 =	sld [smem:$0x3FAF]  }
0x2f: {  	lr =	sadd.s32 s0, s3;
	s0 =	sld [smem:$0x3FA6]  }
0x30: {  	s3 =	sld [smem:$0x3FA9]  }
0x31: {  	[smem:$0x3FB2] =	sst s10  }
0x32: {  	s10 =	sld [smem:$0x3FB0];
	_ =	sdelay $0x3  }
0x33: {  	p0 =	seq.s32 s10, $0x1;
	s10 =	sld [smem:$0x3FB2];
	_ =	sdelay $0x3  }
0x34: {  	[smem:$0x3FB2] =	sst s10  }
0x35: {  	s10 =	sld [smem:$0x3FB1];
	_ =	sdelay $0x3  }
0x36: {  	p1 =	seq.s32 s10, $0x1;
	s10 =	sld [smem:$0x3FB2];
	_ =	sdelay $0x3  }
0x37: {  	[smem:$0x3FB2] =	sst s10  }
0x38: {  	s10 =	sld [smem:$0x3FB3]  }
0x39: {  	_ = 	snop;
	(pc) =	sbr.ind lr, $3  }
0x3a: {  	_ = 	snop  }
0x3b: {  	_ = 	snop  }
0x3c: {  	p2 =	seq.s32 s10, $0x1;
	s10 =	sld [smem:$0x3FB2]  }
0x3d: {  	_ =	shalt  }
0x3e: {  	_ =	shalt  }
0x3f: {  	_ =	shalt  }
0x40: {  	_ =	shalt  }
0x41: {  	_ =	shalt  }
0x42: {  	_ =	shalt  }
0x43: {  	_ =	shalt  }
0x44: {  	_ =	shalt  }
0x45: {  	_ =	shalt  }
0x46: {  	_ =	shalt  }
0x47: {  	_ =	shalt  }
0x48: {  	_ =	shalt  }
0x49: {  	_ =	shalt  }
0x4a: {  	_ =	shalt  }
0x4b: {  	_ =	shalt  }
0x4c: {  	_ =	shalt  }
0x4d: {  	_ =	shalt  }
0x4e: {  	_ =	shalt  }
0x4f: {  	_ =	shalt  }
0x50: {  	_ =	shalt  }
0x51: {  	_ =	shalt  }
0x52: {  	_ =	shalt  }
0x53: {  	_ =	shalt  }
0x54: {  	_ =	shalt  }
0x55: {  	_ =	shalt  }
0x56: {  	_ =	shalt  }
0x57: {  	_ =	shalt  }
0x58: {  	_ =	shalt  }
0x59: {  	_ =	shalt  }
0x5a: {  	_ =	shalt  }
0x5b: {  	_ =	shalt  }
0x5c: {  	_ =	shalt  }
0x5d: {  	_ =	shalt  }
0x5e: {  	_ =	shalt  }
0x5f: {  	_ =	shalt  }
0x60: {  	_ =	shalt  }
0x61: {  	_ =	shalt  }
0x62: {  	_ =	shalt  }
0x63: {  	_ =	shalt  }
0x64: {  	_ =	shalt  }
0x65: {  	_ =	shalt  }
0x66: {  	_ =	shalt  }
0x67: {  	_ =	shalt  }
0x68: {  	_ =	shalt  }
0x69: {  	_ =	shalt  }
0x6a: {  	_ =	shalt  }
0x6b: {  	_ =	shalt  }
0x6c: {  	_ =	shalt  }
0x6d: {  	_ =	shalt  }
0x6e: {  	_ =	shalt  }
0x6f: {  	_ =	shalt  }
0x70: {  	_ =	shalt  }
0x71: {  	_ =	shalt  }
0x72: {  	_ =	shalt  }
0x73: {  	_ =	shalt  }
0x74: {  	_ =	shalt  }
0x75: {  	_ =	shalt  }
0x76: {  	_ =	shalt  }
0x77: {  	_ =	shalt  }
0x78: {  	_ =	shalt  }
0x79: {  	_ =	shalt  }
0x7a: {  	_ =	shalt  }
0x7b: {  	_ =	shalt  }
0x7c: {  	_ =	shalt  }
0x7d: {  	_ =	shalt  }
0x7e: {  	_ =	shalt  }
0x7f: {  	_ =	shalt  }
0x80: {  	_ =	shalt  }
0x81: {  	_ =	shalt  }
0x82: {  	_ =	shalt  }
0x83: {  	_ =	shalt  }
0x84: {  	_ =	shalt  }
0x85: {  	_ =	shalt  }
0x86: {  	_ =	shalt  }
0x87: {  	_ =	shalt  }
.Lfunc_end0:
.L_simem_size_0:
called_computation_lowered:
.L_overlay_start_0:
0x88: {  	s2 =	sld [smem:$0x3FD9]  }
0x89: {  	s3 =	sld [smem:$0x3FFE];
	_ =	sdelay $0x1  }
0x8a: {  	s1 =	srdreg.scid  }
0x8b: {  	s0 =	sand.u32 $0x1, s1  }
0x8c: {  	s17 =	sshll.u32 s0, $0xA;
	s2 =	sadd.s32 s3, s2  }
0x8d: {  	s2 =	sadd.s32 s2, s17  }
0x8e: {  	[smem:$0x3FBE] =	sst s2  }
0x8f: {  	_ = 	snop  }
0x90: {  	s2 =	sld [smem:$0x3FD0];
	(tm) =	ssettm $0x1  }
0x91: {  	s18 =	sld [smem:$0x3FFB];
	_ =	sdelay $0x3  }
0x92: {  	_ =	strace s18  }
0x93: {  	s3 =	sld [smem:$0x3FFC];
	_ =	sdelay $0x3  }
0x94: {  	_ =	strace s3  }
0x95: {  	s3 =	sld [smem:$0x3FFD];
	_ =	sdelay $0x3  }
0x96: {  	_ =	strace s3  }
0x97: {  	_ =	strace $0x8FFFFFFF  }
0x98: {  	s19 =	sld [smem:$0x3FDB];
	_ =	sdelay $0x1  }
0x99: {  	s4 =	simm.s32 $_scs_section_size  }
0x9a: {  	s5 =	simm.s32 $_size__tile_overlayer_lowered;
	s6 =	simm.s32 $_tile_overlayer_lowered  }
0x9b: {  	s22 =	simm.s32 $0x1BFF;
	s21 =	sshll.u32 s6, $0x1;
	s3 =	sadd.s32 s4, s19  }
0x9c: {  	s7 =	simm.s32 $0x0;
	s20 =	sshll.u32 s5, $0x1;
	s5 =	sadd.s32 s21, s3  }
0x9d: {  	[timem:s7], [sflag:s22] =	dma.local [hbm:s5], s20  }
0x9e: {  	_ =	swait.ge [sflag:s22], s20  }
0x9f: {  	s4 =	ssub.s32 $0x0, s20;
	[sflag:s22] =	ssyncset.done $0x0  }
0xa0: {  	[sflag:s22] =	ssyncadd.s32 s4;
	_ =	sdelay $0x1  }
0xa1: {  	s23 =	simm.s32 $0x1B8B  }
0xa2: {  	_ =	swait.ge [sflag:s23], $0x1  }
0xa3: {  	[sflag:s23] =	ssyncset.done $0x0  }
0xa4: {  	s25 =	simm.s32 $0x1B8E;
	s24 =	sld [smem:$0x3FFE];
	[sflag:s23] =	ssyncadd.s32 $0xFFFFFFFF  }
0xa5: {  	s26 =	simm.s32 $execute0_lowered;
	[smem:$0x3FD2] =	sst s25  }
0xa6: {  	s5 =	sshll.u32 s26, $0x1;
	_ =	strace $0x80000046;
	[dreg:$0x1] =	wrdreg $0xFFFFFFFF  }
0xa7: {  	s28 =	simm.s32 $_size_execute0_lowered;
	s3 =	sadd.s32 s3, s5;
	[dreg:$0x0] =	wrdreg $0x0  }
0xa8: {  	s5 =	sshll.u32 s28, $0x1;
	[dreg:$0x2] =	wrdreg s3  }
0xa9: {  	[dreg:$0x3] =	wrdreg s5  }
0xaa: {  	[dreg:$0x4] =	wrdreg $0xC0  }
0xab: {  	_ =	task [dreg:s7], $0x5FFFF  }
0xac: {  	[dreg:$0x1] =	wrdreg $0xFFFFFFFF  }
0xad: {  	[dreg:$0x0] =	wrdreg $0x60  }
0xae: {  	[dreg:$0x2] =	wrdreg s24  }
0xaf: {  	[dreg:$0x3] =	wrdreg s2  }
0xb0: {  	[dreg:$0x4] =	wrdreg $0x10800  }
0xb1: {  	[dreg:$0x5] =	wrdreg $0x9  }
0xb2: {  	_ =	task.clear_ibuf [dreg:s7], $0x6FFFF;
	_ =	strace $0x90000046  }
0xb3: {  	s29 =	simm.s32 $0x9;
	_ =	strace $0x80000048  }
0xb4: {  	_ =	swait.ge [sflag:s29], $0x1  }
0xb5: {  	[sflag:s29] =	ssyncadd.s32 $0xFFFFFFFF  }
0xb6: {  	_ =	strace $0x90000048  }
0xb7: {  	_ =	sfence  }
0xb8: {  	s30 =	sld [smem:$0x0];
	_ =	sdelay $0x2  }
0xb9: {  	s31 =	sshll.u32 s1, $0xD;
	s1 =	sshrl.u32 s1, $0x2  }
0xba: {  	s3 =	sand.u32 $0x4000, s31;
	s1 =	sadd.s32 s1, s30  }
0xbb: {  	s0 =	sor.u32 s3, s0;
	s1 =	sshll.u32 s1, $0x11  }
0xbc: {  	s0 =	sor.u32 s1, s0  }
0xbd: {  	s0 =	sadd.s32 $0x8F2B, s0  }
0xbe: {  	[sflag:s0] =	ssyncadd.remote.s32 $0x1  }
0xbf: {  	_ =	sfence.sel $0xFFFF  }
0xc0: {  	[dreg:$0x0] =	wrdreg $0xFFFFFFFF;
	(pc) =	sbr.abs _section_cstart, $3  }
0xc1: {  	[dreg:$0x1] =	wrdreg $0xFFFFFFFF  }
0xc2: {  	_ =	task.clear_ibuf [dreg:s7], $0x2FFFF;
	_ =	strace $0x9FFFFFFF  }
0xc3: {  	(tm) =	ssettm $0x7FFFFFFF  }
tec
execute0_lowered:
.L_overlay_start_1:
0x0: {  	(tag) =	ssettag $0x1  }
0x1: {  	s0 =	rddreg [dreg:$0x0]  }
0x2: {  	s1 =	rddreg [dreg:$0x1]  }
0x3: {  	s3 =	srdreg.scid;
	s11 =	stileid.u32  }
0x4: {  	s2 =	rddreg [dreg:$0x2];
	s13 =	simm.s32 $0x5;
	s14 =	simm.s32 $0x800  }
0x5: {  	s15 =	simm.s32 $0x1;
	s28 =	simm.s32 $0x2;
	s29 =	simm.s32 $0xC00  }
0x6: {  	s30 =	simm.s32 $0xC80;
	s31 =	simm.s32 $0xD00;
	s4 =	smul.u32 $0x3100, s11  }
0x7: {  	s5 =	sand.u32 $0x1, s3;
	s3 =	simm.s32 $0x0;
	s16 =	smul.u32 $0x1880, s11  }
0x8: {  	s8 =	sshll.u32 s11, $0x1;
	s9 =	smul.u32 $0x32000, s11;
	s19 =	sshll.u32 s11, $0x6  }
0x9: {  	s6 =	sshll.u32 s5, $0x7;
	[smem:$0x7FF] =	sst s3;
	s7 =	ssub.s32 $0x2, s5  }
0xa: {  	s8 =	sor.u32 s5, s8;
	s5 =	smul.u32 $0x19000, s5;
	s11 =	sor.u32 $0x1C05, s19  }
0xb: {  	s19 =	simm.s32 $0x480;
	s4 =	sor.u32 s6, s4;
	_ =	strace $0x80000047  }
0xc: {  	s10 =	sshrl.u32 s7, $0x1;
	s17 =	sshrl.u32 s16, $0x3;
	s8 =	smul.u32 $0x3200, s8  }
0xd: {  	[dreg:$0x7] =	wrdreg s11;
	s6 =	sshrl.u32 s4, $0x3;
	s4 =	sadd.s32 $0x2600, s0  }
0xe: {  	s7 =	ssub.s32 s7, s10;
	s1 =	sadd.s32 s1, s17;
	s18 =	sadd.s32 s5, s9  }
0xf: {  	s17 =	simm.s32 $0x400;
	s5 =	simm.s32 $0xE80;
	s9 =	simm.s32 $0xF80  }
0x10: {  	s10 =	simm.s32 $0x4;
	s0 =	sadd.s32 s6, s0;
	s6 =	sadd.s32 s16, s2  }
0x11: {  	[dreg:$0x5] =	wrdreg s1;
	s20 =	sadd.s32 s4, s8;
	s21 =	sadd.s32 $0x1800, s18  }
0x12: {  	s24 =	smax.u32 s7, $0x1;
	s26 =	sadd.s32 $0x1000, s18;
	s16 =	simm.s32 $0x80  }
0x13: {  	s18 =	simm.s32 $0x1000;
	s1 =	simm.s32 $0xD80;
	[dreg:$0x6] =	wrdreg s20  }
0x14: {  	s8 =	simm.s32 $0xF00;
	s22 =	sadd.s32 $0x100, s20;
	[dreg:$0xa] =	wrdreg s24  }
0x15: {  	s23 =	sshrl.u32 s21, $0x3;
	s0 =	sadd.s32 $0x66600, s0;
	[dreg:$0xb] =	wrdreg s26  }
0x16: {  	s12 =	sshrl.u32 s6, $0x3;
	s20 =	simm.s32 $0x500;
	s21 =	simm.s32 $0x580  }
0x17: {  	s24 =	simm.s32 $0x700;
	s26 =	simm.s32 $0x3;
	[dreg:$0x8] =	wrdreg s22  }
0x18: {  	s6 =	simm.s32 $0x0;
	[dreg:$0x9] =	wrdreg s0;
	s25 =	sadd.s32 s23, s4  }
0x19: {  	s22 =	simm.s32 $0x600;
	s23 =	simm.s32 $0x680;
	[dreg:$0xc] =	wrdreg s12  }
0x1a: {  	v0 =	vimm.f32 $1.000000000e+00;
	s0 =	simm.s32 $0xE00;
	[dreg:$0x4] =	wrdreg s25;
	s25 =	simm.s32 $0x780  }
.LBB2_1:
0x1b: {  	[tilespmem:$0x1000] =	vst v0  }
0x1c: {  	[tilespmem:$0x1010] =	vst v0  }
0x1d: {  	[tilespmem:$0x1020] =	vst v0  }
0x1e: {  	[tilespmem:$0x1030] =	vst v0  }
0x1f: {  	[tilespmem:$0x1040] =	vst v0  }
0x20: {  	[tilespmem:$0x1050] =	vst v0  }
0x21: {  	[dreg:$0xd] =	wrdreg s6;
	[tilespmem:$0x1060] =	vst v0  }
0x22: {  	[tilespmem:$0x1070] =	vst v0;
	s7 =	rddreg [dreg:$0x5]  }
0x23: {  	[spmem:s12], [sflag:s11] =	dma.local [hbm:s7], $0x310  }
0x24: {  	_ =	swait.ge [sflag:s13], $0x310  }
0x25: {  	[sflag:s13] =	ssyncset.done $0x0  }
0x26: {  	s12 =	rddreg [dreg:$0x6];
	[sflag:s13] =	ssyncadd.s32 $0xFFFFFCF0  }
0x27: {  	[tilespmem:s3], [sflag:$0x1] =	stream.linear.gather [hbm4b:s12+s3], $0x800, $0x38;
	[tilespmem:$0x2900] =	vst v63  }
0x28: {  	s13 =	rddreg [dreg:$0x8]  }
0x29: {  	[tilespmem:s14], [sflag:$0x2] =	stream.linear.gather [hbm4b:s13+s3], $0x800, $0x38;
	[tilespmem:$0x2900] =	vst v63  }
0x2a: {  	[bflag:$0x0] =	sbarrier.arrive $0xFFFF  }
0x2b: {  	_ =	swait.ge [sflag:s15], $0x800  }
0x2c: {  	[sflag:s15] =	ssyncset.done $0x0  }
0x2d: {  	[sflag:s15] =	ssyncadd.s32 $0xFFFFF800  }
0x2e: {  	[spmem:s2] =	stream.indirect.scatter.add.f32 [tilespmem:s18], [sflag:$0x3], $0x1, s17, s16, $0xb8;
	[tilespmem:$0x2900] =	vst v63  }
0x2f: {  	_ = 	snop  }
0x30: {  	[spmem:s2] =	stream.indirect.scatter.add.f32 [tilespmem:s18], [sflag:$0x3], $0x1, s19, s16, $0xb8;
	[tilespmem:$0x2900] =	vst v63  }
0x31: {  	_ = 	snop  }
0x32: {  	[spmem:s2] =	stream.indirect.scatter.add.f32 [tilespmem:s18], [sflag:$0x3], $0x1, s20, s16, $0xb8;
	[tilespmem:$0x2900] =	vst v63  }
0x33: {  	_ = 	snop  }
0x34: {  	[spmem:s2] =	stream.indirect.scatter.add.f32 [tilespmem:s18], [sflag:$0x3], $0x1, s21, s16, $0xb8;
	[tilespmem:$0x2900] =	vst v63  }
0x35: {  	_ = 	snop  }
0x36: {  	[spmem:s2] =	stream.indirect.scatter.add.f32 [tilespmem:s18], [sflag:$0x3], $0x1, s22, s16, $0xb8;
	[tilespmem:$0x2900] =	vst v63  }
0x37: {  	_ = 	snop  }
0x38: {  	[spmem:s2] =	stream.indirect.scatter.add.f32 [tilespmem:s18], [sflag:$0x3], $0x1, s23, s16, $0xb8;
	[tilespmem:$0x2900] =	vst v63  }
0x39: {  	_ = 	snop  }
0x3a: {  	[spmem:s2] =	stream.indirect.scatter.add.f32 [tilespmem:s18], [sflag:$0x3], $0x1, s24, s16, $0xb8;
	[tilespmem:$0x2900] =	vst v63  }
0x3b: {  	_ = 	snop  }
0x3c: {  	[spmem:s2] =	stream.indirect.scatter.add.f32 [tilespmem:s18], [sflag:$0x3], $0x1, s25, s16, $0xb8;
	[tilespmem:$0x2900] =	vst v63  }
0x3d: {  	_ =	swait.ge [sflag:s26], $0x400  }
0x3e: {  	s6 =	rddreg [dreg:$0xb]  }
0x3f: {  	[sflag:s26] =	ssyncset.done $0x0;
	s11 =	sshrl.u32 s6, $0x3  }
0x40: {  	[sflag:s26] =	ssyncadd.s32 $0xFFFFFC00;
	s7 =	sadd.s32 s4, s11  }
0x41: {  	[tilespmem:s3], [sflag:$0x1] =	stream.linear.gather [hbm4b:s7+s3], $0x800, $0x38;
	[tilespmem:$0x2900] =	vst v63  }
0x42: {  	_ =	swait.ge [sflag:s28], $0x800  }
0x43: {  	[sflag:s28] =	ssyncset.done $0x0  }
0x44: {  	[sflag:s28] =	ssyncadd.s32 $0xFFFFF800  }
0x45: {  	[spmem:s2] =	stream.indirect.scatter.add.f32 [tilespmem:s18], [sflag:$0x4], $0x1, s29, s16, $0xb8;
	[tilespmem:$0x2900] =	vst v63  }
0x46: {  	_ = 	snop  }
0x47: {  	[spmem:s2] =	stream.indirect.scatter.add.f32 [tilespmem:s18], [sflag:$0x4], $0x1, s30, s16, $0xb8;
	[tilespmem:$0x2900] =	vst v63  }
0x48: {  	_ = 	snop  }
0x49: {  	[spmem:s2] =	stream.indirect.scatter.add.f32 [tilespmem:s18], [sflag:$0x4], $0x1, s31, s16, $0xb8;
	[tilespmem:$0x2900] =	vst v63  }
0x4a: {  	_ = 	snop  }
0x4b: {  	[spmem:s2] =	stream.indirect.scatter.add.f32 [tilespmem:s18], [sflag:$0x4], $0x1, s1, s16, $0xb8;
	[tilespmem:$0x2900] =	vst v63  }
0x4c: {  	_ = 	snop  }
0x4d: {  	[spmem:s2] =	stream.indirect.scatter.add.f32 [tilespmem:s18], [sflag:$0x4], $0x1, s0, s16, $0xb8;
	[tilespmem:$0x2900] =	vst v63  }
0x4e: {  	_ = 	snop  }
0x4f: {  	[spmem:s2] =	stream.indirect.scatter.add.f32 [tilespmem:s18], [sflag:$0x4], $0x1, s5, s16, $0xb8;
	[tilespmem:$0x2900] =	vst v63  }
0x50: {  	_ = 	snop  }
0x51: {  	[spmem:s2] =	stream.indirect.scatter.add.f32 [tilespmem:s18], [sflag:$0x4], $0x1, s8, s16, $0xb8;
	[tilespmem:$0x2900] =	vst v63  }
0x52: {  	_ = 	snop  }
0x53: {  	[spmem:s2] =	stream.indirect.scatter.add.f32 [tilespmem:s18], [sflag:$0x4], $0x1, s9, s16, $0xb8;
	[tilespmem:$0x2900] =	vst v63  }
0x54: {  	_ =	swait.ge [sflag:s10], $0x400  }
0x55: {  	s11 =	sadd.s32 $0x1000, s6;
	s12 =	rddreg [dreg:$0x4];
	[sflag:s10] =	ssyncset.done $0x0  }
0x56: {  	s7 =	simm.s32 $0x200;
	[sflag:s10] =	ssyncadd.s32 $0xFFFFFC00;
	s12 =	sadd.s32 $0x0, s12  }
.LBB2_2:
0x57: {  	[tilespmem:s14], [sflag:$0x2] =	stream.linear.gather [hbm4b:s12+s3], $0x800, $0x38;
	[tilespmem:$0x2900] =	vst v63  }
0x58: {  	_ =	swait.ge [sflag:s15], $0x800  }
0x59: {  	[sflag:s15] =	ssyncset.done $0x0  }
0x5a: {  	[sflag:s15] =	ssyncadd.s32 $0xFFFFF800  }
0x5b: {  	[spmem:s2] =	stream.indirect.scatter.add.f32 [tilespmem:s18], [sflag:$0x3], $0x1, s17, s16, $0xb8;
	[tilespmem:$0x2900] =	vst v63  }
0x5c: {  	_ = 	snop  }
0x5d: {  	[spmem:s2] =	stream.indirect.scatter.add.f32 [tilespmem:s18], [sflag:$0x3], $0x1, s19, s16, $0xb8;
	[tilespmem:$0x2900] =	vst v63  }
0x5e: {  	_ = 	snop  }
0x5f: {  	[spmem:s2] =	stream.indirect.scatter.add.f32 [tilespmem:s18], [sflag:$0x3], $0x1, s20, s16, $0xb8;
	[tilespmem:$0x2900] =	vst v63  }
0x60: {  	_ = 	snop  }
0x61: {  	[spmem:s2] =	stream.indirect.scatter.add.f32 [tilespmem:s18], [sflag:$0x3], $0x1, s21, s16, $0xb8;
	[tilespmem:$0x2900] =	vst v63  }
0x62: {  	_ = 	snop  }
0x63: {  	[spmem:s2] =	stream.indirect.scatter.add.f32 [tilespmem:s18], [sflag:$0x3], $0x1, s22, s16, $0xb8;
	[tilespmem:$0x2900] =	vst v63  }
0x64: {  	_ = 	snop  }
0x65: {  	[spmem:s2] =	stream.indirect.scatter.add.f32 [tilespmem:s18], [sflag:$0x3], $0x1, s23, s16, $0xb8;
	[tilespmem:$0x2900] =	vst v63  }
0x66: {  	_ = 	snop  }
0x67: {  	[spmem:s2] =	stream.indirect.scatter.add.f32 [tilespmem:s18], [sflag:$0x3], $0x1, s24, s16, $0xb8;
	[tilespmem:$0x2900] =	vst v63  }
0x68: {  	_ = 	snop  }
0x69: {  	[spmem:s2] =	stream.indirect.scatter.add.f32 [tilespmem:s18], [sflag:$0x3], $0x1, s25, s16, $0xb8;
	[tilespmem:$0x2900] =	vst v63  }
0x6a: {  	_ =	swait.ge [sflag:s26], $0x400  }
0x6b: {  	s13 =	sshrl.u32 s11, $0x3;
	[sflag:s26] =	ssyncset.done $0x0  }
0x6c: {  	s13 =	sadd.s32 s4, s13;
	[sflag:s26] =	ssyncadd.s32 $0xFFFFFC00  }
0x6d: {  	[tilespmem:s3], [sflag:$0x1] =	stream.linear.gather [hbm4b:s13+s3], $0x800, $0x38;
	[tilespmem:$0x2900] =	vst v63  }
0x6e: {  	_ =	swait.ge [sflag:s28], $0x800  }
0x6f: {  	[sflag:s28] =	ssyncset.done $0x0  }
0x70: {  	[sflag:s28] =	ssyncadd.s32 $0xFFFFF800  }
0x71: {  	[spmem:s2] =	stream.indirect.scatter.add.f32 [tilespmem:s18], [sflag:$0x4], $0x1, s29, s16, $0xb8;
	[tilespmem:$0x2900] =	vst v63  }
0x72: {  	_ = 	snop  }
0x73: {  	[spmem:s2] =	stream.indirect.scatter.add.f32 [tilespmem:s18], [sflag:$0x4], $0x1, s30, s16, $0xb8;
	[tilespmem:$0x2900] =	vst v63  }
0x74: {  	_ = 	snop  }
0x75: {  	[spmem:s2] =	stream.indirect.scatter.add.f32 [tilespmem:s18], [sflag:$0x4], $0x1, s31, s16, $0xb8;
	[tilespmem:$0x2900] =	vst v63  }
0x76: {  	_ = 	snop  }
0x77: {  	[spmem:s2] =	stream.indirect.scatter.add.f32 [tilespmem:s18], [sflag:$0x4], $0x1, s1, s16, $0xb8;
	[tilespmem:$0x2900] =	vst v63  }
0x78: {  	_ = 	snop  }
0x79: {  	[spmem:s2] =	stream.indirect.scatter.add.f32 [tilespmem:s18], [sflag:$0x4], $0x1, s0, s16, $0xb8;
	[tilespmem:$0x2900] =	vst v63  }
0x7a: {  	_ = 	snop  }
0x7b: {  	[spmem:s2] =	stream.indirect.scatter.add.f32 [tilespmem:s18], [sflag:$0x4], $0x1, s5, s16, $0xb8;
	[tilespmem:$0x2900] =	vst v63  }
0x7c: {  	p0 =	sne.s32 s7, $0x2E00  }
0x7d: {  	[spmem:s2] =	stream.indirect.scatter.add.f32 [tilespmem:s18], [sflag:$0x4], $0x1, s8, s16, $0xb8;
	[tilespmem:$0x2900] =	vst v63  }
.Ltmp0:
0x7e: {  	_ = 	snop;
	(pc) =	sbr.rel @p0 .LBB2_2-.Ltmp0, $4  }
0x7f: {  	[spmem:s2] =	stream.indirect.scatter.add.f32 [tilespmem:s18], [sflag:$0x4], $0x1, s9, s16, $0xb8;
	[tilespmem:$0x2900] =	vst v63  }
0x80: {  	s12 =	smov.u32 s7;
	_ =	swait.ge [sflag:s10], $0x400  }
0x81: {  	s7 =	sadd.s32 $0x200, s7;
	[sflag:s10] =	ssyncset.done $0x0;
	s6 =	rddreg [dreg:$0x4]  }
0x82: {  	s11 =	sadd.s32 $0x1000, s11;
	[sflag:s10] =	ssyncadd.s32 $0xFFFFFC00;
	s12 =	sadd.s32 s12, s6  }
0x83: {  	[tilespmem:s14], [sflag:$0x2] =	stream.linear.gather [hbm4b:s12+s3], $0x800, $0x38;
	[tilespmem:$0x2900] =	vst v63  }
0x84: {  	_ =	swait.ge [sflag:s15], $0x800  }
0x85: {  	[sflag:s15] =	ssyncset.done $0x0  }
0x86: {  	[sflag:s15] =	ssyncadd.s32 $0xFFFFF800  }
0x87: {  	[spmem:s2] =	stream.indirect.scatter.add.f32 [tilespmem:s18], [sflag:$0x3], $0x1, s17, s16, $0xb8;
	[tilespmem:$0x2900] =	vst v63  }
0x88: {  	_ = 	snop  }
0x89: {  	[spmem:s2] =	stream.indirect.scatter.add.f32 [tilespmem:s18], [sflag:$0x3], $0x1, s19, s16, $0xb8;
	[tilespmem:$0x2900] =	vst v63  }
0x8a: {  	_ = 	snop  }
0x8b: {  	[spmem:s2] =	stream.indirect.scatter.add.f32 [tilespmem:s18], [sflag:$0x3], $0x1, s20, s16, $0xb8;
	[tilespmem:$0x2900] =	vst v63  }
0x8c: {  	_ = 	snop  }
0x8d: {  	[spmem:s2] =	stream.indirect.scatter.add.f32 [tilespmem:s18], [sflag:$0x3], $0x1, s21, s16, $0xb8;
	[tilespmem:$0x2900] =	vst v63  }
0x8e: {  	_ = 	snop  }
0x8f: {  	[spmem:s2] =	stream.indirect.scatter.add.f32 [tilespmem:s18], [sflag:$0x3], $0x1, s22, s16, $0xb8;
	[tilespmem:$0x2900] =	vst v63  }
0x90: {  	_ = 	snop  }
0x91: {  	[spmem:s2] =	stream.indirect.scatter.add.f32 [tilespmem:s18], [sflag:$0x3], $0x1, s23, s16, $0xb8;
	[tilespmem:$0x2900] =	vst v63  }
0x92: {  	_ = 	snop  }
0x93: {  	[spmem:s2] =	stream.indirect.scatter.add.f32 [tilespmem:s18], [sflag:$0x3], $0x1, s24, s16, $0xb8;
	[tilespmem:$0x2900] =	vst v63  }
0x94: {  	_ = 	snop  }
0x95: {  	[spmem:s2] =	stream.indirect.scatter.add.f32 [tilespmem:s18], [sflag:$0x3], $0x1, s25, s16, $0xb8;
	[tilespmem:$0x2900] =	vst v63  }
0x96: {  	_ =	swait.ge [sflag:s26], $0x400  }
0x97: {  	[sflag:s26] =	ssyncset.done $0x0  }
0x98: {  	[sflag:s26] =	ssyncadd.s32 $0xFFFFFC00  }
0x99: {  	_ =	swait.ge [sflag:s28], $0x800  }
0x9a: {  	[sflag:s28] =	ssyncset.done $0x0  }
0x9b: {  	[sflag:s28] =	ssyncadd.s32 $0xFFFFF800  }
0x9c: {  	[spmem:s2] =	stream.indirect.scatter.add.f32 [tilespmem:s18], [sflag:$0x4], $0x1, s29, s16, $0xb8;
	[tilespmem:$0x2900] =	vst v63  }
0x9d: {  	_ = 	snop  }
0x9e: {  	[spmem:s2] =	stream.indirect.scatter.add.f32 [tilespmem:s18], [sflag:$0x4], $0x1, s30, s16, $0xb8;
	[tilespmem:$0x2900] =	vst v63  }
0x9f: {  	_ = 	snop  }
0xa0: {  	[spmem:s2] =	stream.indirect.scatter.add.f32 [tilespmem:s18], [sflag:$0x4], $0x1, s31, s16, $0xb8;
	[tilespmem:$0x2900] =	vst v63  }
0xa1: {  	_ = 	snop  }
0xa2: {  	[spmem:s2] =	stream.indirect.scatter.add.f32 [tilespmem:s18], [sflag:$0x4], $0x1, s1, s16, $0xb8;
	[tilespmem:$0x2900] =	vst v63  }
0xa3: {  	_ = 	snop  }
0xa4: {  	[spmem:s2] =	stream.indirect.scatter.add.f32 [tilespmem:s18], [sflag:$0x4], $0x1, s0, s16, $0xb8;
	[tilespmem:$0x2900] =	vst v63  }
0xa5: {  	_ = 	snop  }
0xa6: {  	[spmem:s2] =	stream.indirect.scatter.add.f32 [tilespmem:s18], [sflag:$0x4], $0x1, s5, s16, $0xb8;
	[tilespmem:$0x2900] =	vst v63  }
0xa7: {  	_ = 	snop  }
0xa8: {  	[spmem:s2] =	stream.indirect.scatter.add.f32 [tilespmem:s18], [sflag:$0x4], $0x1, s8, s16, $0xb8;
	[tilespmem:$0x2900] =	vst v63  }
0xa9: {  	_ = 	snop  }
0xaa: {  	[spmem:s2] =	stream.indirect.scatter.add.f32 [tilespmem:s18], [sflag:$0x4], $0x1, s9, s16, $0xb8;
	[tilespmem:$0x2900] =	vst v63  }
0xab: {  	_ =	swait.ge [sflag:s10], $0x400  }
0xac: {  	[sflag:s10] =	ssyncset.done $0x0  }
0xad: {  	[sflag:s10] =	ssyncadd.s32 $0xFFFFFC00  }
0xae: {  	[bflag:$0x0] =	sbarrier.arrive $0xFFFF  }
0xaf: {  	s11 =	rddreg [dreg:$0x7]  }
0xb0: {  	s7 =	rddreg [dreg:$0x9]  }
0xb1: {  	s13 =	simm.s32 $0x20;
	s6 =	simm.s32 $0x10;
	s12 =	rddreg [dreg:$0xc]  }
0xb2: {  	[hbm:s7@s13], [sflag:s11] =	dma.strided [spmem:s12@s6], $0x310, s15, $0x10   }
0xb3: {  	s13 =	simm.s32 $0x5  }
0xb4: {  	_ =	swait.ge [sflag:s13], $0x310  }
0xb5: {  	s7 =	rddreg [dreg:$0xd]  }
0xb6: {  	s6 =	sadd.s32 $0x1, s7;
	s7 =	rddreg [dreg:$0xa]  }
0xb7: {  	p0 =	sne.s32 s6, s7  }
.Ltmp1:
0xb8: {  	_ = 	snop;
	(pc) =	sbr.rel @p0 .LBB2_1-.Ltmp1, $3  }
0xb9: {  	_ =	sdelay $0x1  }
0xba: {  	[sflag:s13] =	ssyncset.done $0x0  }
0xbb: {  	[sflag:s13] =	ssyncadd.s32 $0xFFFFFCF0  }
0xbc: {  	_ =	sfence.sel $0x180000  }
0xbd: {  	[bflag:$0x0] =	sbarrier.arrive $0xFFFF  }
0xbe: {  	_ =	strace $0x90000047  }
0xbf: {  	s0 =	stileid.u32;
	[bflag:$0x2] =	sbarrier.arrive $0xFFFF  }
0xc0: {  	p0 =	sne.s32 s0, $0x0;
	s0 =	rddreg [dreg:$0x3]  }
0xc1: {  	s0 =	sadd.s32 @!p0 $0x100000, s0  }
0xc2: {  	[sflag:s0] =	ssyncadd.tile.s32 @!p0 $0x1;
	_ =	shalt  }
.Lfunc_end2:
_tile_overlayer_lowered:
.L_overlay_start_2:
0xc3: {  	(tag) =	ssettag $0x2  }
0xc4: {  	s0 =	rddreg [dreg:$0x0];
	s2 =	stileid.u32  }
0xc5: {  	s1 =	rddreg [dreg:$0x1];
	p0 =	sne.s32 s2, $0x0  }
0xc6: {  	s3 =	rddreg [dreg:$0x2];
	[bflag:$0x3] =	sbarrier.arrive $0xFFFF;
	s2 =	simm.s32 @!p0 $0x1C05  }
0xc7: {  	[timem:s3], [sflag:s2] =	dma.local @!p0 [hbm:s0], s1  }
0xc8: {  	s0 =	simm.s32 @!p0 $0x5  }
0xc9: {  	_ =	swait.ge @!p0 [sflag:s0], s1  }
0xca: {  	s1 =	ssub.s32 @!p0 $0x0, s1;
	[sflag:s0] =	ssyncset.done @!p0 $0x0  }
0xcb: {  	[sflag:s0] =	ssyncadd.s32 @!p0 s1  }
0xcc: {  	[bflag:$0x3] =	sbarrier.arrive $0xFFFF  }
0xcd: {  	_ =	shalt  }

</sc_bundles>
